<compile_context>
chip_gen: v7x
topology: tpu7x:2x2x1
jax: 0.10.2.dev20260603
libtpu: 0.0.44.dev20260713+nightly
codegen_flags: <defaults>
</compile_context>

<pallas_src>
import dataclasses
import functools

import jax
import jax.numpy as jnp
from jax import lax
from jax.experimental import pallas as pl
from jax.experimental.pallas import tpu as pltpu
from jax.experimental.pallas import tpu_sc as plsc

N = 10000
E = 320000
D = 128

NC = 2
NS = 16
NW = NC * NS
EPW = E // NW
WIN = 80
NWIN = EPW // WIN
CAP = EPW + WIN + 16

PHN = 5000
ACCR = 5120
ART = ACCR // NS
NTRASH = ACCR - PHN

_SC_PARAMS = pltpu.CompilerParams()
if "needs_layout_passes" in pltpu.CompilerParams.__dataclass_fields__:
    _SC_PARAMS = dataclasses.replace(_SC_PARAMS, needs_layout_passes=False)

_MESH = plsc.VectorSubcoreMesh(core_axis_name="c", subcore_axis_name="s")


@functools.partial(
    pl.kernel,
    out_type=jax.ShapeDtypeStruct((2 * NW * N,), jnp.float32),
    mesh=_MESH,
    compiler_params=_SC_PARAMS,
    scratch_types=[
        pltpu.VMEM((EPW,), jnp.int32),
        pltpu.VMEM((EPW,), jnp.int32),
        pltpu.VMEM((N,), jnp.float32),
        pltpu.VMEM((N,), jnp.float32),
    ],
)
def _degrees(src_hbm, dst_hbm, out_hbm, src_all, dst_all, cnt_s, cnt_d):
    c = lax.axis_index("c")
    s = lax.axis_index("s")
    wid = c * NS + s
    pltpu.sync_copy(src_hbm.at[pl.ds(wid * EPW, EPW)], src_all)
    pltpu.sync_copy(dst_hbm.at[pl.ds(wid * EPW, EPW)], dst_all)

    zeros = jnp.zeros((16,), jnp.float32)

    @pl.loop(0, N, step=16)
    def _(i):
        cnt_s.at[pl.ds(i, 16)][...] = zeros
        cnt_d.at[pl.ds(i, 16)][...] = zeros

    ones = jnp.ones((16,), jnp.float32)

    @pl.loop(0, EPW, step=16)
    def _(i):
        sv = src_all.at[pl.ds(i, 16)][...]
        plsc.addupdate_scatter(cnt_s, [sv], ones)
        dv = dst_all.at[pl.ds(i, 16)][...]
        plsc.addupdate_scatter(cnt_d, [dv], ones)

    pltpu.sync_copy(cnt_s, out_hbm.at[pl.ds(wid * N, N)])
    pltpu.sync_copy(cnt_d, out_hbm.at[pl.ds((NW + wid) * N, N)])


@functools.partial(
    pl.kernel,
    out_type=jax.ShapeDtypeStruct((NC, 2, ACCR, D), jnp.float32),
    mesh=_MESH,
    compiler_params=_SC_PARAMS,
    scratch_types=[
        pltpu.VMEM((EPW,), jnp.int32),
        pltpu.VMEM((EPW,), jnp.int32),
        pltpu.VMEM((CAP,), jnp.int32),
        pltpu.VMEM((CAP,), jnp.int32),
        pltpu.VMEM((CAP,), jnp.int32),
        pltpu.VMEM((CAP,), jnp.int32),
        pltpu.VMEM((WIN,), jnp.int32),
        pltpu.VMEM((WIN,), jnp.int32),
        pltpu.VMEM((WIN, D), jnp.float32),
        pltpu.VMEM((64, D), jnp.float32),
        pltpu.VMEM((64, D), jnp.float32),
        pltpu.VMEM_SHARED((ACCR, D), jnp.float32),
        pltpu.SMEM((2,), jnp.int32),
        pltpu.SemaphoreType.DMA,
    ],
)
def _aggregate(src_hbm, dst_hbm, xs_hbm, out_hbm, src_all, dst_all,
               sl0, dl0, sl1, dl1, swin, dwin, rows_v, zbuf, wbuf, acc, off, sem):
    c = lax.axis_index("c")
    s = lax.axis_index("s")
    wid = c * NS + s
    pltpu.sync_copy(src_hbm.at[pl.ds(wid * EPW, EPW)], src_all)
    pltpu.sync_copy(dst_hbm.at[pl.ds(wid * EPW, EPW)], dst_all)

    @pl.loop(0, 64)
    def _(r):
        for cc in range(0, D, 16):
            zbuf.at[r, pl.ds(cc, 16)][...] = jnp.zeros((16,), jnp.float32)

    off[0] = 0
    off[1] = 0

    @pl.loop(0, EPW, step=16)
    def _(i):
        dv = dst_all.at[pl.ds(i, 16)][...]
        sv = src_all.at[pl.ds(i, 16)][...]
        m0 = dv < PHN
        n0 = off[0]
        plsc.store_compressed(dl0.at[pl.ds(n0, 16)], dv, mask=m0)
        plsc.store_compressed(sl0.at[pl.ds(n0, 16)], sv, mask=m0)
        off[0] = n0 + jnp.sum(m0.astype(jnp.int32))
        m1 = dv >= PHN
        n1 = off[1]
        plsc.store_compressed(dl1.at[pl.ds(n1, 16)], dv - PHN, mask=m1)
        plsc.store_compressed(sl1.at[pl.ds(n1, 16)], sv, mask=m1)
        off[1] = n1 + jnp.sum(m1.astype(jnp.int32))

    lane = lax.iota(jnp.int32, 16)
    full = lane >= 0
    trash_dst = PHN + ((wid * 16 + lane) % NTRASH)
    trash_src = (wid * 313 + lane * 41) % N
    for p, (slp, dlp) in enumerate(((sl0, dl0), (sl1, dl1))):
        n = off[p]

        @pl.loop(0, WIN + 16, step=16)
        def _(j):
            plsc.store_compressed(dlp.at[pl.ds(n + j, 16)], trash_dst, mask=full)
            plsc.store_compressed(slp.at[pl.ds(n + j, 16)], trash_src, mask=full)

    for p, (slp, dlp) in enumerate(((sl0, dl0), (sl1, dl1))):
        @pl.loop(0, ART, step=64)
        def _(r0):
            pltpu.sync_copy(zbuf, acc.at[pl.ds(s * ART + r0, 64)])

        plsc.subcore_barrier()

        nwin = (off[p] + WIN - 1) // WIN

        @pl.loop(0, nwin)
        def _(w):
            for v in range(0, WIN, 16):
                swin.at[pl.ds(v, 16)][...] = slp.at[pl.ds(w * WIN + v, 16)][...]
                dwin.at[pl.ds(v, 16)][...] = dlp.at[pl.ds(w * WIN + v, 16)][...]
            pltpu.async_copy(xs_hbm.at[swin], rows_v, sem).wait()
            pltpu.sync_copy(rows_v, acc.at[dwin], add=True)

        plsc.subcore_barrier()

        @pl.loop(0, ART, step=64)
        def _(r0):
            row = s * ART + r0
            pltpu.sync_copy(acc.at[pl.ds(row, 64)], wbuf)
            pltpu.sync_copy(wbuf, out_hbm.at[c, p, pl.ds(row, 64)])

        plsc.subcore_barrier()


BN = 2000
BN2 = 1000


def _prescale_body(x_ref, dop, dip, xs_ref, ns_ref, nd_ref):
    dout = jnp.sum(dop[...], axis=1, keepdims=True)
    din = jnp.sum(dip[...], axis=1, keepdims=True)
    ns = lax.rsqrt(jnp.maximum(dout, 1.0))
    nd = lax.rsqrt(jnp.maximum(din, 1.0))
    xs_ref[...] = x_ref[...] * ns
    ns_ref[...] = ns
    nd_ref[...] = nd


def _prescale(x, dop_t, dip_t):
    part = pl.BlockSpec((BN, NW), lambda i: (i, 0))
    col = pl.BlockSpec((BN, 1), lambda i: (i, 0))
    mat = pl.BlockSpec((BN, D), lambda i: (i, 0))
    return pl.pallas_call(
        _prescale_body,
        grid=(N // BN,),
        in_specs=[mat, part, part],
        out_specs=[mat, col, col],
        out_shape=[
            jax.ShapeDtypeStruct((N, D), jnp.float32),
            jax.ShapeDtypeStruct((N, 1), jnp.float32),
            jax.ShapeDtypeStruct((N, 1), jnp.float32),
        ],
    )(x, dop_t, dip_t)


def _layer_body(m0, m1, nd, ns, w_ref, b_ref, out_ref, *, relu_scale):
    m = (m0[0] + m1[0]) * nd[...]
    y = jnp.dot(m, w_ref[...], precision=lax.Precision.HIGHEST,
                preferred_element_type=jnp.float32) + b_ref[...]
    if relu_scale:
        y = jnp.maximum(y, 0.0) * ns[...]
    out_ref[...] = y


def _layer(m0, m1, nd, ns, w, b, relu_scale):
    part = pl.BlockSpec((1, BN2, D), lambda p, i: (p, i, 0))
    col = pl.BlockSpec((BN2, 1), lambda p, i: (p * (PHN // BN2) + i, 0))
    return pl.pallas_call(
        functools.partial(_layer_body, relu_scale=relu_scale),
        grid=(2, PHN // BN2),
        in_specs=[part, part, col, col,
                  pl.BlockSpec((D, D), lambda p, i: (0, 0)),
                  pl.BlockSpec((1, D), lambda p, i: (0, 0))],
        out_specs=pl.BlockSpec((BN2, D), lambda p, i: (p * (PHN // BN2) + i, 0)),
        out_shape=jax.ShapeDtypeStruct((N, D), jnp.float32),
    )(m0, m1, nd, ns, w, b)


def kernel(x, edge_index, W1, b1, W2, b2):
    src = edge_index[0]
    dst = edge_index[1]

    degs = _degrees(src, dst).reshape(2, NW, N)
    dop_t = jnp.transpose(degs[0])
    dip_t = jnp.transpose(degs[1])

    xs, ns, nd = _prescale(x, dop_t, dip_t)

    agg = _aggregate(src, dst, xs)
    hs = _layer(agg[0], agg[1], nd, ns, W1, b1.reshape(1, D), True)

    agg = _aggregate(src, dst, hs)
    out = _layer(agg[0], agg[1], nd, ns, W2, b2.reshape(1, D), False)
    return out

# --- scband reference (transcript-rebuilt; emitter-appended) ---
"""Pipeline reference for scband-gcn-3908420240152 (READ-ONLY COPY).

The authoritative reference and input builder live on the scoring server;
editing this copy changes nothing except your own understanding.
"""

import jax, jax.numpy as jnp
import numpy as np

N = 10000
E = 320000
D = 128


def setup_inputs(seed: int = 0) -> dict:
    key = jax.random.key(seed)
    k1, k2, k3, k4, k5, k6 = jax.random.split(key, 6)
    x = jax.random.normal(k1, (N, D), dtype=jnp.float32)
    edge_index = jax.random.randint(k2, (2, E), 0, N, dtype=jnp.int32)
    # GraphConv layer 1: in_dim=128 -> hid_dim=128
    W1 = jax.random.normal(k3, (D, D), dtype=jnp.float32) * (1.0 / np.sqrt(D))
    b1 = jnp.zeros((D,), dtype=jnp.float32)
    # GraphConv layer 2: hid_dim=128 -> out_dim=128
    W2 = jax.random.normal(k4, (D, D), dtype=jnp.float32) * (1.0 / np.sqrt(D))
    b2 = jnp.zeros((D,), dtype=jnp.float32)
    return {"x": x, "edge_index": edge_index, "W1": W1, "b1": b1, "W2": W2, "b2": b2}


def _graph_conv_both(h, W, b, src, dst, norm_src, norm_dst, n_nodes):
    # DGL GraphConv with norm='both': D_out^{-1/2} A D_in^{-1/2} H W + b
    h = h * norm_src[:, None]
    m = jax.ops.segment_sum(h[src], dst, num_segments=n_nodes)
    m = m * norm_dst[:, None]
    return m @ W + b


def reference(x, edge_index, W1, b1, W2, b2):
    src = edge_index[0]
    dst = edge_index[1]
    ones = jnp.ones((src.shape[0],), dtype=jnp.float32)
    deg_out = jnp.clip(jax.ops.segment_sum(ones, src, num_segments=N), 1.0, None)
    deg_in = jnp.clip(jax.ops.segment_sum(ones, dst, num_segments=N), 1.0, None)
    norm_src = deg_out ** -0.5
    norm_dst = deg_in ** -0.5
    # layer 1 + ReLU (use_ln=False so no BatchNorm applied)
    h = _graph_conv_both(x, W1, b1, src, dst, norm_src, norm_dst, N)
    h = jax.nn.relu(h)
    # final layer, no activation
    out = _graph_conv_both(h, W2, b2, src, dst, norm_src, norm_dst, N)
    return out

if __name__ == "__main__":
    import jax
    _d = setup_inputs()
    print(jax.jit(kernel)(*tuple(_d.values())))

</pallas_src>

<mosaic_0001>
#map = affine_map<(d0, d1) -> (0)>
module attributes {stable_mosaic.version = 14 : i64} {
  func.func @_degrees(%arg0: i32, %arg1: i32, %arg2: memref<320000xi32, #tpu.memory_space<hbm>>, %arg3: memref<320000xi32, #tpu.memory_space<hbm>>, %arg4: memref<640000xf32, #tpu.memory_space<hbm>>, %arg5: memref<10000xi32, #tpu.memory_space<vmem>>, %arg6: memref<10000xi32, #tpu.memory_space<vmem>>, %arg7: memref<10000xf32, #tpu.memory_space<vmem>>, %arg8: memref<10000xf32, #tpu.memory_space<vmem>>) attributes {dimension_semantics = [#tpu.dimension_semantics<core_parallel>, #tpu.dimension_semantics<subcore_parallel>], iteration_bounds = array<i64: 2, 16>, scalar_prefetch = 0 : i64, scratch_operands = 4 : i64, tpu.core_type = #tpu.core_type<sc_vector_subcore>, window_params = [{transform_indices = #map}, {transform_indices = #map}, {transform_indices = #map}]} {
    %mul3A = arith.constant 16 : i32
    %mul3A_0 = arith.muli %arg0, %mul3A : i32
    %add3A = arith.addi %mul3A_0, %arg1 : i32
    %mul3A_1 = arith.constant 10000 : i32
    %mul3A_2 = arith.muli %add3A, %mul3A_1 : i32
    "tpu.region"() ({
      %run_scoped3A = tpu.sem_alloc : memref<!tpu.dma_semaphore, #tpu.memory_space<semaphore_mem>>
      %dma_start3A = tpu.memref_slice %arg2[%mul3A_2] : memref<320000xi32, #tpu.memory_space<hbm>> -> memref<10000xi32, #tpu.memory_space<hbm>>
      %dma_start3A_23 = tpu.memref_slice %arg2[%mul3A_2] : memref<320000xi32, #tpu.memory_space<hbm>> -> memref<10000xi32, #tpu.memory_space<hbm>>
      tpu.enqueue_dma source(%dma_start3A_23 : memref<10000xi32, #tpu.memory_space<hbm>>) target(%arg5 : memref<10000xi32, #tpu.memory_space<vmem>>) target_semaphore(%run_scoped3A : memref<!tpu.dma_semaphore, #tpu.memory_space<semaphore_mem>>)
      %dma_wait3A = tpu.memref_slice %arg2[%mul3A_2] : memref<320000xi32, #tpu.memory_space<hbm>> -> memref<10000xi32, #tpu.memory_space<hbm>>
      %dma_wait3A_24 = tpu.memref_slice %arg2[%mul3A_2] : memref<320000xi32, #tpu.memory_space<hbm>> -> memref<10000xi32, #tpu.memory_space<hbm>>
      tpu.wait_dma2 semaphore(%run_scoped3A : memref<!tpu.dma_semaphore, #tpu.memory_space<semaphore_mem>>) src(%dma_wait3A_24 : memref<10000xi32, #tpu.memory_space<hbm>>) dst(%arg5 : memref<10000xi32, #tpu.memory_space<vmem>>)
      tpu.yield
    }) : () -> ()
    %mul3A_3 = arith.constant 10000 : i32
    %mul3A_4 = arith.muli %add3A, %mul3A_3 : i32
    "tpu.region"() ({
      %run_scoped3A = tpu.sem_alloc : memref<!tpu.dma_semaphore, #tpu.memory_space<semaphore_mem>>
      %dma_start3A = tpu.memref_slice %arg3[%mul3A_4] : memref<320000xi32, #tpu.memory_space<hbm>> -> memref<10000xi32, #tpu.memory_space<hbm>>
      %dma_start3A_23 = tpu.memref_slice %arg3[%mul3A_4] : memref<320000xi32, #tpu.memory_space<hbm>> -> memref<10000xi32, #tpu.memory_space<hbm>>
      tpu.enqueue_dma source(%dma_start3A_23 : memref<10000xi32, #tpu.memory_space<hbm>>) target(%arg6 : memref<10000xi32, #tpu.memory_space<vmem>>) target_semaphore(%run_scoped3A : memref<!tpu.dma_semaphore, #tpu.memory_space<semaphore_mem>>)
      %dma_wait3A = tpu.memref_slice %arg3[%mul3A_4] : memref<320000xi32, #tpu.memory_space<hbm>> -> memref<10000xi32, #tpu.memory_space<hbm>>
      %dma_wait3A_24 = tpu.memref_slice %arg3[%mul3A_4] : memref<320000xi32, #tpu.memory_space<hbm>> -> memref<10000xi32, #tpu.memory_space<hbm>>
      tpu.wait_dma2 semaphore(%run_scoped3A : memref<!tpu.dma_semaphore, #tpu.memory_space<semaphore_mem>>) src(%dma_wait3A_24 : memref<10000xi32, #tpu.memory_space<hbm>>) dst(%arg6 : memref<10000xi32, #tpu.memory_space<vmem>>)
      tpu.yield
    }) : () -> ()
    %broadcast_in_dim3A = arith.constant 0.000000e+00 : f32
    %broadcast_in_dim3A_5 = vector.broadcast %broadcast_in_dim3A : f32 to vector<16xf32>
    %scan3A = arith.constant 0 : i32
    %scan3A_6 = arith.constant 625 : i32
    %scan3A_7 = arith.addi %scan3A, %scan3A_6 : i32
    %scan3A_8 = arith.constant 1 : i32
    scf.for %scan3A_23 = %scan3A to %scan3A_7 step %scan3A_8  : i32 {
      %mul3A_24 = arith.constant 16 : i32
      %mul3A_25 = arith.muli %scan3A_23, %mul3A_24 : i32
      %add3A_26 = arith.constant 0 : i32
      %add3A_27 = arith.addi %add3A_26, %mul3A_25 : i32
      %swap3A = arith.index_cast %add3A_27 : i32 to index
      %swap3A_28 = tpu.vector_load %arg7[%swap3A] {strides = array<i32>} : memref<10000xf32, #tpu.memory_space<vmem>>, vector<16xf32>,
      tpu.vector_store %arg7[%swap3A], %broadcast_in_dim3A_5 {strides = array<i32>} : memref<10000xf32, #tpu.memory_space<vmem>>, vector<16xf32>,
      %swap3A_29 = arith.index_cast %add3A_27 : i32 to index
      %swap3A_30 = tpu.vector_load %arg8[%swap3A_29] {strides = array<i32>} : memref<10000xf32, #tpu.memory_space<vmem>>, vector<16xf32>,
      tpu.vector_store %arg8[%swap3A_29], %broadcast_in_dim3A_5 {strides = array<i32>} : memref<10000xf32, #tpu.memory_space<vmem>>, vector<16xf32>,
    }
    %scan3A_9 = arith.constant 625 : i32
    %broadcast_in_dim3A_10 = arith.constant 1.000000e+00 : f32
    %broadcast_in_dim3A_11 = vector.broadcast %broadcast_in_dim3A_10 : f32 to vector<16xf32>
    %scan3A_12 = arith.constant 0 : i32
    %scan3A_13 = arith.constant 625 : i32
    %scan3A_14 = arith.addi %scan3A_12, %scan3A_13 : i32
    %scan3A_15 = arith.constant 1 : i32
    scf.for %scan3A_23 = %scan3A_12 to %scan3A_14 step %scan3A_15  : i32 {
      %mul3A_24 = arith.constant 16 : i32
      %mul3A_25 = arith.muli %scan3A_23, %mul3A_24 : i32
      %add3A_26 = arith.constant 0 : i32
      %add3A_27 = arith.addi %add3A_26, %mul3A_25 : i32
      %get3A = arith.index_cast %add3A_27 : i32 to index
      %get3A_28 = tpu.vector_load %arg5[%get3A] {strides = array<i32>} : memref<10000xi32, #tpu.memory_space<vmem>>, vector<16xi32>,
      tpu.vector_store_idx %arg7[%get3A_28], %broadcast_in_dim3A_11 {add = true} : memref<10000xf32, #tpu.memory_space<vmem>>[vector<16xi32>], vector<16xf32>,
      %get3A_29 = arith.index_cast %add3A_27 : i32 to index
      %get3A_30 = tpu.vector_load %arg6[%get3A_29] {strides = array<i32>} : memref<10000xi32, #tpu.memory_space<vmem>>, vector<16xi32>,
      tpu.vector_store_idx %arg8[%get3A_30], %broadcast_in_dim3A_11 {add = true} : memref<10000xf32, #tpu.memory_space<vmem>>[vector<16xi32>], vector<16xf32>,
    }
    %scan3A_16 = arith.constant 625 : i32
    %mul3A_17 = arith.constant 10000 : i32
    %mul3A_18 = arith.muli %add3A, %mul3A_17 : i32
    "tpu.region"() ({
      %run_scoped3A = tpu.sem_alloc : memref<!tpu.dma_semaphore, #tpu.memory_space<semaphore_mem>>
      %dma_start3A = tpu.memref_slice %arg4[%mul3A_18] : memref<640000xf32, #tpu.memory_space<hbm>> -> memref<10000xf32, #tpu.memory_space<hbm>>
      %dma_start3A_23 = tpu.memref_slice %arg4[%mul3A_18] : memref<640000xf32, #tpu.memory_space<hbm>> -> memref<10000xf32, #tpu.memory_space<hbm>>
      tpu.enqueue_dma source(%arg7 : memref<10000xf32, #tpu.memory_space<vmem>>) target(%dma_start3A_23 : memref<10000xf32, #tpu.memory_space<hbm>>) target_semaphore(%run_scoped3A : memref<!tpu.dma_semaphore, #tpu.memory_space<semaphore_mem>>)
      %dma_wait3A = tpu.memref_slice %arg4[%mul3A_18] : memref<640000xf32, #tpu.memory_space<hbm>> -> memref<10000xf32, #tpu.memory_space<hbm>>
      %dma_wait3A_24 = tpu.memref_slice %arg4[%mul3A_18] : memref<640000xf32, #tpu.memory_space<hbm>> -> memref<10000xf32, #tpu.memory_space<hbm>>
      tpu.wait_dma2 semaphore(%run_scoped3A : memref<!tpu.dma_semaphore, #tpu.memory_space<semaphore_mem>>) src(%arg7 : memref<10000xf32, #tpu.memory_space<vmem>>) dst(%dma_wait3A_24 : memref<10000xf32, #tpu.memory_space<hbm>>)
      tpu.yield
    }) : () -> ()
    %add3A_19 = arith.constant 32 : i32
    %add3A_20 = arith.addi %add3A_19, %add3A : i32
    %mul3A_21 = arith.constant 10000 : i32
    %mul3A_22 = arith.muli %add3A_20, %mul3A_21 : i32
    "tpu.region"() ({
      %run_scoped3A = tpu.sem_alloc : memref<!tpu.dma_semaphore, #tpu.memory_space<semaphore_mem>>
      %dma_start3A = tpu.memref_slice %arg4[%mul3A_22] : memref<640000xf32, #tpu.memory_space<hbm>> -> memref<10000xf32, #tpu.memory_space<hbm>>
      %dma_start3A_23 = tpu.memref_slice %arg4[%mul3A_22] : memref<640000xf32, #tpu.memory_space<hbm>> -> memref<10000xf32, #tpu.memory_space<hbm>>
      tpu.enqueue_dma source(%arg8 : memref<10000xf32, #tpu.memory_space<vmem>>) target(%dma_start3A_23 : memref<10000xf32, #tpu.memory_space<hbm>>) target_semaphore(%run_scoped3A : memref<!tpu.dma_semaphore, #tpu.memory_space<semaphore_mem>>)
      %dma_wait3A = tpu.memref_slice %arg4[%mul3A_22] : memref<640000xf32, #tpu.memory_space<hbm>> -> memref<10000xf32, #tpu.memory_space<hbm>>
      %dma_wait3A_24 = tpu.memref_slice %arg4[%mul3A_22] : memref<640000xf32, #tpu.memory_space<hbm>> -> memref<10000xf32, #tpu.memory_space<hbm>>
      tpu.wait_dma2 semaphore(%run_scoped3A : memref<!tpu.dma_semaphore, #tpu.memory_space<semaphore_mem>>) src(%arg8 : memref<10000xf32, #tpu.memory_space<vmem>>) dst(%dma_wait3A_24 : memref<10000xf32, #tpu.memory_space<hbm>>)
      tpu.yield
    }) : () -> ()
    return
  }
}

#map = affine_map<(d0, d1) -> (0)>
#map1 = affine_map<(d0, d1) -> (0, 0)>
#map2 = affine_map<(d0, d1) -> (0, 0, 0, 0)>
module attributes {stable_mosaic.version = 14 : i64} {
  func.func @_aggregate(%arg0: i32, %arg1: i32, %arg2: memref<320000xi32, #tpu.memory_space<hbm>>, %arg3: memref<320000xi32, #tpu.memory_space<hbm>>, %arg4: memref<10000x128xf32, #tpu.memory_space<hbm>>, %arg5: memref<2x2x5120x128xf32, #tpu.memory_space<hbm>>, %arg6: memref<10000xi32, #tpu.memory_space<vmem>>, %arg7: memref<10000xi32, #tpu.memory_space<vmem>>, %arg8: memref<10096xi32, #tpu.memory_space<vmem>>, %arg9: memref<10096xi32, #tpu.memory_space<vmem>>, %arg10: memref<10096xi32, #tpu.memory_space<vmem>>, %arg11: memref<10096xi32, #tpu.memory_space<vmem>>, %arg12: memref<80xi32, #tpu.memory_space<vmem>>, %arg13: memref<80xi32, #tpu.memory_space<vmem>>, %arg14: memref<80x128xf32, #tpu.memory_space<vmem>>, %arg15: memref<64x128xf32, #tpu.memory_space<vmem>>, %arg16: memref<64x128xf32, #tpu.memory_space<vmem>>, %arg17: memref<5120x128xf32, #tpu.memory_space<vmem_shared>>, %arg18: memref<2xi32, #tpu.memory_space<smem>>, %arg19: memref<!tpu.dma_semaphore, #tpu.memory_space<semaphore_mem>>) attributes {dimension_semantics = [#tpu.dimension_semantics<core_parallel>, #tpu.dimension_semantics<subcore_parallel>], iteration_bounds = array<i64: 2, 16>, scalar_prefetch = 0 : i64, scratch_operands = 14 : i64, tpu.core_type = #tpu.core_type<sc_vector_subcore>, window_params = [{transform_indices = #map}, {transform_indices = #map}, {transform_indices = #map1}, {transform_indices = #map2}]} {
    %mul3A = arith.constant 16 : i32
    %mul3A_0 = arith.muli %arg0, %mul3A : i32
    %add3A = arith.addi %mul3A_0, %arg1 : i32
    %mul3A_1 = arith.constant 10000 : i32
    %mul3A_2 = arith.muli %add3A, %mul3A_1 : i32
    "tpu.region"() ({
      %run_scoped3A = tpu.sem_alloc : memref<!tpu.dma_semaphore, #tpu.memory_space<semaphore_mem>>
      %dma_start3A = tpu.memref_slice %arg2[%mul3A_2] : memref<320000xi32, #tpu.memory_space<hbm>> -> memref<10000xi32, #tpu.memory_space<hbm>>
      %dma_start3A_210 = tpu.memref_slice %arg2[%mul3A_2] : memref<320000xi32, #tpu.memory_space<hbm>> -> memref<10000xi32, #tpu.memory_space<hbm>>
      tpu.enqueue_dma source(%dma_start3A_210 : memref<10000xi32, #tpu.memory_space<hbm>>) target(%arg6 : memref<10000xi32, #tpu.memory_space<vmem>>) target_semaphore(%run_scoped3A : memref<!tpu.dma_semaphore, #tpu.memory_space<semaphore_mem>>)
      %dma_wait3A = tpu.memref_slice %arg2[%mul3A_2] : memref<320000xi32, #tpu.memory_space<hbm>> -> memref<10000xi32, #tpu.memory_space<hbm>>
      %dma_wait3A_211 = tpu.memref_slice %arg2[%mul3A_2] : memref<320000xi32, #tpu.memory_space<hbm>> -> memref<10000xi32, #tpu.memory_space<hbm>>
      tpu.wait_dma2 semaphore(%run_scoped3A : memref<!tpu.dma_semaphore, #tpu.memory_space<semaphore_mem>>) src(%dma_wait3A_211 : memref<10000xi32, #tpu.memory_space<hbm>>) dst(%arg6 : memref<10000xi32, #tpu.memory_space<vmem>>)
      tpu.yield
    }) : () -> ()
    %mul3A_3 = arith.constant 10000 : i32
    %mul3A_4 = arith.muli %add3A, %mul3A_3 : i32
    "tpu.region"() ({
      %run_scoped3A = tpu.sem_alloc : memref<!tpu.dma_semaphore, #tpu.memory_space<semaphore_mem>>
      %dma_start3A = tpu.memref_slice %arg3[%mul3A_4] : memref<320000xi32, #tpu.memory_space<hbm>> -> memref<10000xi32, #tpu.memory_space<hbm>>
      %dma_start3A_210 = tpu.memref_slice %arg3[%mul3A_4] : memref<320000xi32, #tpu.memory_space<hbm>> -> memref<10000xi32, #tpu.memory_space<hbm>>
      tpu.enqueue_dma source(%dma_start3A_210 : memref<10000xi32, #tpu.memory_space<hbm>>) target(%arg7 : memref<10000xi32, #tpu.memory_space<vmem>>) target_semaphore(%run_scoped3A : memref<!tpu.dma_semaphore, #tpu.memory_space<semaphore_mem>>)
      %dma_wait3A = tpu.memref_slice %arg3[%mul3A_4] : memref<320000xi32, #tpu.memory_space<hbm>> -> memref<10000xi32, #tpu.memory_space<hbm>>
      %dma_wait3A_211 = tpu.memref_slice %arg3[%mul3A_4] : memref<320000xi32, #tpu.memory_space<hbm>> -> memref<10000xi32, #tpu.memory_space<hbm>>
      tpu.wait_dma2 semaphore(%run_scoped3A : memref<!tpu.dma_semaphore, #tpu.memory_space<semaphore_mem>>) src(%dma_wait3A_211 : memref<10000xi32, #tpu.memory_space<hbm>>) dst(%arg7 : memref<10000xi32, #tpu.memory_space<vmem>>)
      tpu.yield
    }) : () -> ()
    %scan3A = arith.constant 0 : i32
    %scan3A_5 = arith.constant 64 : i32
    %scan3A_6 = arith.addi %scan3A, %scan3A_5 : i32
    %scan3A_7 = arith.constant 1 : i32
    scf.for %scan3A_210 = %scan3A to %scan3A_6 step %scan3A_7  : i32 {
      %mul3A_211 = arith.constant 1 : i32
      %mul3A_212 = arith.muli %scan3A_210, %mul3A_211 : i32
      %add3A_213 = arith.constant 0 : i32
      %add3A_214 = arith.addi %add3A_213, %mul3A_212 : i32
      %broadcast_in_dim3A = arith.constant 0.000000e+00 : f32
      %broadcast_in_dim3A_215 = vector.broadcast %broadcast_in_dim3A : f32 to vector<16xf32>
      %swap3A_216 = arith.index_cast %add3A_214 : i32 to index
      %swap3A_217 = arith.constant 0 : index
      %swap3A_218 = tpu.vector_load %arg15[%swap3A_216, %swap3A_217] {strides = array<i32>} : memref<64x128xf32, #tpu.memory_space<vmem>>, vector<16xf32>,
      tpu.vector_store %arg15[%swap3A_216, %swap3A_217], %broadcast_in_dim3A_215 {strides = array<i32>} : memref<64x128xf32, #tpu.memory_space<vmem>>, vector<16xf32>,
      %broadcast_in_dim3A_219 = arith.constant 0.000000e+00 : f32
      %broadcast_in_dim3A_220 = vector.broadcast %broadcast_in_dim3A_219 : f32 to vector<16xf32>
      %swap3A_221 = arith.index_cast %add3A_214 : i32 to index
      %swap3A_222 = arith.constant 16 : index
      %swap3A_223 = tpu.vector_load %arg15[%swap3A_221, %swap3A_222] {strides = array<i32>} : memref<64x128xf32, #tpu.memory_space<vmem>>, vector<16xf32>,
      tpu.vector_store %arg15[%swap3A_221, %swap3A_222], %broadcast_in_dim3A_220 {strides = array<i32>} : memref<64x128xf32, #tpu.memory_space<vmem>>, vector<16xf32>,
      %broadcast_in_dim3A_224 = arith.constant 0.000000e+00 : f32
      %broadcast_in_dim3A_225 = vector.broadcast %broadcast_in_dim3A_224 : f32 to vector<16xf32>
      %swap3A_226 = arith.index_cast %add3A_214 : i32 to index
      %swap3A_227 = arith.constant 32 : index
      %swap3A_228 = tpu.vector_load %arg15[%swap3A_226, %swap3A_227] {strides = array<i32>} : memref<64x128xf32, #tpu.memory_space<vmem>>, vector<16xf32>,
      tpu.vector_store %arg15[%swap3A_226, %swap3A_227], %broadcast_in_dim3A_225 {strides = array<i32>} : memref<64x128xf32, #tpu.memory_space<vmem>>, vector<16xf32>,
      %broadcast_in_dim3A_229 = arith.constant 0.000000e+00 : f32
      %broadcast_in_dim3A_230 = vector.broadcast %broadcast_in_dim3A_229 : f32 to vector<16xf32>
      %swap3A_231 = arith.index_cast %add3A_214 : i32 to index
      %swap3A_232 = arith.constant 48 : index
      %swap3A_233 = tpu.vector_load %arg15[%swap3A_231, %swap3A_232] {strides = array<i32>} : memref<64x128xf32, #tpu.memory_space<vmem>>, vector<16xf32>,
      tpu.vector_store %arg15[%swap3A_231, %swap3A_232], %broadcast_in_dim3A_230 {strides = array<i32>} : memref<64x128xf32, #tpu.memory_space<vmem>>, vector<16xf32>,
      %broadcast_in_dim3A_234 = arith.constant 0.000000e+00 : f32
      %broadcast_in_dim3A_235 = vector.broadcast %broadcast_in_dim3A_234 : f32 to vector<16xf32>
      %swap3A_236 = arith.index_cast %add3A_214 : i32 to index
      %swap3A_237 = arith.constant 64 : index
      %swap3A_238 = tpu.vector_load %arg15[%swap3A_236, %swap3A_237] {strides = array<i32>} : memref<64x128xf32, #tpu.memory_space<vmem>>, vector<16xf32>,
      tpu.vector_store %arg15[%swap3A_236, %swap3A_237], %broadcast_in_dim3A_235 {strides = array<i32>} : memref<64x128xf32, #tpu.memory_space<vmem>>, vector<16xf32>,
      %broadcast_in_dim3A_239 = arith.constant 0.000000e+00 : f32
      %broadcast_in_dim3A_240 = vector.broadcast %broadcast_in_dim3A_239 : f32 to vector<16xf32>
      %swap3A_241 = arith.index_cast %add3A_214 : i32 to index
      %swap3A_242 = arith.constant 80 : index
      %swap3A_243 = tpu.vector_load %arg15[%swap3A_241, %swap3A_242] {strides = array<i32>} : memref<64x128xf32, #tpu.memory_space<vmem>>, vector<16xf32>,
      tpu.vector_store %arg15[%swap3A_241, %swap3A_242], %broadcast_in_dim3A_240 {strides = array<i32>} : memref<64x128xf32, #tpu.memory_space<vmem>>, vector<16xf32>,
      %broadcast_in_dim3A_244 = arith.constant 0.000000e+00 : f32
      %broadcast_in_dim3A_245 = vector.broadcast %broadcast_in_dim3A_244 : f32 to vector<16xf32>
      %swap3A_246 = arith.index_cast %add3A_214 : i32 to index
      %swap3A_247 = arith.constant 96 : index
      %swap3A_248 = tpu.vector_load %arg15[%swap3A_246, %swap3A_247] {strides = array<i32>} : memref<64x128xf32, #tpu.memory_space<vmem>>, vector<16xf32>,
      tpu.vector_store %arg15[%swap3A_246, %swap3A_247], %broadcast_in_dim3A_245 {strides = array<i32>} : memref<64x128xf32, #tpu.memory_space<vmem>>, vector<16xf32>,
      %broadcast_in_dim3A_249 = arith.constant 0.000000e+00 : f32
      %broadcast_in_dim3A_250 = vector.broadcast %broadcast_in_dim3A_249 : f32 to vector<16xf32>
      %swap3A_251 = arith.index_cast %add3A_214 : i32 to index
      %swap3A_252 = arith.constant 112 : index
      %swap3A_253 = tpu.vector_load %arg15[%swap3A_251, %swap3A_252] {strides = array<i32>} : memref<64x128xf32, #tpu.memory_space<vmem>>, vector<16xf32>,
      tpu.vector_store %arg15[%swap3A_251, %swap3A_252], %broadcast_in_dim3A_250 {strides = array<i32>} : memref<64x128xf32, #tpu.memory_space<vmem>>, vector<16xf32>,
    }
    %scan3A_8 = arith.constant 64 : i32
    %swap3A = arith.constant 0 : i32
    %swap3A_9 = arith.constant 0 : i32
    %swap3A_10 = arith.index_cast %swap3A_9 : i32 to index
    %swap3A_11 = memref.load %arg18[%swap3A_10] : memref<2xi32, #tpu.memory_space<smem>>
    memref.store %swap3A, %arg18[%swap3A_10] : memref<2xi32, #tpu.memory_space<smem>>
    %swap3A_12 = arith.constant 0 : i32
    %swap3A_13 = arith.constant 1 : i32
    %swap3A_14 = arith.index_cast %swap3A_13 : i32 to index
    %swap3A_15 = memref.load %arg18[%swap3A_14] : memref<2xi32, #tpu.memory_space<smem>>
    memref.store %swap3A_12, %arg18[%swap3A_14] : memref<2xi32, #tpu.memory_space<smem>>
    %scan3A_16 = arith.constant 0 : i32
    %scan3A_17 = arith.constant 625 : i32
    %scan3A_18 = arith.addi %scan3A_16, %scan3A_17 : i32
    %scan3A_19 = arith.constant 1 : i32
    scf.for %scan3A_210 = %scan3A_16 to %scan3A_18 step %scan3A_19  : i32 {
      %mul3A_211 = arith.constant 16 : i32
      %mul3A_212 = arith.muli %scan3A_210, %mul3A_211 : i32
      %add3A_213 = arith.constant 0 : i32
      %add3A_214 = arith.addi %add3A_213, %mul3A_212 : i32
      %get3A_215 = arith.index_cast %add3A_214 : i32 to index
      %get3A_216 = tpu.vector_load %arg7[%get3A_215] {strides = array<i32>} : memref<10000xi32, #tpu.memory_space<vmem>>, vector<16xi32>,
      %get3A_217 = arith.index_cast %add3A_214 : i32 to index
      %get3A_218 = tpu.vector_load %arg6[%get3A_217] {strides = array<i32>} : memref<10000xi32, #tpu.memory_space<vmem>>, vector<16xi32>,
      %lt3A_219 = arith.constant 5000 : i32
      %lt3A_220 = vector.broadcast %lt3A_219 : i32 to vector<16xi32>
      %lt3A_221 = arith.cmpi slt, %get3A_216, %lt3A_220 : vector<16xi32>
      %get3A_222 = arith.constant 0 : i32
      %get3A_223 = arith.index_cast %get3A_222 : i32 to index
      %get3A_224 = memref.load %arg18[%get3A_223] : memref<2xi32, #tpu.memory_space<smem>>
      %swap3A_225 = arith.index_cast %get3A_224 : i32 to index
      %swap3A_226 = tpu.vector_load %arg9[%swap3A_225] masked %lt3A_221 {strides = array<i32>} : memref<10096xi32, #tpu.memory_space<vmem>>, vector<16xi32>, vector<16xi1>
      tpu.vector_store %arg9[%swap3A_225], %get3A_216 masked %lt3A_221 {strides = array<i32>} : memref<10096xi32, #tpu.memory_space<vmem>>, vector<16xi32>, vector<16xi1>
      %swap3A_227 = arith.index_cast %get3A_224 : i32 to index
      %swap3A_228 = tpu.vector_load %arg8[%swap3A_227] masked %lt3A_221 {strides = array<i32>} : memref<10096xi32, #tpu.memory_space<vmem>>, vector<16xi32>, vector<16xi1>
      tpu.vector_store %arg8[%swap3A_227], %get3A_218 masked %lt3A_221 {strides = array<i32>} : memref<10096xi32, #tpu.memory_space<vmem>>, vector<16xi32>, vector<16xi1>
      %convert_element_type3A = arith.extui %lt3A_221 : vector<16xi1> to vector<16xi32>
      %reduce_sum3A = arith.constant true
      %reduce_sum3A_229 = vector.broadcast %reduce_sum3A : i1 to vector<16xi1>
      %reduce_sum3A_230 = tpu.scan <sum>, %convert_element_type3A masked %reduce_sum3A_229 : vector<16xi32>, vector<16xi1> -> vector<16xi32>
      %reduce_sum3A_231 = vector.extract %reduce_sum3A_230[15] : i32 from vector<16xi32>
      %add3A_232 = arith.addi %get3A_224, %reduce_sum3A_231 : i32
      %swap3A_233 = arith.constant 0 : i32
      %swap3A_234 = arith.index_cast %swap3A_233 : i32 to index
      %swap3A_235 = memref.load %arg18[%swap3A_234] : memref<2xi32, #tpu.memory_space<smem>>
      memref.store %add3A_232, %arg18[%swap3A_234] : memref<2xi32, #tpu.memory_space<smem>>
      %ge3A_236 = arith.constant 5000 : i32
      %ge3A_237 = vector.broadcast %ge3A_236 : i32 to vector<16xi32>
      %ge3A_238 = arith.cmpi sge, %get3A_216, %ge3A_237 : vector<16xi32>
      %get3A_239 = arith.constant 1 : i32
      %get3A_240 = arith.index_cast %get3A_239 : i32 to index
      %get3A_241 = memref.load %arg18[%get3A_240] : memref<2xi32, #tpu.memory_space<smem>>
      %sub3A_242 = arith.constant 5000 : i32
      %sub3A_243 = vector.broadcast %sub3A_242 : i32 to vector<16xi32>
      %sub3A_244 = arith.subi %get3A_216, %sub3A_243 : vector<16xi32>
      %swap3A_245 = arith.index_cast %get3A_241 : i32 to index
      %swap3A_246 = tpu.vector_load %arg11[%swap3A_245] masked %ge3A_238 {strides = array<i32>} : memref<10096xi32, #tpu.memory_space<vmem>>, vector<16xi32>, vector<16xi1>
      tpu.vector_store %arg11[%swap3A_245], %sub3A_244 masked %ge3A_238 {strides = array<i32>} : memref<10096xi32, #tpu.memory_space<vmem>>, vector<16xi32>, vector<16xi1>
      %swap3A_247 = arith.index_cast %get3A_241 : i32 to index
      %swap3A_248 = tpu.vector_load %arg10[%swap3A_247] masked %ge3A_238 {strides = array<i32>} : memref<10096xi32, #tpu.memory_space<vmem>>, vector<16xi32>, vector<16xi1>
      tpu.vector_store %arg10[%swap3A_247], %get3A_218 masked %ge3A_238 {strides = array<i32>} : memref<10096xi32, #tpu.memory_space<vmem>>, vector<16xi32>, vector<16xi1>
      %convert_element_type3A_249 = arith.extui %ge3A_238 : vector<16xi1> to vector<16xi32>
      %reduce_sum3A_250 = arith.constant true
      %reduce_sum3A_251 = vector.broadcast %reduce_sum3A_250 : i1 to vector<16xi1>
      %reduce_sum3A_252 = tpu.scan <sum>, %convert_element_type3A_249 masked %reduce_sum3A_251 : vector<16xi32>, vector<16xi1> -> vector<16xi32>
      %reduce_sum3A_253 = vector.extract %reduce_sum3A_252[15] : i32 from vector<16xi32>
      %add3A_254 = arith.addi %get3A_241, %reduce_sum3A_253 : i32
      %swap3A_255 = arith.constant 1 : i32
      %swap3A_256 = arith.index_cast %swap3A_255 : i32 to index
      %swap3A_257 = memref.load %arg18[%swap3A_256] : memref<2xi32, #tpu.memory_space<smem>>
      memref.store %add3A_254, %arg18[%swap3A_256] : memref<2xi32, #tpu.memory_space<smem>>
    }
    %scan3A_20 = arith.constant 625 : i32
    %iota3A = tpu.iota {dimensions = array<i32: 0>} : vector<16xi32>
    %ge3A = arith.constant 0 : i32
    %ge3A_21 = vector.broadcast %ge3A : i32 to vector<16xi32>
    %ge3A_22 = arith.cmpi sge, %iota3A, %ge3A_21 : vector<16xi32>
    %mul3A_23 = arith.constant 16 : i32
    %mul3A_24 = arith.muli %add3A, %mul3A_23 : i32
    %add3A_25 = vector.broadcast %mul3A_24 : i32 to vector<16xi32>
    %add3A_26 = arith.addi %add3A_25, %iota3A : vector<16xi32>
    %jit3A = arith.constant 120 : i32
    %eq3A = arith.constant 0 : i32
    %eq3A_27 = arith.cmpi eq, %jit3A, %eq3A : i32
    %jit3A_28 = arith.constant 1 : i32
    %select_n3A = arith.select %eq3A_27, %jit3A_28, %jit3A : i32
    %rem3A = vector.broadcast %select_n3A : i32 to vector<16xi32>
    %rem3A_29 = arith.remsi %add3A_26, %rem3A : vector<16xi32>
    %ne3A = arith.constant 0 : i32
    %ne3A_30 = vector.broadcast %ne3A : i32 to vector<16xi32>
    %ne3A_31 = arith.cmpi ne, %rem3A_29, %ne3A_30 : vector<16xi32>
    %lt3A = arith.constant 0 : i32
    %lt3A_32 = vector.broadcast %lt3A : i32 to vector<16xi32>
    %lt3A_33 = arith.cmpi slt, %rem3A_29, %lt3A_32 : vector<16xi32>
    %lt3A_34 = arith.constant 0 : i32
    %lt3A_35 = arith.cmpi slt, %select_n3A, %lt3A_34 : i32
    %ne3A_36 = vector.broadcast %lt3A_35 : i1 to vector<16xi1>
    %ne3A_37 = vector.broadcast %ne3A_36 : vector<16xi1> to vector<16xi1>
    %ne3A_38 = arith.xori %lt3A_33, %ne3A_37 : vector<16xi1>
    %and3A = arith.andi %ne3A_38, %ne3A_31 : vector<16xi1>
    %add3A_39 = vector.broadcast %select_n3A : i32 to vector<16xi32>
    %add3A_40 = arith.addi %rem3A_29, %add3A_39 : vector<16xi32>
    %select_n3A_41 = arith.select %and3A, %add3A_40, %rem3A_29 : vector<16xi1>, vector<16xi32>
    %add3A_42 = arith.constant 5000 : i32
    %add3A_43 = vector.broadcast %add3A_42 : i32 to vector<16xi32>
    %add3A_44 = arith.addi %add3A_43, %select_n3A_41 : vector<16xi32>
    %mul3A_45 = arith.constant 313 : i32
    %mul3A_46 = arith.muli %add3A, %mul3A_45 : i32
    %mul3A_47 = arith.constant 41 : i32
    %mul3A_48 = vector.broadcast %mul3A_47 : i32 to vector<16xi32>
    %mul3A_49 = arith.muli %iota3A, %mul3A_48 : vector<16xi32>
    %add3A_50 = vector.broadcast %mul3A_46 : i32 to vector<16xi32>
    %add3A_51 = arith.addi %add3A_50, %mul3A_49 : vector<16xi32>
    %jit3A_52 = arith.constant 10000 : i32
    %eq3A_53 = arith.constant 0 : i32
    %eq3A_54 = arith.cmpi eq, %jit3A_52, %eq3A_53 : i32
    %jit3A_55 = arith.constant 1 : i32
    %select_n3A_56 = arith.select %eq3A_54, %jit3A_55, %jit3A_52 : i32
    %rem3A_57 = vector.broadcast %select_n3A_56 : i32 to vector<16xi32>
    %rem3A_58 = arith.remsi %add3A_51, %rem3A_57 : vector<16xi32>
    %ne3A_59 = arith.constant 0 : i32
    %ne3A_60 = vector.broadcast %ne3A_59 : i32 to vector<16xi32>
    %ne3A_61 = arith.cmpi ne, %rem3A_58, %ne3A_60 : vector<16xi32>
    %lt3A_62 = arith.constant 0 : i32
    %lt3A_63 = vector.broadcast %lt3A_62 : i32 to vector<16xi32>
    %lt3A_64 = arith.cmpi slt, %rem3A_58, %lt3A_63 : vector<16xi32>
    %lt3A_65 = arith.constant 0 : i32
    %lt3A_66 = arith.cmpi slt, %select_n3A_56, %lt3A_65 : i32
    %ne3A_67 = vector.broadcast %lt3A_66 : i1 to vector<16xi1>
    %ne3A_68 = vector.broadcast %ne3A_67 : vector<16xi1> to vector<16xi1>
    %ne3A_69 = arith.xori %lt3A_64, %ne3A_68 : vector<16xi1>
    %and3A_70 = arith.andi %ne3A_69, %ne3A_61 : vector<16xi1>
    %add3A_71 = vector.broadcast %select_n3A_56 : i32 to vector<16xi32>
    %add3A_72 = arith.addi %rem3A_58, %add3A_71 : vector<16xi32>
    %select_n3A_73 = arith.select %and3A_70, %add3A_72, %rem3A_58 : vector<16xi1>, vector<16xi32>
    %get3A = arith.constant 0 : i32
    %get3A_74 = arith.index_cast %get3A : i32 to index
    %get3A_75 = memref.load %arg18[%get3A_74] : memref<2xi32, #tpu.memory_space<smem>>
    %scan3A_76 = arith.constant 0 : i32
    %scan3A_77 = arith.constant 6 : i32
    %scan3A_78 = arith.addi %scan3A_76, %scan3A_77 : i32
    %scan3A_79 = arith.constant 1 : i32
    scf.for %scan3A_210 = %scan3A_76 to %scan3A_78 step %scan3A_79  : i32 {
      %mul3A_211 = arith.constant 16 : i32
      %mul3A_212 = arith.muli %scan3A_210, %mul3A_211 : i32
      %add3A_213 = arith.constant 0 : i32
      %add3A_214 = arith.addi %add3A_213, %mul3A_212 : i32
      %add3A_215 = arith.addi %get3A_75, %add3A_214 : i32
      %swap3A_216 = arith.index_cast %add3A_215 : i32 to index
      %swap3A_217 = tpu.vector_load %arg9[%swap3A_216] masked %ge3A_22 {strides = array<i32>} : memref<10096xi32, #tpu.memory_space<vmem>>, vector<16xi32>, vector<16xi1>
      tpu.vector_store %arg9[%swap3A_216], %add3A_44 masked %ge3A_22 {strides = array<i32>} : memref<10096xi32, #tpu.memory_space<vmem>>, vector<16xi32>, vector<16xi1>
      %add3A_218 = arith.addi %get3A_75, %add3A_214 : i32
      %swap3A_219 = arith.index_cast %add3A_218 : i32 to index
      %swap3A_220 = tpu.vector_load %arg8[%swap3A_219] masked %ge3A_22 {strides = array<i32>} : memref<10096xi32, #tpu.memory_space<vmem>>, vector<16xi32>, vector<16xi1>
      tpu.vector_store %arg8[%swap3A_219], %select_n3A_73 masked %ge3A_22 {strides = array<i32>} : memref<10096xi32, #tpu.memory_space<vmem>>, vector<16xi32>, vector<16xi1>
    }
    %scan3A_80 = arith.constant 6 : i32
    %get3A_81 = arith.constant 1 : i32
    %get3A_82 = arith.index_cast %get3A_81 : i32 to index
    %get3A_83 = memref.load %arg18[%get3A_82] : memref<2xi32, #tpu.memory_space<smem>>
    %scan3A_84 = arith.constant 0 : i32
    %scan3A_85 = arith.constant 6 : i32
    %scan3A_86 = arith.addi %scan3A_84, %scan3A_85 : i32
    %scan3A_87 = arith.constant 1 : i32
    scf.for %scan3A_210 = %scan3A_84 to %scan3A_86 step %scan3A_87  : i32 {
      %mul3A_211 = arith.constant 16 : i32
      %mul3A_212 = arith.muli %scan3A_210, %mul3A_211 : i32
      %add3A_213 = arith.constant 0 : i32
      %add3A_214 = arith.addi %add3A_213, %mul3A_212 : i32
      %add3A_215 = arith.addi %get3A_83, %add3A_214 : i32
      %swap3A_216 = arith.index_cast %add3A_215 : i32 to index
      %swap3A_217 = tpu.vector_load %arg11[%swap3A_216] masked %ge3A_22 {strides = array<i32>} : memref<10096xi32, #tpu.memory_space<vmem>>, vector<16xi32>, vector<16xi1>
      tpu.vector_store %arg11[%swap3A_216], %add3A_44 masked %ge3A_22 {strides = array<i32>} : memref<10096xi32, #tpu.memory_space<vmem>>, vector<16xi32>, vector<16xi1>
      %add3A_218 = arith.addi %get3A_83, %add3A_214 : i32
      %swap3A_219 = arith.index_cast %add3A_218 : i32 to index
      %swap3A_220 = tpu.vector_load %arg10[%swap3A_219] masked %ge3A_22 {strides = array<i32>} : memref<10096xi32, #tpu.memory_space<vmem>>, vector<16xi32>, vector<16xi1>
      tpu.vector_store %arg10[%swap3A_219], %select_n3A_73 masked %ge3A_22 {strides = array<i32>} : memref<10096xi32, #tpu.memory_space<vmem>>, vector<16xi32>, vector<16xi1>
    }
    %scan3A_88 = arith.constant 6 : i32
    %scan3A_89 = arith.constant 0 : i32
    %scan3A_90 = arith.constant 5 : i32
    %scan3A_91 = arith.addi %scan3A_89, %scan3A_90 : i32
    %scan3A_92 = arith.constant 1 : i32
    scf.for %scan3A_210 = %scan3A_89 to %scan3A_91 step %scan3A_92  : i32 {
      %mul3A_211 = arith.constant 64 : i32
      %mul3A_212 = arith.muli %scan3A_210, %mul3A_211 : i32
      %add3A_213 = arith.constant 0 : i32
      %add3A_214 = arith.addi %add3A_213, %mul3A_212 : i32
      %mul3A_215 = arith.constant 320 : i32
      %mul3A_216 = arith.muli %arg1, %mul3A_215 : i32
      %add3A_217 = arith.addi %mul3A_216, %add3A_214 : i32
      "tpu.region"() ({
        %run_scoped3A = tpu.sem_alloc : memref<!tpu.dma_semaphore, #tpu.memory_space<semaphore_mem>>
        %dma_start3A = arith.constant 0 : i32
        %dma_start3A_218 = tpu.memref_slice %arg17[%add3A_217, %dma_start3A] : memref<5120x128xf32, #tpu.memory_space<vmem_shared>> -> memref<64x128xf32, #tpu.memory_space<vmem_shared>>
        %dma_start3A_219 = arith.constant 0 : i32
        %dma_start3A_220 = tpu.memref_slice %arg17[%add3A_217, %dma_start3A_219] : memref<5120x128xf32, #tpu.memory_space<vmem_shared>> -> memref<64x128xf32, #tpu.memory_space<vmem_shared>>
        tpu.enqueue_dma source(%arg15 : memref<64x128xf32, #tpu.memory_space<vmem>>) target(%dma_start3A_220 : memref<64x128xf32, #tpu.memory_space<vmem_shared>>) target_semaphore(%run_scoped3A : memref<!tpu.dma_semaphore, #tpu.memory_space<semaphore_mem>>)
        %dma_wait3A = arith.constant 0 : i32
        %dma_wait3A_221 = tpu.memref_slice %arg17[%add3A_217, %dma_wait3A] : memref<5120x128xf32, #tpu.memory_space<vmem_shared>> -> memref<64x128xf32, #tpu.memory_space<vmem_shared>>
        %dma_wait3A_222 = arith.constant 0 : i32
        %dma_wait3A_223 = tpu.memref_slice %arg17[%add3A_217, %dma_wait3A_222] : memref<5120x128xf32, #tpu.memory_space<vmem_shared>> -> memref<64x128xf32, #tpu.memory_space<vmem_shared>>
        tpu.wait_dma2 semaphore(%run_scoped3A : memref<!tpu.dma_semaphore, #tpu.memory_space<semaphore_mem>>) src(%arg15 : memref<64x128xf32, #tpu.memory_space<vmem>>) dst(%dma_wait3A_223 : memref<64x128xf32, #tpu.memory_space<vmem_shared>>)
        tpu.yield
      }) : () -> ()
    }
    %scan3A_93 = arith.constant 5 : i32
    %barrier3A = arith.constant 0 : index
    tpu.barrier barrier_id(%barrier3A)
    %get3A_94 = arith.constant 0 : i32
    %get3A_95 = arith.index_cast %get3A_94 : i32 to index
    %get3A_96 = memref.load %arg18[%get3A_95] : memref<2xi32, #tpu.memory_space<smem>>
    %add3A_97 = arith.constant 80 : i32
    %add3A_98 = arith.addi %get3A_96, %add3A_97 : i32
    %sub3A = arith.constant 1 : i32
    %sub3A_99 = arith.subi %add3A_98, %sub3A : i32
    %jit3A_100 = arith.constant 80 : i32
    %div3A = arith.divsi %sub3A_99, %jit3A_100 : i32
    %sign3A = arith.constant 0 : i32
    %sign3A_101 = arith.cmpi sgt, %sub3A_99, %sign3A : i32
    %sign3A_102 = arith.extui %sign3A_101 : i1 to i32
    %sign3A_103 = arith.constant 0 : i32
    %sign3A_104 = arith.cmpi slt, %sub3A_99, %sign3A_103 : i32
    %sign3A_105 = arith.extui %sign3A_104 : i1 to i32
    %sign3A_106 = arith.subi %sign3A_102, %sign3A_105 : i32
    %sign3A_107 = arith.constant 0 : i32
    %sign3A_108 = arith.cmpi sgt, %jit3A_100, %sign3A_107 : i32
    %sign3A_109 = arith.extui %sign3A_108 : i1 to i32
    %sign3A_110 = arith.constant 0 : i32
    %sign3A_111 = arith.cmpi slt, %jit3A_100, %sign3A_110 : i32
    %sign3A_112 = arith.extui %sign3A_111 : i1 to i32
    %sign3A_113 = arith.subi %sign3A_109, %sign3A_112 : i32
    %ne3A_114 = arith.cmpi ne, %sign3A_106, %sign3A_113 : i32
    %rem3A_115 = arith.remsi %sub3A_99, %jit3A_100 : i32
    %ne3A_116 = arith.constant 0 : i32
    %ne3A_117 = arith.cmpi ne, %rem3A_115, %ne3A_116 : i32
    %and3A_118 = arith.andi %ne3A_114, %ne3A_117 : i1
    %sub3A_119 = arith.constant 1 : i32
    %sub3A_120 = arith.subi %div3A, %sub3A_119 : i32
    %select_n3A_121 = arith.select %and3A_118, %sub3A_120, %div3A : i32
    %sub3A_122 = arith.constant 0 : i32
    %sub3A_123 = arith.subi %select_n3A_121, %sub3A_122 : i32
    %sub3A_124 = arith.constant 1 : i32
    %sub3A_125 = arith.constant 1 : i32
    %sub3A_126 = arith.subi %sub3A_124, %sub3A_125 : i32
    %add3A_127 = arith.addi %sub3A_123, %sub3A_126 : i32
    %div3A_128 = arith.constant 1 : i32
    %div3A_129 = arith.divsi %add3A_127, %div3A_128 : i32
    %while3A = arith.constant 1 : i32
    %while3A_130 = arith.constant 0 : i32
    %while3A_131 = arith.constant 0 : i32
    %while3A_132 = arith.subi %div3A_129, %while3A_131 : i32
    %while3A_133 = arith.addi %while3A_131, %while3A_132 : i32
    %while3A_134 = arith.constant 1 : i32
    %while3A_135 = arith.divsi %while3A_132, %while3A_134 : i32
    %while3A_136 = arith.muli %while3A_135, %while3A_134 : i32
    %while3A_137 = arith.addi %while3A_131, %while3A_136 : i32
    %while3A_138 = arith.constant 1 : i32
    scf.for %while3A_210 = %while3A_131 to %while3A_137 step %while3A_138  : i32 {
      %mul3A_211 = arith.muli %while3A_210, %while3A : i32
      %add3A_212 = arith.addi %while3A_130, %mul3A_211 : i32
      %mul3A_213 = arith.constant 80 : i32
      %mul3A_214 = arith.muli %add3A_212, %mul3A_213 : i32
      %add3A_215 = arith.constant 0 : i32
      %add3A_216 = arith.addi %mul3A_214, %add3A_215 : i32
      %get3A_217 = arith.index_cast %add3A_216 : i32 to index
      %get3A_218 = tpu.vector_load %arg8[%get3A_217] {strides = array<i32>} : memref<10096xi32, #tpu.memory_space<vmem>>, vector<16xi32>,
      %swap3A_219 = arith.constant 0 : index
      %swap3A_220 = tpu.vector_load %arg12[%swap3A_219] {strides = array<i32>} : memref<80xi32, #tpu.memory_space<vmem>>, vector<16xi32>,
      tpu.vector_store %arg12[%swap3A_219], %get3A_218 {strides = array<i32>} : memref<80xi32, #tpu.memory_space<vmem>>, vector<16xi32>,
      %mul3A_221 = arith.constant 80 : i32
      %mul3A_222 = arith.muli %add3A_212, %mul3A_221 : i32
      %add3A_223 = arith.constant 0 : i32
      %add3A_224 = arith.addi %mul3A_222, %add3A_223 : i32
      %get3A_225 = arith.index_cast %add3A_224 : i32 to index
      %get3A_226 = tpu.vector_load %arg9[%get3A_225] {strides = array<i32>} : memref<10096xi32, #tpu.memory_space<vmem>>, vector<16xi32>,
      %swap3A_227 = arith.constant 0 : index
      %swap3A_228 = tpu.vector_load %arg13[%swap3A_227] {strides = array<i32>} : memref<80xi32, #tpu.memory_space<vmem>>, vector<16xi32>,
      tpu.vector_store %arg13[%swap3A_227], %get3A_226 {strides = array<i32>} : memref<80xi32, #tpu.memory_space<vmem>>, vector<16xi32>,
      %mul3A_229 = arith.constant 80 : i32
      %mul3A_230 = arith.muli %add3A_212, %mul3A_229 : i32
      %add3A_231 = arith.constant 16 : i32
      %add3A_232 = arith.addi %mul3A_230, %add3A_231 : i32
      %get3A_233 = arith.index_cast %add3A_232 : i32 to index
      %get3A_234 = tpu.vector_load %arg8[%get3A_233] {strides = array<i32>} : memref<10096xi32, #tpu.memory_space<vmem>>, vector<16xi32>,
      %swap3A_235 = arith.constant 16 : index
      %swap3A_236 = tpu.vector_load %arg12[%swap3A_235] {strides = array<i32>} : memref<80xi32, #tpu.memory_space<vmem>>, vector<16xi32>,
      tpu.vector_store %arg12[%swap3A_235], %get3A_234 {strides = array<i32>} : memref<80xi32, #tpu.memory_space<vmem>>, vector<16xi32>,
      %mul3A_237 = arith.constant 80 : i32
      %mul3A_238 = arith.muli %add3A_212, %mul3A_237 : i32
      %add3A_239 = arith.constant 16 : i32
      %add3A_240 = arith.addi %mul3A_238, %add3A_239 : i32
      %get3A_241 = arith.index_cast %add3A_240 : i32 to index
      %get3A_242 = tpu.vector_load %arg9[%get3A_241] {strides = array<i32>} : memref<10096xi32, #tpu.memory_space<vmem>>, vector<16xi32>,
      %swap3A_243 = arith.constant 16 : index
      %swap3A_244 = tpu.vector_load %arg13[%swap3A_243] {strides = array<i32>} : memref<80xi32, #tpu.memory_space<vmem>>, vector<16xi32>,
      tpu.vector_store %arg13[%swap3A_243], %get3A_242 {strides = array<i32>} : memref<80xi32, #tpu.memory_space<vmem>>, vector<16xi32>,
      %mul3A_245 = arith.constant 80 : i32
      %mul3A_246 = arith.muli %add3A_212, %mul3A_245 : i32
      %add3A_247 = arith.constant 32 : i32
      %add3A_248 = arith.addi %mul3A_246, %add3A_247 : i32
      %get3A_249 = arith.index_cast %add3A_248 : i32 to index
      %get3A_250 = tpu.vector_load %arg8[%get3A_249] {strides = array<i32>} : memref<10096xi32, #tpu.memory_space<vmem>>, vector<16xi32>,
      %swap3A_251 = arith.constant 32 : index
      %swap3A_252 = tpu.vector_load %arg12[%swap3A_251] {strides = array<i32>} : memref<80xi32, #tpu.memory_space<vmem>>, vector<16xi32>,
      tpu.vector_store %arg12[%swap3A_251], %get3A_250 {strides = array<i32>} : memref<80xi32, #tpu.memory_space<vmem>>, vector<16xi32>,
      %mul3A_253 = arith.constant 80 : i32
      %mul3A_254 = arith.muli %add3A_212, %mul3A_253 : i32
      %add3A_255 = arith.constant 32 : i32
      %add3A_256 = arith.addi %mul3A_254, %add3A_255 : i32
      %get3A_257 = arith.index_cast %add3A_256 : i32 to index
      %get3A_258 = tpu.vector_load %arg9[%get3A_257] {strides = array<i32>} : memref<10096xi32, #tpu.memory_space<vmem>>, vector<16xi32>,
      %swap3A_259 = arith.constant 32 : index
      %swap3A_260 = tpu.vector_load %arg13[%swap3A_259] {strides = array<i32>} : memref<80xi32, #tpu.memory_space<vmem>>, vector<16xi32>,
      tpu.vector_store %arg13[%swap3A_259], %get3A_258 {strides = array<i32>} : memref<80xi32, #tpu.memory_space<vmem>>, vector<16xi32>,
      %mul3A_261 = arith.constant 80 : i32
      %mul3A_262 = arith.muli %add3A_212, %mul3A_261 : i32
      %add3A_263 = arith.constant 48 : i32
      %add3A_264 = arith.addi %mul3A_262, %add3A_263 : i32
      %get3A_265 = arith.index_cast %add3A_264 : i32 to index
      %get3A_266 = tpu.vector_load %arg8[%get3A_265] {strides = array<i32>} : memref<10096xi32, #tpu.memory_space<vmem>>, vector<16xi32>,
      %swap3A_267 = arith.constant 48 : index
      %swap3A_268 = tpu.vector_load %arg12[%swap3A_267] {strides = array<i32>} : memref<80xi32, #tpu.memory_space<vmem>>, vector<16xi32>,
      tpu.vector_store %arg12[%swap3A_267], %get3A_266 {strides = array<i32>} : memref<80xi32, #tpu.memory_space<vmem>>, vector<16xi32>,
      %mul3A_269 = arith.constant 80 : i32
      %mul3A_270 = arith.muli %add3A_212, %mul3A_269 : i32
      %add3A_271 = arith.constant 48 : i32
      %add3A_272 = arith.addi %mul3A_270, %add3A_271 : i32
      %get3A_273 = arith.index_cast %add3A_272 : i32 to index
      %get3A_274 = tpu.vector_load %arg9[%get3A_273] {strides = array<i32>} : memref<10096xi32, #tpu.memory_space<vmem>>, vector<16xi32>,
      %swap3A_275 = arith.constant 48 : index
      %swap3A_276 = tpu.vector_load %arg13[%swap3A_275] {strides = array<i32>} : memref<80xi32, #tpu.memory_space<vmem>>, vector<16xi32>,
      tpu.vector_store %arg13[%swap3A_275], %get3A_274 {strides = array<i32>} : memref<80xi32, #tpu.memory_space<vmem>>, vector<16xi32>,
      %mul3A_277 = arith.constant 80 : i32
      %mul3A_278 = arith.muli %add3A_212, %mul3A_277 : i32
      %add3A_279 = arith.constant 64 : i32
      %add3A_280 = arith.addi %mul3A_278, %add3A_279 : i32
      %get3A_281 = arith.index_cast %add3A_280 : i32 to index
      %get3A_282 = tpu.vector_load %arg8[%get3A_281] {strides = array<i32>} : memref<10096xi32, #tpu.memory_space<vmem>>, vector<16xi32>,
      %swap3A_283 = arith.constant 64 : index
      %swap3A_284 = tpu.vector_load %arg12[%swap3A_283] {strides = array<i32>} : memref<80xi32, #tpu.memory_space<vmem>>, vector<16xi32>,
      tpu.vector_store %arg12[%swap3A_283], %get3A_282 {strides = array<i32>} : memref<80xi32, #tpu.memory_space<vmem>>, vector<16xi32>,
      %mul3A_285 = arith.constant 80 : i32
      %mul3A_286 = arith.muli %add3A_212, %mul3A_285 : i32
      %add3A_287 = arith.constant 64 : i32
      %add3A_288 = arith.addi %mul3A_286, %add3A_287 : i32
      %get3A_289 = arith.index_cast %add3A_288 : i32 to index
      %get3A_290 = tpu.vector_load %arg9[%get3A_289] {strides = array<i32>} : memref<10096xi32, #tpu.memory_space<vmem>>, vector<16xi32>,
      %swap3A_291 = arith.constant 64 : index
      %swap3A_292 = tpu.vector_load %arg13[%swap3A_291] {strides = array<i32>} : memref<80xi32, #tpu.memory_space<vmem>>, vector<16xi32>,
      tpu.vector_store %arg13[%swap3A_291], %get3A_290 {strides = array<i32>} : memref<80xi32, #tpu.memory_space<vmem>>, vector<16xi32>,
      %dma_start3A = arith.constant 0 : i32
      %dma_start3A_293 = arith.constant 0 : i32
      %dma_start3A_294 = tpu.memref_slice %arg4[%dma_start3A, %dma_start3A_293] : memref<10000x128xf32, #tpu.memory_space<hbm>> -> memref<10000x128xf32, #tpu.memory_space<hbm>>
      tpu.enqueue_indirect_dma source(%dma_start3A_294 : memref<10000x128xf32, #tpu.memory_space<hbm>>) target(%arg14 : memref<80x128xf32, #tpu.memory_space<vmem>>) offsets(%arg12 : memref<80xi32, #tpu.memory_space<vmem>>) semaphore(%arg19 : memref<!tpu.dma_semaphore, #tpu.memory_space<semaphore_mem>>)
      %dma_wait3A = arith.constant 0 : i32
      %dma_wait3A_295 = arith.constant 0 : i32
      %dma_wait3A_296 = tpu.memref_slice %arg4[%dma_wait3A, %dma_wait3A_295] : memref<10000x128xf32, #tpu.memory_space<hbm>> -> memref<10000x128xf32, #tpu.memory_space<hbm>>
      tpu.wait_indirect_dma semaphore(%arg19 : memref<!tpu.dma_semaphore, #tpu.memory_space<semaphore_mem>>) src(%dma_wait3A_296 : memref<10000x128xf32, #tpu.memory_space<hbm>>) dst(%arg14 : memref<80x128xf32, #tpu.memory_space<vmem>>)
      "tpu.region"() ({
        %run_scoped3A = tpu.sem_alloc : memref<!tpu.dma_semaphore, #tpu.memory_space<semaphore_mem>>
        %dma_start3A_297 = arith.constant 0 : i32
        %dma_start3A_298 = arith.constant 0 : i32
        %dma_start3A_299 = tpu.memref_slice %arg17[%dma_start3A_297, %dma_start3A_298] : memref<5120x128xf32, #tpu.memory_space<vmem_shared>> -> memref<5120x128xf32, #tpu.memory_space<vmem_shared>>
        tpu.enqueue_indirect_dma source(%arg14 : memref<80x128xf32, #tpu.memory_space<vmem>>) target(%dma_start3A_299 : memref<5120x128xf32, #tpu.memory_space<vmem_shared>>) offsets(%arg13 : memref<80xi32, #tpu.memory_space<vmem>>) semaphore(%run_scoped3A : memref<!tpu.dma_semaphore, #tpu.memory_space<semaphore_mem>>) {add = true}
        %dma_wait3A_300 = arith.constant 0 : i32
        %dma_wait3A_301 = arith.constant 0 : i32
        %dma_wait3A_302 = tpu.memref_slice %arg17[%dma_wait3A_300, %dma_wait3A_301] : memref<5120x128xf32, #tpu.memory_space<vmem_shared>> -> memref<5120x128xf32, #tpu.memory_space<vmem_shared>>
        tpu.wait_indirect_dma semaphore(%run_scoped3A : memref<!tpu.dma_semaphore, #tpu.memory_space<semaphore_mem>>) src(%arg14 : memref<80x128xf32, #tpu.memory_space<vmem>>) dst(%dma_wait3A_302 : memref<5120x128xf32, #tpu.memory_space<vmem_shared>>)
        tpu.yield
      }) : () -> ()
    }
    %while3A_139 = arith.constant 1 : i32
    scf.for %while3A_210 = %while3A_137 to %while3A_133 step %while3A_139  : i32 {
      %mul3A_211 = arith.muli %while3A_210, %while3A : i32
      %add3A_212 = arith.addi %while3A_130, %mul3A_211 : i32
      %mul3A_213 = arith.constant 80 : i32
      %mul3A_214 = arith.muli %add3A_212, %mul3A_213 : i32
      %add3A_215 = arith.constant 0 : i32
      %add3A_216 = arith.addi %mul3A_214, %add3A_215 : i32
      %get3A_217 = arith.index_cast %add3A_216 : i32 to index
      %get3A_218 = tpu.vector_load %arg8[%get3A_217] {strides = array<i32>} : memref<10096xi32, #tpu.memory_space<vmem>>, vector<16xi32>,
      %swap3A_219 = arith.constant 0 : index
      %swap3A_220 = tpu.vector_load %arg12[%swap3A_219] {strides = array<i32>} : memref<80xi32, #tpu.memory_space<vmem>>, vector<16xi32>,
      tpu.vector_store %arg12[%swap3A_219], %get3A_218 {strides = array<i32>} : memref<80xi32, #tpu.memory_space<vmem>>, vector<16xi32>,
      %mul3A_221 = arith.constant 80 : i32
      %mul3A_222 = arith.muli %add3A_212, %mul3A_221 : i32
      %add3A_223 = arith.constant 0 : i32
      %add3A_224 = arith.addi %mul3A_222, %add3A_223 : i32
      %get3A_225 = arith.index_cast %add3A_224 : i32 to index
      %get3A_226 = tpu.vector_load %arg9[%get3A_225] {strides = array<i32>} : memref<10096xi32, #tpu.memory_space<vmem>>, vector<16xi32>,
      %swap3A_227 = arith.constant 0 : index
      %swap3A_228 = tpu.vector_load %arg13[%swap3A_227] {strides = array<i32>} : memref<80xi32, #tpu.memory_space<vmem>>, vector<16xi32>,
      tpu.vector_store %arg13[%swap3A_227], %get3A_226 {strides = array<i32>} : memref<80xi32, #tpu.memory_space<vmem>>, vector<16xi32>,
      %mul3A_229 = arith.constant 80 : i32
      %mul3A_230 = arith.muli %add3A_212, %mul3A_229 : i32
      %add3A_231 = arith.constant 16 : i32
      %add3A_232 = arith.addi %mul3A_230, %add3A_231 : i32
      %get3A_233 = arith.index_cast %add3A_232 : i32 to index
      %get3A_234 = tpu.vector_load %arg8[%get3A_233] {strides = array<i32>} : memref<10096xi32, #tpu.memory_space<vmem>>, vector<16xi32>,
      %swap3A_235 = arith.constant 16 : index
      %swap3A_236 = tpu.vector_load %arg12[%swap3A_235] {strides = array<i32>} : memref<80xi32, #tpu.memory_space<vmem>>, vector<16xi32>,
      tpu.vector_store %arg12[%swap3A_235], %get3A_234 {strides = array<i32>} : memref<80xi32, #tpu.memory_space<vmem>>, vector<16xi32>,
      %mul3A_237 = arith.constant 80 : i32
      %mul3A_238 = arith.muli %add3A_212, %mul3A_237 : i32
      %add3A_239 = arith.constant 16 : i32
      %add3A_240 = arith.addi %mul3A_238, %add3A_239 : i32
      %get3A_241 = arith.index_cast %add3A_240 : i32 to index
      %get3A_242 = tpu.vector_load %arg9[%get3A_241] {strides = array<i32>} : memref<10096xi32, #tpu.memory_space<vmem>>, vector<16xi32>,
      %swap3A_243 = arith.constant 16 : index
      %swap3A_244 = tpu.vector_load %arg13[%swap3A_243] {strides = array<i32>} : memref<80xi32, #tpu.memory_space<vmem>>, vector<16xi32>,
      tpu.vector_store %arg13[%swap3A_243], %get3A_242 {strides = array<i32>} : memref<80xi32, #tpu.memory_space<vmem>>, vector<16xi32>,
      %mul3A_245 = arith.constant 80 : i32
      %mul3A_246 = arith.muli %add3A_212, %mul3A_245 : i32
      %add3A_247 = arith.constant 32 : i32
      %add3A_248 = arith.addi %mul3A_246, %add3A_247 : i32
      %get3A_249 = arith.index_cast %add3A_248 : i32 to index
      %get3A_250 = tpu.vector_load %arg8[%get3A_249] {strides = array<i32>} : memref<10096xi32, #tpu.memory_space<vmem>>, vector<16xi32>,
      %swap3A_251 = arith.constant 32 : index
      %swap3A_252 = tpu.vector_load %arg12[%swap3A_251] {strides = array<i32>} : memref<80xi32, #tpu.memory_space<vmem>>, vector<16xi32>,
      tpu.vector_store %arg12[%swap3A_251], %get3A_250 {strides = array<i32>} : memref<80xi32, #tpu.memory_space<vmem>>, vector<16xi32>,
      %mul3A_253 = arith.constant 80 : i32
      %mul3A_254 = arith.muli %add3A_212, %mul3A_253 : i32
      %add3A_255 = arith.constant 32 : i32
      %add3A_256 = arith.addi %mul3A_254, %add3A_255 : i32
      %get3A_257 = arith.index_cast %add3A_256 : i32 to index
      %get3A_258 = tpu.vector_load %arg9[%get3A_257] {strides = array<i32>} : memref<10096xi32, #tpu.memory_space<vmem>>, vector<16xi32>,
      %swap3A_259 = arith.constant 32 : index
      %swap3A_260 = tpu.vector_load %arg13[%swap3A_259] {strides = array<i32>} : memref<80xi32, #tpu.memory_space<vmem>>, vector<16xi32>,
      tpu.vector_store %arg13[%swap3A_259], %get3A_258 {strides = array<i32>} : memref<80xi32, #tpu.memory_space<vmem>>, vector<16xi32>,
      %mul3A_261 = arith.constant 80 : i32
      %mul3A_262 = arith.muli %add3A_212, %mul3A_261 : i32
      %add3A_263 = arith.constant 48 : i32
      %add3A_264 = arith.addi %mul3A_262, %add3A_263 : i32
      %get3A_265 = arith.index_cast %add3A_264 : i32 to index
      %get3A_266 = tpu.vector_load %arg8[%get3A_265] {strides = array<i32>} : memref<10096xi32, #tpu.memory_space<vmem>>, vector<16xi32>,
      %swap3A_267 = arith.constant 48 : index
      %swap3A_268 = tpu.vector_load %arg12[%swap3A_267] {strides = array<i32>} : memref<80xi32, #tpu.memory_space<vmem>>, vector<16xi32>,
      tpu.vector_store %arg12[%swap3A_267], %get3A_266 {strides = array<i32>} : memref<80xi32, #tpu.memory_space<vmem>>, vector<16xi32>,
      %mul3A_269 = arith.constant 80 : i32
      %mul3A_270 = arith.muli %add3A_212, %mul3A_269 : i32
      %add3A_271 = arith.constant 48 : i32
      %add3A_272 = arith.addi %mul3A_270, %add3A_271 : i32
      %get3A_273 = arith.index_cast %add3A_272 : i32 to index
      %get3A_274 = tpu.vector_load %arg9[%get3A_273] {strides = array<i32>} : memref<10096xi32, #tpu.memory_space<vmem>>, vector<16xi32>,
      %swap3A_275 = arith.constant 48 : index
      %swap3A_276 = tpu.vector_load %arg13[%swap3A_275] {strides = array<i32>} : memref<80xi32, #tpu.memory_space<vmem>>, vector<16xi32>,
      tpu.vector_store %arg13[%swap3A_275], %get3A_274 {strides = array<i32>} : memref<80xi32, #tpu.memory_space<vmem>>, vector<16xi32>,
      %mul3A_277 = arith.constant 80 : i32
      %mul3A_278 = arith.muli %add3A_212, %mul3A_277 : i32
      %add3A_279 = arith.constant 64 : i32
      %add3A_280 = arith.addi %mul3A_278, %add3A_279 : i32
      %get3A_281 = arith.index_cast %add3A_280 : i32 to index
      %get3A_282 = tpu.vector_load %arg8[%get3A_281] {strides = array<i32>} : memref<10096xi32, #tpu.memory_space<vmem>>, vector<16xi32>,
      %swap3A_283 = arith.constant 64 : index
      %swap3A_284 = tpu.vector_load %arg12[%swap3A_283] {strides = array<i32>} : memref<80xi32, #tpu.memory_space<vmem>>, vector<16xi32>,
      tpu.vector_store %arg12[%swap3A_283], %get3A_282 {strides = array<i32>} : memref<80xi32, #tpu.memory_space<vmem>>, vector<16xi32>,
      %mul3A_285 = arith.constant 80 : i32
      %mul3A_286 = arith.muli %add3A_212, %mul3A_285 : i32
      %add3A_287 = arith.constant 64 : i32
      %add3A_288 = arith.addi %mul3A_286, %add3A_287 : i32
      %get3A_289 = arith.index_cast %add3A_288 : i32 to index
      %get3A_290 = tpu.vector_load %arg9[%get3A_289] {strides = array<i32>} : memref<10096xi32, #tpu.memory_space<vmem>>, vector<16xi32>,
      %swap3A_291 = arith.constant 64 : index
      %swap3A_292 = tpu.vector_load %arg13[%swap3A_291] {strides = array<i32>} : memref<80xi32, #tpu.memory_space<vmem>>, vector<16xi32>,
      tpu.vector_store %arg13[%swap3A_291], %get3A_290 {strides = array<i32>} : memref<80xi32, #tpu.memory_space<vmem>>, vector<16xi32>,
      %dma_start3A = arith.constant 0 : i32
      %dma_start3A_293 = arith.constant 0 : i32
      %dma_start3A_294 = tpu.memref_slice %arg4[%dma_start3A, %dma_start3A_293] : memref<10000x128xf32, #tpu.memory_space<hbm>> -> memref<10000x128xf32, #tpu.memory_space<hbm>>
      tpu.enqueue_indirect_dma source(%dma_start3A_294 : memref<10000x128xf32, #tpu.memory_space<hbm>>) target(%arg14 : memref<80x128xf32, #tpu.memory_space<vmem>>) offsets(%arg12 : memref<80xi32, #tpu.memory_space<vmem>>) semaphore(%arg19 : memref<!tpu.dma_semaphore, #tpu.memory_space<semaphore_mem>>)
      %dma_wait3A = arith.constant 0 : i32
      %dma_wait3A_295 = arith.constant 0 : i32
      %dma_wait3A_296 = tpu.memref_slice %arg4[%dma_wait3A, %dma_wait3A_295] : memref<10000x128xf32, #tpu.memory_space<hbm>> -> memref<10000x128xf32, #tpu.memory_space<hbm>>
      tpu.wait_indirect_dma semaphore(%arg19 : memref<!tpu.dma_semaphore, #tpu.memory_space<semaphore_mem>>) src(%dma_wait3A_296 : memref<10000x128xf32, #tpu.memory_space<hbm>>) dst(%arg14 : memref<80x128xf32, #tpu.memory_space<vmem>>)
      "tpu.region"() ({
        %run_scoped3A = tpu.sem_alloc : memref<!tpu.dma_semaphore, #tpu.memory_space<semaphore_mem>>
        %dma_start3A_297 = arith.constant 0 : i32
        %dma_start3A_298 = arith.constant 0 : i32
        %dma_start3A_299 = tpu.memref_slice %arg17[%dma_start3A_297, %dma_start3A_298] : memref<5120x128xf32, #tpu.memory_space<vmem_shared>> -> memref<5120x128xf32, #tpu.memory_space<vmem_shared>>
        tpu.enqueue_indirect_dma source(%arg14 : memref<80x128xf32, #tpu.memory_space<vmem>>) target(%dma_start3A_299 : memref<5120x128xf32, #tpu.memory_space<vmem_shared>>) offsets(%arg13 : memref<80xi32, #tpu.memory_space<vmem>>) semaphore(%run_scoped3A : memref<!tpu.dma_semaphore, #tpu.memory_space<semaphore_mem>>) {add = true}
        %dma_wait3A_300 = arith.constant 0 : i32
        %dma_wait3A_301 = arith.constant 0 : i32
        %dma_wait3A_302 = tpu.memref_slice %arg17[%dma_wait3A_300, %dma_wait3A_301] : memref<5120x128xf32, #tpu.memory_space<vmem_shared>> -> memref<5120x128xf32, #tpu.memory_space<vmem_shared>>
        tpu.wait_indirect_dma semaphore(%run_scoped3A : memref<!tpu.dma_semaphore, #tpu.memory_space<semaphore_mem>>) src(%arg14 : memref<80x128xf32, #tpu.memory_space<vmem>>) dst(%dma_wait3A_302 : memref<5120x128xf32, #tpu.memory_space<vmem_shared>>)
        tpu.yield
      }) : () -> ()
    }
    %barrier3A_140 = arith.constant 0 : index
    tpu.barrier barrier_id(%barrier3A_140)
    %scan3A_141 = arith.constant 0 : i32
    %scan3A_142 = arith.constant 5 : i32
    %scan3A_143 = arith.addi %scan3A_141, %scan3A_142 : i32
    %scan3A_144 = arith.constant 1 : i32
    scf.for %scan3A_210 = %scan3A_141 to %scan3A_143 step %scan3A_144  : i32 {
      %mul3A_211 = arith.constant 64 : i32
      %mul3A_212 = arith.muli %scan3A_210, %mul3A_211 : i32
      %add3A_213 = arith.constant 0 : i32
      %add3A_214 = arith.addi %add3A_213, %mul3A_212 : i32
      %mul3A_215 = arith.constant 320 : i32
      %mul3A_216 = arith.muli %arg1, %mul3A_215 : i32
      %add3A_217 = arith.addi %mul3A_216, %add3A_214 : i32
      "tpu.region"() ({
        %run_scoped3A_218 = tpu.sem_alloc : memref<!tpu.dma_semaphore, #tpu.memory_space<semaphore_mem>>
        %dma_start3A = arith.constant 0 : i32
        %dma_start3A_219 = tpu.memref_slice %arg17[%add3A_217, %dma_start3A] : memref<5120x128xf32, #tpu.memory_space<vmem_shared>> -> memref<64x128xf32, #tpu.memory_space<vmem_shared>>
        %dma_start3A_220 = arith.constant 0 : i32
        %dma_start3A_221 = tpu.memref_slice %arg17[%add3A_217, %dma_start3A_220] : memref<5120x128xf32, #tpu.memory_space<vmem_shared>> -> memref<64x128xf32, #tpu.memory_space<vmem_shared>>
        tpu.enqueue_dma source(%dma_start3A_221 : memref<64x128xf32, #tpu.memory_space<vmem_shared>>) target(%arg16 : memref<64x128xf32, #tpu.memory_space<vmem>>) target_semaphore(%run_scoped3A_218 : memref<!tpu.dma_semaphore, #tpu.memory_space<semaphore_mem>>)
        %dma_wait3A = arith.constant 0 : i32
        %dma_wait3A_222 = tpu.memref_slice %arg17[%add3A_217, %dma_wait3A] : memref<5120x128xf32, #tpu.memory_space<vmem_shared>> -> memref<64x128xf32, #tpu.memory_space<vmem_shared>>
        %dma_wait3A_223 = arith.constant 0 : i32
        %dma_wait3A_224 = tpu.memref_slice %arg17[%add3A_217, %dma_wait3A_223] : memref<5120x128xf32, #tpu.memory_space<vmem_shared>> -> memref<64x128xf32, #tpu.memory_space<vmem_shared>>
        tpu.wait_dma2 semaphore(%run_scoped3A_218 : memref<!tpu.dma_semaphore, #tpu.memory_space<semaphore_mem>>) src(%dma_wait3A_224 : memref<64x128xf32, #tpu.memory_space<vmem_shared>>) dst(%arg16 : memref<64x128xf32, #tpu.memory_space<vmem>>)
        tpu.yield
      }) : () -> ()
      %run_scoped3A = arith.constant 0 : i32
      "tpu.region"() ({
        %run_scoped3A_218 = tpu.sem_alloc : memref<!tpu.dma_semaphore, #tpu.memory_space<semaphore_mem>>
        %dma_start3A = arith.constant 0 : i32
        %dma_start3A_219 = tpu.memref_slice %arg5[%arg0, %run_scoped3A, %add3A_217, %dma_start3A] : memref<2x2x5120x128xf32, #tpu.memory_space<hbm>> -> memref<1x1x64x128xf32, #tpu.memory_space<hbm>>
        %dma_start3A_220 = tpu.memref_squeeze %dma_start3A_219 : memref<1x1x64x128xf32, #tpu.memory_space<hbm>> -> memref<64x128xf32, #tpu.memory_space<hbm>>
        %dma_start3A_221 = arith.constant 0 : i32
        %dma_start3A_222 = tpu.memref_slice %arg5[%arg0, %run_scoped3A, %add3A_217, %dma_start3A_221] : memref<2x2x5120x128xf32, #tpu.memory_space<hbm>> -> memref<1x1x64x128xf32, #tpu.memory_space<hbm>>
        %dma_start3A_223 = tpu.memref_squeeze %dma_start3A_222 : memref<1x1x64x128xf32, #tpu.memory_space<hbm>> -> memref<64x128xf32, #tpu.memory_space<hbm>>
        tpu.enqueue_dma source(%arg16 : memref<64x128xf32, #tpu.memory_space<vmem>>) target(%dma_start3A_223 : memref<64x128xf32, #tpu.memory_space<hbm>>) target_semaphore(%run_scoped3A_218 : memref<!tpu.dma_semaphore, #tpu.memory_space<semaphore_mem>>)
        %dma_wait3A = arith.constant 0 : i32
        %dma_wait3A_224 = tpu.memref_slice %arg5[%arg0, %run_scoped3A, %add3A_217, %dma_wait3A] : memref<2x2x5120x128xf32, #tpu.memory_space<hbm>> -> memref<1x1x64x128xf32, #tpu.memory_space<hbm>>
        %dma_wait3A_225 = tpu.memref_squeeze %dma_wait3A_224 : memref<1x1x64x128xf32, #tpu.memory_space<hbm>> -> memref<64x128xf32, #tpu.memory_space<hbm>>
        %dma_wait3A_226 = arith.constant 0 : i32
        %dma_wait3A_227 = tpu.memref_slice %arg5[%arg0, %run_scoped3A, %add3A_217, %dma_wait3A_226] : memref<2x2x5120x128xf32, #tpu.memory_space<hbm>> -> memref<1x1x64x128xf32, #tpu.memory_space<hbm>>
        %dma_wait3A_228 = tpu.memref_squeeze %dma_wait3A_227 : memref<1x1x64x128xf32, #tpu.memory_space<hbm>> -> memref<64x128xf32, #tpu.memory_space<hbm>>
        tpu.wait_dma2 semaphore(%run_scoped3A_218 : memref<!tpu.dma_semaphore, #tpu.memory_space<semaphore_mem>>) src(%arg16 : memref<64x128xf32, #tpu.memory_space<vmem>>) dst(%dma_wait3A_228 : memref<64x128xf32, #tpu.memory_space<hbm>>)
        tpu.yield
      }) : () -> ()
    }
    %scan3A_145 = arith.constant 5 : i32
    %barrier3A_146 = arith.constant 0 : index
    tpu.barrier barrier_id(%barrier3A_146)
    %scan3A_147 = arith.constant 0 : i32
    %scan3A_148 = arith.constant 5 : i32
    %scan3A_149 = arith.addi %scan3A_147, %scan3A_148 : i32
    %scan3A_150 = arith.constant 1 : i32
    scf.for %scan3A_210 = %scan3A_147 to %scan3A_149 step %scan3A_150  : i32 {
      %mul3A_211 = arith.constant 64 : i32
      %mul3A_212 = arith.muli %scan3A_210, %mul3A_211 : i32
      %add3A_213 = arith.constant 0 : i32
      %add3A_214 = arith.addi %add3A_213, %mul3A_212 : i32
      %mul3A_215 = arith.constant 320 : i32
      %mul3A_216 = arith.muli %arg1, %mul3A_215 : i32
      %add3A_217 = arith.addi %mul3A_216, %add3A_214 : i32
      "tpu.region"() ({
        %run_scoped3A = tpu.sem_alloc : memref<!tpu.dma_semaphore, #tpu.memory_space<semaphore_mem>>
        %dma_start3A = arith.constant 0 : i32
        %dma_start3A_218 = tpu.memref_slice %arg17[%add3A_217, %dma_start3A] : memref<5120x128xf32, #tpu.memory_space<vmem_shared>> -> memref<64x128xf32, #tpu.memory_space<vmem_shared>>
        %dma_start3A_219 = arith.constant 0 : i32
        %dma_start3A_220 = tpu.memref_slice %arg17[%add3A_217, %dma_start3A_219] : memref<5120x128xf32, #tpu.memory_space<vmem_shared>> -> memref<64x128xf32, #tpu.memory_space<vmem_shared>>
        tpu.enqueue_dma source(%arg15 : memref<64x128xf32, #tpu.memory_space<vmem>>) target(%dma_start3A_220 : memref<64x128xf32, #tpu.memory_space<vmem_shared>>) target_semaphore(%run_scoped3A : memref<!tpu.dma_semaphore, #tpu.memory_space<semaphore_mem>>)
        %dma_wait3A = arith.constant 0 : i32
        %dma_wait3A_221 = tpu.memref_slice %arg17[%add3A_217, %dma_wait3A] : memref<5120x128xf32, #tpu.memory_space<vmem_shared>> -> memref<64x128xf32, #tpu.memory_space<vmem_shared>>
        %dma_wait3A_222 = arith.constant 0 : i32
        %dma_wait3A_223 = tpu.memref_slice %arg17[%add3A_217, %dma_wait3A_222] : memref<5120x128xf32, #tpu.memory_space<vmem_shared>> -> memref<64x128xf32, #tpu.memory_space<vmem_shared>>
        tpu.wait_dma2 semaphore(%run_scoped3A : memref<!tpu.dma_semaphore, #tpu.memory_space<semaphore_mem>>) src(%arg15 : memref<64x128xf32, #tpu.memory_space<vmem>>) dst(%dma_wait3A_223 : memref<64x128xf32, #tpu.memory_space<vmem_shared>>)
        tpu.yield
      }) : () -> ()
    }
    %scan3A_151 = arith.constant 5 : i32
    %barrier3A_152 = arith.constant 0 : index
    tpu.barrier barrier_id(%barrier3A_152)
    %get3A_153 = arith.constant 1 : i32
    %get3A_154 = arith.index_cast %get3A_153 : i32 to index
    %get3A_155 = memref.load %arg18[%get3A_154] : memref<2xi32, #tpu.memory_space<smem>>
    %add3A_156 = arith.constant 80 : i32
    %add3A_157 = arith.addi %get3A_155, %add3A_156 : i32
    %sub3A_158 = arith.constant 1 : i32
    %sub3A_159 = arith.subi %add3A_157, %sub3A_158 : i32
    %jit3A_160 = arith.constant 80 : i32
    %div3A_161 = arith.divsi %sub3A_159, %jit3A_160 : i32
    %sign3A_162 = arith.constant 0 : i32
    %sign3A_163 = arith.cmpi sgt, %sub3A_159, %sign3A_162 : i32
    %sign3A_164 = arith.extui %sign3A_163 : i1 to i32
    %sign3A_165 = arith.constant 0 : i32
    %sign3A_166 = arith.cmpi slt, %sub3A_159, %sign3A_165 : i32
    %sign3A_167 = arith.extui %sign3A_166 : i1 to i32
    %sign3A_168 = arith.subi %sign3A_164, %sign3A_167 : i32
    %sign3A_169 = arith.constant 0 : i32
    %sign3A_170 = arith.cmpi sgt, %jit3A_160, %sign3A_169 : i32
    %sign3A_171 = arith.extui %sign3A_170 : i1 to i32
    %sign3A_172 = arith.constant 0 : i32
    %sign3A_173 = arith.cmpi slt, %jit3A_160, %sign3A_172 : i32
    %sign3A_174 = arith.extui %sign3A_173 : i1 to i32
    %sign3A_175 = arith.subi %sign3A_171, %sign3A_174 : i32
    %ne3A_176 = arith.cmpi ne, %sign3A_168, %sign3A_175 : i32
    %rem3A_177 = arith.remsi %sub3A_159, %jit3A_160 : i32
    %ne3A_178 = arith.constant 0 : i32
    %ne3A_179 = arith.cmpi ne, %rem3A_177, %ne3A_178 : i32
    %and3A_180 = arith.andi %ne3A_176, %ne3A_179 : i1
    %sub3A_181 = arith.constant 1 : i32
    %sub3A_182 = arith.subi %div3A_161, %sub3A_181 : i32
    %select_n3A_183 = arith.select %and3A_180, %sub3A_182, %div3A_161 : i32
    %sub3A_184 = arith.constant 0 : i32
    %sub3A_185 = arith.subi %select_n3A_183, %sub3A_184 : i32
    %sub3A_186 = arith.constant 1 : i32
    %sub3A_187 = arith.constant 1 : i32
    %sub3A_188 = arith.subi %sub3A_186, %sub3A_187 : i32
    %add3A_189 = arith.addi %sub3A_185, %sub3A_188 : i32
    %div3A_190 = arith.constant 1 : i32
    %div3A_191 = arith.divsi %add3A_189, %div3A_190 : i32
    %while3A_192 = arith.constant 1 : i32
    %while3A_193 = arith.constant 0 : i32
    %while3A_194 = arith.constant 0 : i32
    %while3A_195 = arith.subi %div3A_191, %while3A_194 : i32
    %while3A_196 = arith.addi %while3A_194, %while3A_195 : i32
    %while3A_197 = arith.constant 1 : i32
    %while3A_198 = arith.divsi %while3A_195, %while3A_197 : i32
    %while3A_199 = arith.muli %while3A_198, %while3A_197 : i32
    %while3A_200 = arith.addi %while3A_194, %while3A_199 : i32
    %while3A_201 = arith.constant 1 : i32
    scf.for %while3A_210 = %while3A_194 to %while3A_200 step %while3A_201  : i32 {
      %mul3A_211 = arith.muli %while3A_210, %while3A_192 : i32
      %add3A_212 = arith.addi %while3A_193, %mul3A_211 : i32
      %mul3A_213 = arith.constant 80 : i32
      %mul3A_214 = arith.muli %add3A_212, %mul3A_213 : i32
      %add3A_215 = arith.constant 0 : i32
      %add3A_216 = arith.addi %mul3A_214, %add3A_215 : i32
      %get3A_217 = arith.index_cast %add3A_216 : i32 to index
      %get3A_218 = tpu.vector_load %arg10[%get3A_217] {strides = array<i32>} : memref<10096xi32, #tpu.memory_space<vmem>>, vector<16xi32>,
      %swap3A_219 = arith.constant 0 : index
      %swap3A_220 = tpu.vector_load %arg12[%swap3A_219] {strides = array<i32>} : memref<80xi32, #tpu.memory_space<vmem>>, vector<16xi32>,
      tpu.vector_store %arg12[%swap3A_219], %get3A_218 {strides = array<i32>} : memref<80xi32, #tpu.memory_space<vmem>>, vector<16xi32>,
      %mul3A_221 = arith.constant 80 : i32
      %mul3A_222 = arith.muli %add3A_212, %mul3A_221 : i32
      %add3A_223 = arith.constant 0 : i32
      %add3A_224 = arith.addi %mul3A_222, %add3A_223 : i32
      %get3A_225 = arith.index_cast %add3A_224 : i32 to index
      %get3A_226 = tpu.vector_load %arg11[%get3A_225] {strides = array<i32>} : memref<10096xi32, #tpu.memory_space<vmem>>, vector<16xi32>,
      %swap3A_227 = arith.constant 0 : index
      %swap3A_228 = tpu.vector_load %arg13[%swap3A_227] {strides = array<i32>} : memref<80xi32, #tpu.memory_space<vmem>>, vector<16xi32>,
      tpu.vector_store %arg13[%swap3A_227], %get3A_226 {strides = array<i32>} : memref<80xi32, #tpu.memory_space<vmem>>, vector<16xi32>,
      %mul3A_229 = arith.constant 80 : i32
      %mul3A_230 = arith.muli %add3A_212, %mul3A_229 : i32
      %add3A_231 = arith.constant 16 : i32
      %add3A_232 = arith.addi %mul3A_230, %add3A_231 : i32
      %get3A_233 = arith.index_cast %add3A_232 : i32 to index
      %get3A_234 = tpu.vector_load %arg10[%get3A_233] {strides = array<i32>} : memref<10096xi32, #tpu.memory_space<vmem>>, vector<16xi32>,
      %swap3A_235 = arith.constant 16 : index
      %swap3A_236 = tpu.vector_load %arg12[%swap3A_235] {strides = array<i32>} : memref<80xi32, #tpu.memory_space<vmem>>, vector<16xi32>,
      tpu.vector_store %arg12[%swap3A_235], %get3A_234 {strides = array<i32>} : memref<80xi32, #tpu.memory_space<vmem>>, vector<16xi32>,
      %mul3A_237 = arith.constant 80 : i32
      %mul3A_238 = arith.muli %add3A_212, %mul3A_237 : i32
      %add3A_239 = arith.constant 16 : i32
      %add3A_240 = arith.addi %mul3A_238, %add3A_239 : i32
      %get3A_241 = arith.index_cast %add3A_240 : i32 to index
      %get3A_242 = tpu.vector_load %arg11[%get3A_241] {strides = array<i32>} : memref<10096xi32, #tpu.memory_space<vmem>>, vector<16xi32>,
      %swap3A_243 = arith.constant 16 : index
      %swap3A_244 = tpu.vector_load %arg13[%swap3A_243] {strides = array<i32>} : memref<80xi32, #tpu.memory_space<vmem>>, vector<16xi32>,
      tpu.vector_store %arg13[%swap3A_243], %get3A_242 {strides = array<i32>} : memref<80xi32, #tpu.memory_space<vmem>>, vector<16xi32>,
      %mul3A_245 = arith.constant 80 : i32
      %mul3A_246 = arith.muli %add3A_212, %mul3A_245 : i32
      %add3A_247 = arith.constant 32 : i32
      %add3A_248 = arith.addi %mul3A_246, %add3A_247 : i32
      %get3A_249 = arith.index_cast %add3A_248 : i32 to index
      %get3A_250 = tpu.vector_load %arg10[%get3A_249] {strides = array<i32>} : memref<10096xi32, #tpu.memory_space<vmem>>, vector<16xi32>,
      %swap3A_251 = arith.constant 32 : index
      %swap3A_252 = tpu.vector_load %arg12[%swap3A_251] {strides = array<i32>} : memref<80xi32, #tpu.memory_space<vmem>>, vector<16xi32>,
      tpu.vector_store %arg12[%swap3A_251], %get3A_250 {strides = array<i32>} : memref<80xi32, #tpu.memory_space<vmem>>, vector<16xi32>,
      %mul3A_253 = arith.constant 80 : i32
      %mul3A_254 = arith.muli %add3A_212, %mul3A_253 : i32
      %add3A_255 = arith.constant 32 : i32
      %add3A_256 = arith.addi %mul3A_254, %add3A_255 : i32
      %get3A_257 = arith.index_cast %add3A_256 : i32 to index
      %get3A_258 = tpu.vector_load %arg11[%get3A_257] {strides = array<i32>} : memref<10096xi32, #tpu.memory_space<vmem>>, vector<16xi32>,
      %swap3A_259 = arith.constant 32 : index
      %swap3A_260 = tpu.vector_load %arg13[%swap3A_259] {strides = array<i32>} : memref<80xi32, #tpu.memory_space<vmem>>, vector<16xi32>,
      tpu.vector_store %arg13[%swap3A_259], %get3A_258 {strides = array<i32>} : memref<80xi32, #tpu.memory_space<vmem>>, vector<16xi32>,
      %mul3A_261 = arith.constant 80 : i32
      %mul3A_262 = arith.muli %add3A_212, %mul3A_261 : i32
      %add3A_263 = arith.constant 48 : i32
      %add3A_264 = arith.addi %mul3A_262, %add3A_263 : i32
      %get3A_265 = arith.index_cast %add3A_264 : i32 to index
      %get3A_266 = tpu.vector_load %arg10[%get3A_265] {strides = array<i32>} : memref<10096xi32, #tpu.memory_space<vmem>>, vector<16xi32>,
      %swap3A_267 = arith.constant 48 : index
      %swap3A_268 = tpu.vector_load %arg12[%swap3A_267] {strides = array<i32>} : memref<80xi32, #tpu.memory_space<vmem>>, vector<16xi32>,
      tpu.vector_store %arg12[%swap3A_267], %get3A_266 {strides = array<i32>} : memref<80xi32, #tpu.memory_space<vmem>>, vector<16xi32>,
      %mul3A_269 = arith.constant 80 : i32
      %mul3A_270 = arith.muli %add3A_212, %mul3A_269 : i32
      %add3A_271 = arith.constant 48 : i32
      %add3A_272 = arith.addi %mul3A_270, %add3A_271 : i32
      %get3A_273 = arith.index_cast %add3A_272 : i32 to index
      %get3A_274 = tpu.vector_load %arg11[%get3A_273] {strides = array<i32>} : memref<10096xi32, #tpu.memory_space<vmem>>, vector<16xi32>,
      %swap3A_275 = arith.constant 48 : index
      %swap3A_276 = tpu.vector_load %arg13[%swap3A_275] {strides = array<i32>} : memref<80xi32, #tpu.memory_space<vmem>>, vector<16xi32>,
      tpu.vector_store %arg13[%swap3A_275], %get3A_274 {strides = array<i32>} : memref<80xi32, #tpu.memory_space<vmem>>, vector<16xi32>,
      %mul3A_277 = arith.constant 80 : i32
      %mul3A_278 = arith.muli %add3A_212, %mul3A_277 : i32
      %add3A_279 = arith.constant 64 : i32
      %add3A_280 = arith.addi %mul3A_278, %add3A_279 : i32
      %get3A_281 = arith.index_cast %add3A_280 : i32 to index
      %get3A_282 = tpu.vector_load %arg10[%get3A_281] {strides = array<i32>} : memref<10096xi32, #tpu.memory_space<vmem>>, vector<16xi32>,
      %swap3A_283 = arith.constant 64 : index
      %swap3A_284 = tpu.vector_load %arg12[%swap3A_283] {strides = array<i32>} : memref<80xi32, #tpu.memory_space<vmem>>, vector<16xi32>,
      tpu.vector_store %arg12[%swap3A_283], %get3A_282 {strides = array<i32>} : memref<80xi32, #tpu.memory_space<vmem>>, vector<16xi32>,
      %mul3A_285 = arith.constant 80 : i32
      %mul3A_286 = arith.muli %add3A_212, %mul3A_285 : i32
      %add3A_287 = arith.constant 64 : i32
      %add3A_288 = arith.addi %mul3A_286, %add3A_287 : i32
      %get3A_289 = arith.index_cast %add3A_288 : i32 to index
      %get3A_290 = tpu.vector_load %arg11[%get3A_289] {strides = array<i32>} : memref<10096xi32, #tpu.memory_space<vmem>>, vector<16xi32>,
      %swap3A_291 = arith.constant 64 : index
      %swap3A_292 = tpu.vector_load %arg13[%swap3A_291] {strides = array<i32>} : memref<80xi32, #tpu.memory_space<vmem>>, vector<16xi32>,
      tpu.vector_store %arg13[%swap3A_291], %get3A_290 {strides = array<i32>} : memref<80xi32, #tpu.memory_space<vmem>>, vector<16xi32>,
      %dma_start3A = arith.constant 0 : i32
      %dma_start3A_293 = arith.constant 0 : i32
      %dma_start3A_294 = tpu.memref_slice %arg4[%dma_start3A, %dma_start3A_293] : memref<10000x128xf32, #tpu.memory_space<hbm>> -> memref<10000x128xf32, #tpu.memory_space<hbm>>
      tpu.enqueue_indirect_dma source(%dma_start3A_294 : memref<10000x128xf32, #tpu.memory_space<hbm>>) target(%arg14 : memref<80x128xf32, #tpu.memory_space<vmem>>) offsets(%arg12 : memref<80xi32, #tpu.memory_space<vmem>>) semaphore(%arg19 : memref<!tpu.dma_semaphore, #tpu.memory_space<semaphore_mem>>)
      %dma_wait3A = arith.constant 0 : i32
      %dma_wait3A_295 = arith.constant 0 : i32
      %dma_wait3A_296 = tpu.memref_slice %arg4[%dma_wait3A, %dma_wait3A_295] : memref<10000x128xf32, #tpu.memory_space<hbm>> -> memref<10000x128xf32, #tpu.memory_space<hbm>>
      tpu.wait_indirect_dma semaphore(%arg19 : memref<!tpu.dma_semaphore, #tpu.memory_space<semaphore_mem>>) src(%dma_wait3A_296 : memref<10000x128xf32, #tpu.memory_space<hbm>>) dst(%arg14 : memref<80x128xf32, #tpu.memory_space<vmem>>)
      "tpu.region"() ({
        %run_scoped3A = tpu.sem_alloc : memref<!tpu.dma_semaphore, #tpu.memory_space<semaphore_mem>>
        %dma_start3A_297 = arith.constant 0 : i32
        %dma_start3A_298 = arith.constant 0 : i32
        %dma_start3A_299 = tpu.memref_slice %arg17[%dma_start3A_297, %dma_start3A_298] : memref<5120x128xf32, #tpu.memory_space<vmem_shared>> -> memref<5120x128xf32, #tpu.memory_space<vmem_shared>>
        tpu.enqueue_indirect_dma source(%arg14 : memref<80x128xf32, #tpu.memory_space<vmem>>) target(%dma_start3A_299 : memref<5120x128xf32, #tpu.memory_space<vmem_shared>>) offsets(%arg13 : memref<80xi32, #tpu.memory_space<vmem>>) semaphore(%run_scoped3A : memref<!tpu.dma_semaphore, #tpu.memory_space<semaphore_mem>>) {add = true}
        %dma_wait3A_300 = arith.constant 0 : i32
        %dma_wait3A_301 = arith.constant 0 : i32
        %dma_wait3A_302 = tpu.memref_slice %arg17[%dma_wait3A_300, %dma_wait3A_301] : memref<5120x128xf32, #tpu.memory_space<vmem_shared>> -> memref<5120x128xf32, #tpu.memory_space<vmem_shared>>
        tpu.wait_indirect_dma semaphore(%run_scoped3A : memref<!tpu.dma_semaphore, #tpu.memory_space<semaphore_mem>>) src(%arg14 : memref<80x128xf32, #tpu.memory_space<vmem>>) dst(%dma_wait3A_302 : memref<5120x128xf32, #tpu.memory_space<vmem_shared>>)
        tpu.yield
      }) : () -> ()
    }
    %while3A_202 = arith.constant 1 : i32
    scf.for %while3A_210 = %while3A_200 to %while3A_196 step %while3A_202  : i32 {
      %mul3A_211 = arith.muli %while3A_210, %while3A_192 : i32
      %add3A_212 = arith.addi %while3A_193, %mul3A_211 : i32
      %mul3A_213 = arith.constant 80 : i32
      %mul3A_214 = arith.muli %add3A_212, %mul3A_213 : i32
      %add3A_215 = arith.constant 0 : i32
      %add3A_216 = arith.addi %mul3A_214, %add3A_215 : i32
      %get3A_217 = arith.index_cast %add3A_216 : i32 to index
      %get3A_218 = tpu.vector_load %arg10[%get3A_217] {strides = array<i32>} : memref<10096xi32, #tpu.memory_space<vmem>>, vector<16xi32>,
      %swap3A_219 = arith.constant 0 : index
      %swap3A_220 = tpu.vector_load %arg12[%swap3A_219] {strides = array<i32>} : memref<80xi32, #tpu.memory_space<vmem>>, vector<16xi32>,
      tpu.vector_store %arg12[%swap3A_219], %get3A_218 {strides = array<i32>} : memref<80xi32, #tpu.memory_space<vmem>>, vector<16xi32>,
      %mul3A_221 = arith.constant 80 : i32
      %mul3A_222 = arith.muli %add3A_212, %mul3A_221 : i32
      %add3A_223 = arith.constant 0 : i32
      %add3A_224 = arith.addi %mul3A_222, %add3A_223 : i32
      %get3A_225 = arith.index_cast %add3A_224 : i32 to index
      %get3A_226 = tpu.vector_load %arg11[%get3A_225] {strides = array<i32>} : memref<10096xi32, #tpu.memory_space<vmem>>, vector<16xi32>,
      %swap3A_227 = arith.constant 0 : index
      %swap3A_228 = tpu.vector_load %arg13[%swap3A_227] {strides = array<i32>} : memref<80xi32, #tpu.memory_space<vmem>>, vector<16xi32>,
      tpu.vector_store %arg13[%swap3A_227], %get3A_226 {strides = array<i32>} : memref<80xi32, #tpu.memory_space<vmem>>, vector<16xi32>,
      %mul3A_229 = arith.constant 80 : i32
      %mul3A_230 = arith.muli %add3A_212, %mul3A_229 : i32
      %add3A_231 = arith.constant 16 : i32
      %add3A_232 = arith.addi %mul3A_230, %add3A_231 : i32
      %get3A_233 = arith.index_cast %add3A_232 : i32 to index
      %get3A_234 = tpu.vector_load %arg10[%get3A_233] {strides = array<i32>} : memref<10096xi32, #tpu.memory_space<vmem>>, vector<16xi32>,
      %swap3A_235 = arith.constant 16 : index
      %swap3A_236 = tpu.vector_load %arg12[%swap3A_235] {strides = array<i32>} : memref<80xi32, #tpu.memory_space<vmem>>, vector<16xi32>,
      tpu.vector_store %arg12[%swap3A_235], %get3A_234 {strides = array<i32>} : memref<80xi32, #tpu.memory_space<vmem>>, vector<16xi32>,
      %mul3A_237 = arith.constant 80 : i32
      %mul3A_238 = arith.muli %add3A_212, %mul3A_237 : i32
      %add3A_239 = arith.constant 16 : i32
      %add3A_240 = arith.addi %mul3A_238, %add3A_239 : i32
      %get3A_241 = arith.index_cast %add3A_240 : i32 to index
      %get3A_242 = tpu.vector_load %arg11[%get3A_241] {strides = array<i32>} : memref<10096xi32, #tpu.memory_space<vmem>>, vector<16xi32>,
      %swap3A_243 = arith.constant 16 : index
      %swap3A_244 = tpu.vector_load %arg13[%swap3A_243] {strides = array<i32>} : memref<80xi32, #tpu.memory_space<vmem>>, vector<16xi32>,
      tpu.vector_store %arg13[%swap3A_243], %get3A_242 {strides = array<i32>} : memref<80xi32, #tpu.memory_space<vmem>>, vector<16xi32>,
      %mul3A_245 = arith.constant 80 : i32
      %mul3A_246 = arith.muli %add3A_212, %mul3A_245 : i32
      %add3A_247 = arith.constant 32 : i32
      %add3A_248 = arith.addi %mul3A_246, %add3A_247 : i32
      %get3A_249 = arith.index_cast %add3A_248 : i32 to index
      %get3A_250 = tpu.vector_load %arg10[%get3A_249] {strides = array<i32>} : memref<10096xi32, #tpu.memory_space<vmem>>, vector<16xi32>,
      %swap3A_251 = arith.constant 32 : index
      %swap3A_252 = tpu.vector_load %arg12[%swap3A_251] {strides = array<i32>} : memref<80xi32, #tpu.memory_space<vmem>>, vector<16xi32>,
      tpu.vector_store %arg12[%swap3A_251], %get3A_250 {strides = array<i32>} : memref<80xi32, #tpu.memory_space<vmem>>, vector<16xi32>,
      %mul3A_253 = arith.constant 80 : i32
      %mul3A_254 = arith.muli %add3A_212, %mul3A_253 : i32
      %add3A_255 = arith.constant 32 : i32
      %add3A_256 = arith.addi %mul3A_254, %add3A_255 : i32
      %get3A_257 = arith.index_cast %add3A_256 : i32 to index
      %get3A_258 = tpu.vector_load %arg11[%get3A_257] {strides = array<i32>} : memref<10096xi32, #tpu.memory_space<vmem>>, vector<16xi32>,
      %swap3A_259 = arith.constant 32 : index
      %swap3A_260 = tpu.vector_load %arg13[%swap3A_259] {strides = array<i32>} : memref<80xi32, #tpu.memory_space<vmem>>, vector<16xi32>,
      tpu.vector_store %arg13[%swap3A_259], %get3A_258 {strides = array<i32>} : memref<80xi32, #tpu.memory_space<vmem>>, vector<16xi32>,
      %mul3A_261 = arith.constant 80 : i32
      %mul3A_262 = arith.muli %add3A_212, %mul3A_261 : i32
      %add3A_263 = arith.constant 48 : i32
      %add3A_264 = arith.addi %mul3A_262, %add3A_263 : i32
      %get3A_265 = arith.index_cast %add3A_264 : i32 to index
      %get3A_266 = tpu.vector_load %arg10[%get3A_265] {strides = array<i32>} : memref<10096xi32, #tpu.memory_space<vmem>>, vector<16xi32>,
      %swap3A_267 = arith.constant 48 : index
      %swap3A_268 = tpu.vector_load %arg12[%swap3A_267] {strides = array<i32>} : memref<80xi32, #tpu.memory_space<vmem>>, vector<16xi32>,
      tpu.vector_store %arg12[%swap3A_267], %get3A_266 {strides = array<i32>} : memref<80xi32, #tpu.memory_space<vmem>>, vector<16xi32>,
      %mul3A_269 = arith.constant 80 : i32
      %mul3A_270 = arith.muli %add3A_212, %mul3A_269 : i32
      %add3A_271 = arith.constant 48 : i32
      %add3A_272 = arith.addi %mul3A_270, %add3A_271 : i32
      %get3A_273 = arith.index_cast %add3A_272 : i32 to index
      %get3A_274 = tpu.vector_load %arg11[%get3A_273] {strides = array<i32>} : memref<10096xi32, #tpu.memory_space<vmem>>, vector<16xi32>,
      %swap3A_275 = arith.constant 48 : index
      %swap3A_276 = tpu.vector_load %arg13[%swap3A_275] {strides = array<i32>} : memref<80xi32, #tpu.memory_space<vmem>>, vector<16xi32>,
      tpu.vector_store %arg13[%swap3A_275], %get3A_274 {strides = array<i32>} : memref<80xi32, #tpu.memory_space<vmem>>, vector<16xi32>,
      %mul3A_277 = arith.constant 80 : i32
      %mul3A_278 = arith.muli %add3A_212, %mul3A_277 : i32
      %add3A_279 = arith.constant 64 : i32
      %add3A_280 = arith.addi %mul3A_278, %add3A_279 : i32
      %get3A_281 = arith.index_cast %add3A_280 : i32 to index
      %get3A_282 = tpu.vector_load %arg10[%get3A_281] {strides = array<i32>} : memref<10096xi32, #tpu.memory_space<vmem>>, vector<16xi32>,
      %swap3A_283 = arith.constant 64 : index
      %swap3A_284 = tpu.vector_load %arg12[%swap3A_283] {strides = array<i32>} : memref<80xi32, #tpu.memory_space<vmem>>, vector<16xi32>,
      tpu.vector_store %arg12[%swap3A_283], %get3A_282 {strides = array<i32>} : memref<80xi32, #tpu.memory_space<vmem>>, vector<16xi32>,
      %mul3A_285 = arith.constant 80 : i32
      %mul3A_286 = arith.muli %add3A_212, %mul3A_285 : i32
      %add3A_287 = arith.constant 64 : i32
      %add3A_288 = arith.addi %mul3A_286, %add3A_287 : i32
      %get3A_289 = arith.index_cast %add3A_288 : i32 to index
      %get3A_290 = tpu.vector_load %arg11[%get3A_289] {strides = array<i32>} : memref<10096xi32, #tpu.memory_space<vmem>>, vector<16xi32>,
      %swap3A_291 = arith.constant 64 : index
      %swap3A_292 = tpu.vector_load %arg13[%swap3A_291] {strides = array<i32>} : memref<80xi32, #tpu.memory_space<vmem>>, vector<16xi32>,
      tpu.vector_store %arg13[%swap3A_291], %get3A_290 {strides = array<i32>} : memref<80xi32, #tpu.memory_space<vmem>>, vector<16xi32>,
      %dma_start3A = arith.constant 0 : i32
      %dma_start3A_293 = arith.constant 0 : i32
      %dma_start3A_294 = tpu.memref_slice %arg4[%dma_start3A, %dma_start3A_293] : memref<10000x128xf32, #tpu.memory_space<hbm>> -> memref<10000x128xf32, #tpu.memory_space<hbm>>
      tpu.enqueue_indirect_dma source(%dma_start3A_294 : memref<10000x128xf32, #tpu.memory_space<hbm>>) target(%arg14 : memref<80x128xf32, #tpu.memory_space<vmem>>) offsets(%arg12 : memref<80xi32, #tpu.memory_space<vmem>>) semaphore(%arg19 : memref<!tpu.dma_semaphore, #tpu.memory_space<semaphore_mem>>)
      %dma_wait3A = arith.constant 0 : i32
      %dma_wait3A_295 = arith.constant 0 : i32
      %dma_wait3A_296 = tpu.memref_slice %arg4[%dma_wait3A, %dma_wait3A_295] : memref<10000x128xf32, #tpu.memory_space<hbm>> -> memref<10000x128xf32, #tpu.memory_space<hbm>>
      tpu.wait_indirect_dma semaphore(%arg19 : memref<!tpu.dma_semaphore, #tpu.memory_space<semaphore_mem>>) src(%dma_wait3A_296 : memref<10000x128xf32, #tpu.memory_space<hbm>>) dst(%arg14 : memref<80x128xf32, #tpu.memory_space<vmem>>)
      "tpu.region"() ({
        %run_scoped3A = tpu.sem_alloc : memref<!tpu.dma_semaphore, #tpu.memory_space<semaphore_mem>>
        %dma_start3A_297 = arith.constant 0 : i32
        %dma_start3A_298 = arith.constant 0 : i32
        %dma_start3A_299 = tpu.memref_slice %arg17[%dma_start3A_297, %dma_start3A_298] : memref<5120x128xf32, #tpu.memory_space<vmem_shared>> -> memref<5120x128xf32, #tpu.memory_space<vmem_shared>>
        tpu.enqueue_indirect_dma source(%arg14 : memref<80x128xf32, #tpu.memory_space<vmem>>) target(%dma_start3A_299 : memref<5120x128xf32, #tpu.memory_space<vmem_shared>>) offsets(%arg13 : memref<80xi32, #tpu.memory_space<vmem>>) semaphore(%run_scoped3A : memref<!tpu.dma_semaphore, #tpu.memory_space<semaphore_mem>>) {add = true}
        %dma_wait3A_300 = arith.constant 0 : i32
        %dma_wait3A_301 = arith.constant 0 : i32
        %dma_wait3A_302 = tpu.memref_slice %arg17[%dma_wait3A_300, %dma_wait3A_301] : memref<5120x128xf32, #tpu.memory_space<vmem_shared>> -> memref<5120x128xf32, #tpu.memory_space<vmem_shared>>
        tpu.wait_indirect_dma semaphore(%run_scoped3A : memref<!tpu.dma_semaphore, #tpu.memory_space<semaphore_mem>>) src(%arg14 : memref<80x128xf32, #tpu.memory_space<vmem>>) dst(%dma_wait3A_302 : memref<5120x128xf32, #tpu.memory_space<vmem_shared>>)
        tpu.yield
      }) : () -> ()
    }
    %barrier3A_203 = arith.constant 0 : index
    tpu.barrier barrier_id(%barrier3A_203)
    %scan3A_204 = arith.constant 0 : i32
    %scan3A_205 = arith.constant 5 : i32
    %scan3A_206 = arith.addi %scan3A_204, %scan3A_205 : i32
    %scan3A_207 = arith.constant 1 : i32
    scf.for %scan3A_210 = %scan3A_204 to %scan3A_206 step %scan3A_207  : i32 {
      %mul3A_211 = arith.constant 64 : i32
      %mul3A_212 = arith.muli %scan3A_210, %mul3A_211 : i32
      %add3A_213 = arith.constant 0 : i32
      %add3A_214 = arith.addi %add3A_213, %mul3A_212 : i32
      %mul3A_215 = arith.constant 320 : i32
      %mul3A_216 = arith.muli %arg1, %mul3A_215 : i32
      %add3A_217 = arith.addi %mul3A_216, %add3A_214 : i32
      "tpu.region"() ({
        %run_scoped3A_218 = tpu.sem_alloc : memref<!tpu.dma_semaphore, #tpu.memory_space<semaphore_mem>>
        %dma_start3A = arith.constant 0 : i32
        %dma_start3A_219 = tpu.memref_slice %arg17[%add3A_217, %dma_start3A] : memref<5120x128xf32, #tpu.memory_space<vmem_shared>> -> memref<64x128xf32, #tpu.memory_space<vmem_shared>>
        %dma_start3A_220 = arith.constant 0 : i32
        %dma_start3A_221 = tpu.memref_slice %arg17[%add3A_217, %dma_start3A_220] : memref<5120x128xf32, #tpu.memory_space<vmem_shared>> -> memref<64x128xf32, #tpu.memory_space<vmem_shared>>
        tpu.enqueue_dma source(%dma_start3A_221 : memref<64x128xf32, #tpu.memory_space<vmem_shared>>) target(%arg16 : memref<64x128xf32, #tpu.memory_space<vmem>>) target_semaphore(%run_scoped3A_218 : memref<!tpu.dma_semaphore, #tpu.memory_space<semaphore_mem>>)
        %dma_wait3A = arith.constant 0 : i32
        %dma_wait3A_222 = tpu.memref_slice %arg17[%add3A_217, %dma_wait3A] : memref<5120x128xf32, #tpu.memory_space<vmem_shared>> -> memref<64x128xf32, #tpu.memory_space<vmem_shared>>
        %dma_wait3A_223 = arith.constant 0 : i32
        %dma_wait3A_224 = tpu.memref_slice %arg17[%add3A_217, %dma_wait3A_223] : memref<5120x128xf32, #tpu.memory_space<vmem_shared>> -> memref<64x128xf32, #tpu.memory_space<vmem_shared>>
        tpu.wait_dma2 semaphore(%run_scoped3A_218 : memref<!tpu.dma_semaphore, #tpu.memory_space<semaphore_mem>>) src(%dma_wait3A_224 : memref<64x128xf32, #tpu.memory_space<vmem_shared>>) dst(%arg16 : memref<64x128xf32, #tpu.memory_space<vmem>>)
        tpu.yield
      }) : () -> ()
      %run_scoped3A = arith.constant 1 : i32
      "tpu.region"() ({
        %run_scoped3A_218 = tpu.sem_alloc : memref<!tpu.dma_semaphore, #tpu.memory_space<semaphore_mem>>
        %dma_start3A = arith.constant 0 : i32
        %dma_start3A_219 = tpu.memref_slice %arg5[%arg0, %run_scoped3A, %add3A_217, %dma_start3A] : memref<2x2x5120x128xf32, #tpu.memory_space<hbm>> -> memref<1x1x64x128xf32, #tpu.memory_space<hbm>>
        %dma_start3A_220 = tpu.memref_squeeze %dma_start3A_219 : memref<1x1x64x128xf32, #tpu.memory_space<hbm>> -> memref<64x128xf32, #tpu.memory_space<hbm>>
        %dma_start3A_221 = arith.constant 0 : i32
        %dma_start3A_222 = tpu.memref_slice %arg5[%arg0, %run_scoped3A, %add3A_217, %dma_start3A_221] : memref<2x2x5120x128xf32, #tpu.memory_space<hbm>> -> memref<1x1x64x128xf32, #tpu.memory_space<hbm>>
        %dma_start3A_223 = tpu.memref_squeeze %dma_start3A_222 : memref<1x1x64x128xf32, #tpu.memory_space<hbm>> -> memref<64x128xf32, #tpu.memory_space<hbm>>
        tpu.enqueue_dma source(%arg16 : memref<64x128xf32, #tpu.memory_space<vmem>>) target(%dma_start3A_223 : memref<64x128xf32, #tpu.memory_space<hbm>>) target_semaphore(%run_scoped3A_218 : memref<!tpu.dma_semaphore, #tpu.memory_space<semaphore_mem>>)
        %dma_wait3A = arith.constant 0 : i32
        %dma_wait3A_224 = tpu.memref_slice %arg5[%arg0, %run_scoped3A, %add3A_217, %dma_wait3A] : memref<2x2x5120x128xf32, #tpu.memory_space<hbm>> -> memref<1x1x64x128xf32, #tpu.memory_space<hbm>>
        %dma_wait3A_225 = tpu.memref_squeeze %dma_wait3A_224 : memref<1x1x64x128xf32, #tpu.memory_space<hbm>> -> memref<64x128xf32, #tpu.memory_space<hbm>>
        %dma_wait3A_226 = arith.constant 0 : i32
        %dma_wait3A_227 = tpu.memref_slice %arg5[%arg0, %run_scoped3A, %add3A_217, %dma_wait3A_226] : memref<2x2x5120x128xf32, #tpu.memory_space<hbm>> -> memref<1x1x64x128xf32, #tpu.memory_space<hbm>>
        %dma_wait3A_228 = tpu.memref_squeeze %dma_wait3A_227 : memref<1x1x64x128xf32, #tpu.memory_space<hbm>> -> memref<64x128xf32, #tpu.memory_space<hbm>>
        tpu.wait_dma2 semaphore(%run_scoped3A_218 : memref<!tpu.dma_semaphore, #tpu.memory_space<semaphore_mem>>) src(%arg16 : memref<64x128xf32, #tpu.memory_space<vmem>>) dst(%dma_wait3A_228 : memref<64x128xf32, #tpu.memory_space<hbm>>)
        tpu.yield
      }) : () -> ()
    }
    %scan3A_208 = arith.constant 5 : i32
    %barrier3A_209 = arith.constant 0 : index
    tpu.barrier barrier_id(%barrier3A_209)
    return
  }
}

#map = affine_map<(d0, d1) -> (0)>
#map1 = affine_map<(d0, d1) -> (0, 0)>
#map2 = affine_map<(d0, d1) -> (0, 0, 0, 0)>
module attributes {stable_mosaic.version = 14 : i64} {
  func.func @_aggregate(%arg0: i32, %arg1: i32, %arg2: memref<320000xi32, #tpu.memory_space<hbm>>, %arg3: memref<320000xi32, #tpu.memory_space<hbm>>, %arg4: memref<10000x128xf32, #tpu.memory_space<hbm>>, %arg5: memref<2x2x5120x128xf32, #tpu.memory_space<hbm>>, %arg6: memref<10000xi32, #tpu.memory_space<vmem>>, %arg7: memref<10000xi32, #tpu.memory_space<vmem>>, %arg8: memref<10096xi32, #tpu.memory_space<vmem>>, %arg9: memref<10096xi32, #tpu.memory_space<vmem>>, %arg10: memref<10096xi32, #tpu.memory_space<vmem>>, %arg11: memref<10096xi32, #tpu.memory_space<vmem>>, %arg12: memref<80xi32, #tpu.memory_space<vmem>>, %arg13: memref<80xi32, #tpu.memory_space<vmem>>, %arg14: memref<80x128xf32, #tpu.memory_space<vmem>>, %arg15: memref<64x128xf32, #tpu.memory_space<vmem>>, %arg16: memref<64x128xf32, #tpu.memory_space<vmem>>, %arg17: memref<5120x128xf32, #tpu.memory_space<vmem_shared>>, %arg18: memref<2xi32, #tpu.memory_space<smem>>, %arg19: memref<!tpu.dma_semaphore, #tpu.memory_space<semaphore_mem>>) attributes {dimension_semantics = [#tpu.dimension_semantics<core_parallel>, #tpu.dimension_semantics<subcore_parallel>], iteration_bounds = array<i64: 2, 16>, scalar_prefetch = 0 : i64, scratch_operands = 14 : i64, tpu.core_type = #tpu.core_type<sc_vector_subcore>, window_params = [{transform_indices = #map}, {transform_indices = #map}, {transform_indices = #map1}, {transform_indices = #map2}]} {
    %mul3A = arith.constant 16 : i32
    %mul3A_0 = arith.muli %arg0, %mul3A : i32
    %add3A = arith.addi %mul3A_0, %arg1 : i32
    %mul3A_1 = arith.constant 10000 : i32
    %mul3A_2 = arith.muli %add3A, %mul3A_1 : i32
    "tpu.region"() ({
      %run_scoped3A = tpu.sem_alloc : memref<!tpu.dma_semaphore, #tpu.memory_space<semaphore_mem>>
      %dma_start3A = tpu.memref_slice %arg2[%mul3A_2] : memref<320000xi32, #tpu.memory_space<hbm>> -> memref<10000xi32, #tpu.memory_space<hbm>>
      %dma_start3A_210 = tpu.memref_slice %arg2[%mul3A_2] : memref<320000xi32, #tpu.memory_space<hbm>> -> memref<10000xi32, #tpu.memory_space<hbm>>
      tpu.enqueue_dma source(%dma_start3A_210 : memref<10000xi32, #tpu.memory_space<hbm>>) target(%arg6 : memref<10000xi32, #tpu.memory_space<vmem>>) target_semaphore(%run_scoped3A : memref<!tpu.dma_semaphore, #tpu.memory_space<semaphore_mem>>)
      %dma_wait3A = tpu.memref_slice %arg2[%mul3A_2] : memref<320000xi32, #tpu.memory_space<hbm>> -> memref<10000xi32, #tpu.memory_space<hbm>>
      %dma_wait3A_211 = tpu.memref_slice %arg2[%mul3A_2] : memref<320000xi32, #tpu.memory_space<hbm>> -> memref<10000xi32, #tpu.memory_space<hbm>>
      tpu.wait_dma2 semaphore(%run_scoped3A : memref<!tpu.dma_semaphore, #tpu.memory_space<semaphore_mem>>) src(%dma_wait3A_211 : memref<10000xi32, #tpu.memory_space<hbm>>) dst(%arg6 : memref<10000xi32, #tpu.memory_space<vmem>>)
      tpu.yield
    }) : () -> ()
    %mul3A_3 = arith.constant 10000 : i32
    %mul3A_4 = arith.muli %add3A, %mul3A_3 : i32
    "tpu.region"() ({
      %run_scoped3A = tpu.sem_alloc : memref<!tpu.dma_semaphore, #tpu.memory_space<semaphore_mem>>
      %dma_start3A = tpu.memref_slice %arg3[%mul3A_4] : memref<320000xi32, #tpu.memory_space<hbm>> -> memref<10000xi32, #tpu.memory_space<hbm>>
      %dma_start3A_210 = tpu.memref_slice %arg3[%mul3A_4] : memref<320000xi32, #tpu.memory_space<hbm>> -> memref<10000xi32, #tpu.memory_space<hbm>>
      tpu.enqueue_dma source(%dma_start3A_210 : memref<10000xi32, #tpu.memory_space<hbm>>) target(%arg7 : memref<10000xi32, #tpu.memory_space<vmem>>) target_semaphore(%run_scoped3A : memref<!tpu.dma_semaphore, #tpu.memory_space<semaphore_mem>>)
      %dma_wait3A = tpu.memref_slice %arg3[%mul3A_4] : memref<320000xi32, #tpu.memory_space<hbm>> -> memref<10000xi32, #tpu.memory_space<hbm>>
      %dma_wait3A_211 = tpu.memref_slice %arg3[%mul3A_4] : memref<320000xi32, #tpu.memory_space<hbm>> -> memref<10000xi32, #tpu.memory_space<hbm>>
      tpu.wait_dma2 semaphore(%run_scoped3A : memref<!tpu.dma_semaphore, #tpu.memory_space<semaphore_mem>>) src(%dma_wait3A_211 : memref<10000xi32, #tpu.memory_space<hbm>>) dst(%arg7 : memref<10000xi32, #tpu.memory_space<vmem>>)
      tpu.yield
    }) : () -> ()
    %scan3A = arith.constant 0 : i32
    %scan3A_5 = arith.constant 64 : i32
    %scan3A_6 = arith.addi %scan3A, %scan3A_5 : i32
    %scan3A_7 = arith.constant 1 : i32
    scf.for %scan3A_210 = %scan3A to %scan3A_6 step %scan3A_7  : i32 {
      %mul3A_211 = arith.constant 1 : i32
      %mul3A_212 = arith.muli %scan3A_210, %mul3A_211 : i32
      %add3A_213 = arith.constant 0 : i32
      %add3A_214 = arith.addi %add3A_213, %mul3A_212 : i32
      %broadcast_in_dim3A = arith.constant 0.000000e+00 : f32
      %broadcast_in_dim3A_215 = vector.broadcast %broadcast_in_dim3A : f32 to vector<16xf32>
      %swap3A_216 = arith.index_cast %add3A_214 : i32 to index
      %swap3A_217 = arith.constant 0 : index
      %swap3A_218 = tpu.vector_load %arg15[%swap3A_216, %swap3A_217] {strides = array<i32>} : memref<64x128xf32, #tpu.memory_space<vmem>>, vector<16xf32>,
      tpu.vector_store %arg15[%swap3A_216, %swap3A_217], %broadcast_in_dim3A_215 {strides = array<i32>} : memref<64x128xf32, #tpu.memory_space<vmem>>, vector<16xf32>,
      %broadcast_in_dim3A_219 = arith.constant 0.000000e+00 : f32
      %broadcast_in_dim3A_220 = vector.broadcast %broadcast_in_dim3A_219 : f32 to vector<16xf32>
      %swap3A_221 = arith.index_cast %add3A_214 : i32 to index
      %swap3A_222 = arith.constant 16 : index
      %swap3A_223 = tpu.vector_load %arg15[%swap3A_221, %swap3A_222] {strides = array<i32>} : memref<64x128xf32, #tpu.memory_space<vmem>>, vector<16xf32>,
      tpu.vector_store %arg15[%swap3A_221, %swap3A_222], %broadcast_in_dim3A_220 {strides = array<i32>} : memref<64x128xf32, #tpu.memory_space<vmem>>, vector<16xf32>,
      %broadcast_in_dim3A_224 = arith.constant 0.000000e+00 : f32
      %broadcast_in_dim3A_225 = vector.broadcast %broadcast_in_dim3A_224 : f32 to vector<16xf32>
      %swap3A_226 = arith.index_cast %add3A_214 : i32 to index
      %swap3A_227 = arith.constant 32 : index
      %swap3A_228 = tpu.vector_load %arg15[%swap3A_226, %swap3A_227] {strides = array<i32>} : memref<64x128xf32, #tpu.memory_space<vmem>>, vector<16xf32>,
      tpu.vector_store %arg15[%swap3A_226, %swap3A_227], %broadcast_in_dim3A_225 {strides = array<i32>} : memref<64x128xf32, #tpu.memory_space<vmem>>, vector<16xf32>,
      %broadcast_in_dim3A_229 = arith.constant 0.000000e+00 : f32
      %broadcast_in_dim3A_230 = vector.broadcast %broadcast_in_dim3A_229 : f32 to vector<16xf32>
      %swap3A_231 = arith.index_cast %add3A_214 : i32 to index
      %swap3A_232 = arith.constant 48 : index
      %swap3A_233 = tpu.vector_load %arg15[%swap3A_231, %swap3A_232] {strides = array<i32>} : memref<64x128xf32, #tpu.memory_space<vmem>>, vector<16xf32>,
      tpu.vector_store %arg15[%swap3A_231, %swap3A_232], %broadcast_in_dim3A_230 {strides = array<i32>} : memref<64x128xf32, #tpu.memory_space<vmem>>, vector<16xf32>,
      %broadcast_in_dim3A_234 = arith.constant 0.000000e+00 : f32
      %broadcast_in_dim3A_235 = vector.broadcast %broadcast_in_dim3A_234 : f32 to vector<16xf32>
      %swap3A_236 = arith.index_cast %add3A_214 : i32 to index
      %swap3A_237 = arith.constant 64 : index
      %swap3A_238 = tpu.vector_load %arg15[%swap3A_236, %swap3A_237] {strides = array<i32>} : memref<64x128xf32, #tpu.memory_space<vmem>>, vector<16xf32>,
      tpu.vector_store %arg15[%swap3A_236, %swap3A_237], %broadcast_in_dim3A_235 {strides = array<i32>} : memref<64x128xf32, #tpu.memory_space<vmem>>, vector<16xf32>,
      %broadcast_in_dim3A_239 = arith.constant 0.000000e+00 : f32
      %broadcast_in_dim3A_240 = vector.broadcast %broadcast_in_dim3A_239 : f32 to vector<16xf32>
      %swap3A_241 = arith.index_cast %add3A_214 : i32 to index
      %swap3A_242 = arith.constant 80 : index
      %swap3A_243 = tpu.vector_load %arg15[%swap3A_241, %swap3A_242] {strides = array<i32>} : memref<64x128xf32, #tpu.memory_space<vmem>>, vector<16xf32>,
      tpu.vector_store %arg15[%swap3A_241, %swap3A_242], %broadcast_in_dim3A_240 {strides = array<i32>} : memref<64x128xf32, #tpu.memory_space<vmem>>, vector<16xf32>,
      %broadcast_in_dim3A_244 = arith.constant 0.000000e+00 : f32
      %broadcast_in_dim3A_245 = vector.broadcast %broadcast_in_dim3A_244 : f32 to vector<16xf32>
      %swap3A_246 = arith.index_cast %add3A_214 : i32 to index
      %swap3A_247 = arith.constant 96 : index
      %swap3A_248 = tpu.vector_load %arg15[%swap3A_246, %swap3A_247] {strides = array<i32>} : memref<64x128xf32, #tpu.memory_space<vmem>>, vector<16xf32>,
      tpu.vector_store %arg15[%swap3A_246, %swap3A_247], %broadcast_in_dim3A_245 {strides = array<i32>} : memref<64x128xf32, #tpu.memory_space<vmem>>, vector<16xf32>,
      %broadcast_in_dim3A_249 = arith.constant 0.000000e+00 : f32
      %broadcast_in_dim3A_250 = vector.broadcast %broadcast_in_dim3A_249 : f32 to vector<16xf32>
      %swap3A_251 = arith.index_cast %add3A_214 : i32 to index
      %swap3A_252 = arith.constant 112 : index
      %swap3A_253 = tpu.vector_load %arg15[%swap3A_251, %swap3A_252] {strides = array<i32>} : memref<64x128xf32, #tpu.memory_space<vmem>>, vector<16xf32>,
      tpu.vector_store %arg15[%swap3A_251, %swap3A_252], %broadcast_in_dim3A_250 {strides = array<i32>} : memref<64x128xf32, #tpu.memory_space<vmem>>, vector<16xf32>,
    }
    %scan3A_8 = arith.constant 64 : i32
    %swap3A = arith.constant 0 : i32
    %swap3A_9 = arith.constant 0 : i32
    %swap3A_10 = arith.index_cast %swap3A_9 : i32 to index
    %swap3A_11 = memref.load %arg18[%swap3A_10] : memref<2xi32, #tpu.memory_space<smem>>
    memref.store %swap3A, %arg18[%swap3A_10] : memref<2xi32, #tpu.memory_space<smem>>
    %swap3A_12 = arith.constant 0 : i32
    %swap3A_13 = arith.constant 1 : i32
    %swap3A_14 = arith.index_cast %swap3A_13 : i32 to index
    %swap3A_15 = memref.load %arg18[%swap3A_14] : memref<2xi32, #tpu.memory_space<smem>>
    memref.store %swap3A_12, %arg18[%swap3A_14] : memref<2xi32, #tpu.memory_space<smem>>
    %scan3A_16 = arith.constant 0 : i32
    %scan3A_17 = arith.constant 625 : i32
    %scan3A_18 = arith.addi %scan3A_16, %scan3A_17 : i32
    %scan3A_19 = arith.constant 1 : i32
    scf.for %scan3A_210 = %scan3A_16 to %scan3A_18 step %scan3A_19  : i32 {
      %mul3A_211 = arith.constant 16 : i32
      %mul3A_212 = arith.muli %scan3A_210, %mul3A_211 : i32
      %add3A_213 = arith.constant 0 : i32
      %add3A_214 = arith.addi %add3A_213, %mul3A_212 : i32
      %get3A_215 = arith.index_cast %add3A_214 : i32 to index
      %get3A_216 = tpu.vector_load %arg7[%get3A_215] {strides = array<i32>} : memref<10000xi32, #tpu.memory_space<vmem>>, vector<16xi32>,
      %get3A_217 = arith.index_cast %add3A_214 : i32 to index
      %get3A_218 = tpu.vector_load %arg6[%get3A_217] {strides = array<i32>} : memref<10000xi32, #tpu.memory_space<vmem>>, vector<16xi32>,
      %lt3A_219 = arith.constant 5000 : i32
      %lt3A_220 = vector.broadcast %lt3A_219 : i32 to vector<16xi32>
      %lt3A_221 = arith.cmpi slt, %get3A_216, %lt3A_220 : vector<16xi32>
      %get3A_222 = arith.constant 0 : i32
      %get3A_223 = arith.index_cast %get3A_222 : i32 to index
      %get3A_224 = memref.load %arg18[%get3A_223] : memref<2xi32, #tpu.memory_space<smem>>
      %swap3A_225 = arith.index_cast %get3A_224 : i32 to index
      %swap3A_226 = tpu.vector_load %arg9[%swap3A_225] masked %lt3A_221 {strides = array<i32>} : memref<10096xi32, #tpu.memory_space<vmem>>, vector<16xi32>, vector<16xi1>
      tpu.vector_store %arg9[%swap3A_225], %get3A_216 masked %lt3A_221 {strides = array<i32>} : memref<10096xi32, #tpu.memory_space<vmem>>, vector<16xi32>, vector<16xi1>
      %swap3A_227 = arith.index_cast %get3A_224 : i32 to index
      %swap3A_228 = tpu.vector_load %arg8[%swap3A_227] masked %lt3A_221 {strides = array<i32>} : memref<10096xi32, #tpu.memory_space<vmem>>, vector<16xi32>, vector<16xi1>
      tpu.vector_store %arg8[%swap3A_227], %get3A_218 masked %lt3A_221 {strides = array<i32>} : memref<10096xi32, #tpu.memory_space<vmem>>, vector<16xi32>, vector<16xi1>
      %convert_element_type3A = arith.extui %lt3A_221 : vector<16xi1> to vector<16xi32>
      %reduce_sum3A = arith.constant true
      %reduce_sum3A_229 = vector.broadcast %reduce_sum3A : i1 to vector<16xi1>
      %reduce_sum3A_230 = tpu.scan <sum>, %convert_element_type3A masked %reduce_sum3A_229 : vector<16xi32>, vector<16xi1> -> vector<16xi32>
      %reduce_sum3A_231 = vector.extract %reduce_sum3A_230[15] : i32 from vector<16xi32>
      %add3A_232 = arith.addi %get3A_224, %reduce_sum3A_231 : i32
      %swap3A_233 = arith.constant 0 : i32
      %swap3A_234 = arith.index_cast %swap3A_233 : i32 to index
      %swap3A_235 = memref.load %arg18[%swap3A_234] : memref<2xi32, #tpu.memory_space<smem>>
      memref.store %add3A_232, %arg18[%swap3A_234] : memref<2xi32, #tpu.memory_space<smem>>
      %ge3A_236 = arith.constant 5000 : i32
      %ge3A_237 = vector.broadcast %ge3A_236 : i32 to vector<16xi32>
      %ge3A_238 = arith.cmpi sge, %get3A_216, %ge3A_237 : vector<16xi32>
      %get3A_239 = arith.constant 1 : i32
      %get3A_240 = arith.index_cast %get3A_239 : i32 to index
      %get3A_241 = memref.load %arg18[%get3A_240] : memref<2xi32, #tpu.memory_space<smem>>
      %sub3A_242 = arith.constant 5000 : i32
      %sub3A_243 = vector.broadcast %sub3A_242 : i32 to vector<16xi32>
      %sub3A_244 = arith.subi %get3A_216, %sub3A_243 : vector<16xi32>
      %swap3A_245 = arith.index_cast %get3A_241 : i32 to index
      %swap3A_246 = tpu.vector_load %arg11[%swap3A_245] masked %ge3A_238 {strides = array<i32>} : memref<10096xi32, #tpu.memory_space<vmem>>, vector<16xi32>, vector<16xi1>
      tpu.vector_store %arg11[%swap3A_245], %sub3A_244 masked %ge3A_238 {strides = array<i32>} : memref<10096xi32, #tpu.memory_space<vmem>>, vector<16xi32>, vector<16xi1>
      %swap3A_247 = arith.index_cast %get3A_241 : i32 to index
      %swap3A_248 = tpu.vector_load %arg10[%swap3A_247] masked %ge3A_238 {strides = array<i32>} : memref<10096xi32, #tpu.memory_space<vmem>>, vector<16xi32>, vector<16xi1>
      tpu.vector_store %arg10[%swap3A_247], %get3A_218 masked %ge3A_238 {strides = array<i32>} : memref<10096xi32, #tpu.memory_space<vmem>>, vector<16xi32>, vector<16xi1>
      %convert_element_type3A_249 = arith.extui %ge3A_238 : vector<16xi1> to vector<16xi32>
      %reduce_sum3A_250 = arith.constant true
      %reduce_sum3A_251 = vector.broadcast %reduce_sum3A_250 : i1 to vector<16xi1>
      %reduce_sum3A_252 = tpu.scan <sum>, %convert_element_type3A_249 masked %reduce_sum3A_251 : vector<16xi32>, vector<16xi1> -> vector<16xi32>
      %reduce_sum3A_253 = vector.extract %reduce_sum3A_252[15] : i32 from vector<16xi32>
      %add3A_254 = arith.addi %get3A_241, %reduce_sum3A_253 : i32
      %swap3A_255 = arith.constant 1 : i32
      %swap3A_256 = arith.index_cast %swap3A_255 : i32 to index
      %swap3A_257 = memref.load %arg18[%swap3A_256] : memref<2xi32, #tpu.memory_space<smem>>
      memref.store %add3A_254, %arg18[%swap3A_256] : memref<2xi32, #tpu.memory_space<smem>>
    }
    %scan3A_20 = arith.constant 625 : i32
    %iota3A = tpu.iota {dimensions = array<i32: 0>} : vector<16xi32>
    %ge3A = arith.constant 0 : i32
    %ge3A_21 = vector.broadcast %ge3A : i32 to vector<16xi32>
    %ge3A_22 = arith.cmpi sge, %iota3A, %ge3A_21 : vector<16xi32>
    %mul3A_23 = arith.constant 16 : i32
    %mul3A_24 = arith.muli %add3A, %mul3A_23 : i32
    %add3A_25 = vector.broadcast %mul3A_24 : i32 to vector<16xi32>
    %add3A_26 = arith.addi %add3A_25, %iota3A : vector<16xi32>
    %jit3A = arith.constant 120 : i32
    %eq3A = arith.constant 0 : i32
    %eq3A_27 = arith.cmpi eq, %jit3A, %eq3A : i32
    %jit3A_28 = arith.constant 1 : i32
    %select_n3A = arith.select %eq3A_27, %jit3A_28, %jit3A : i32
    %rem3A = vector.broadcast %select_n3A : i32 to vector<16xi32>
    %rem3A_29 = arith.remsi %add3A_26, %rem3A : vector<16xi32>
    %ne3A = arith.constant 0 : i32
    %ne3A_30 = vector.broadcast %ne3A : i32 to vector<16xi32>
    %ne3A_31 = arith.cmpi ne, %rem3A_29, %ne3A_30 : vector<16xi32>
    %lt3A = arith.constant 0 : i32
    %lt3A_32 = vector.broadcast %lt3A : i32 to vector<16xi32>
    %lt3A_33 = arith.cmpi slt, %rem3A_29, %lt3A_32 : vector<16xi32>
    %lt3A_34 = arith.constant 0 : i32
    %lt3A_35 = arith.cmpi slt, %select_n3A, %lt3A_34 : i32
    %ne3A_36 = vector.broadcast %lt3A_35 : i1 to vector<16xi1>
    %ne3A_37 = vector.broadcast %ne3A_36 : vector<16xi1> to vector<16xi1>
    %ne3A_38 = arith.xori %lt3A_33, %ne3A_37 : vector<16xi1>
    %and3A = arith.andi %ne3A_38, %ne3A_31 : vector<16xi1>
    %add3A_39 = vector.broadcast %select_n3A : i32 to vector<16xi32>
    %add3A_40 = arith.addi %rem3A_29, %add3A_39 : vector<16xi32>
    %select_n3A_41 = arith.select %and3A, %add3A_40, %rem3A_29 : vector<16xi1>, vector<16xi32>
    %add3A_42 = arith.constant 5000 : i32
    %add3A_43 = vector.broadcast %add3A_42 : i32 to vector<16xi32>
    %add3A_44 = arith.addi %add3A_43, %select_n3A_41 : vector<16xi32>
    %mul3A_45 = arith.constant 313 : i32
    %mul3A_46 = arith.muli %add3A, %mul3A_45 : i32
    %mul3A_47 = arith.constant 41 : i32
    %mul3A_48 = vector.broadcast %mul3A_47 : i32 to vector<16xi32>
    %mul3A_49 = arith.muli %iota3A, %mul3A_48 : vector<16xi32>
    %add3A_50 = vector.broadcast %mul3A_46 : i32 to vector<16xi32>
    %add3A_51 = arith.addi %add3A_50, %mul3A_49 : vector<16xi32>
    %jit3A_52 = arith.constant 10000 : i32
    %eq3A_53 = arith.constant 0 : i32
    %eq3A_54 = arith.cmpi eq, %jit3A_52, %eq3A_53 : i32
    %jit3A_55 = arith.constant 1 : i32
    %select_n3A_56 = arith.select %eq3A_54, %jit3A_55, %jit3A_52 : i32
    %rem3A_57 = vector.broadcast %select_n3A_56 : i32 to vector<16xi32>
    %rem3A_58 = arith.remsi %add3A_51, %rem3A_57 : vector<16xi32>
    %ne3A_59 = arith.constant 0 : i32
    %ne3A_60 = vector.broadcast %ne3A_59 : i32 to vector<16xi32>
    %ne3A_61 = arith.cmpi ne, %rem3A_58, %ne3A_60 : vector<16xi32>
    %lt3A_62 = arith.constant 0 : i32
    %lt3A_63 = vector.broadcast %lt3A_62 : i32 to vector<16xi32>
    %lt3A_64 = arith.cmpi slt, %rem3A_58, %lt3A_63 : vector<16xi32>
    %lt3A_65 = arith.constant 0 : i32
    %lt3A_66 = arith.cmpi slt, %select_n3A_56, %lt3A_65 : i32
    %ne3A_67 = vector.broadcast %lt3A_66 : i1 to vector<16xi1>
    %ne3A_68 = vector.broadcast %ne3A_67 : vector<16xi1> to vector<16xi1>
    %ne3A_69 = arith.xori %lt3A_64, %ne3A_68 : vector<16xi1>
    %and3A_70 = arith.andi %ne3A_69, %ne3A_61 : vector<16xi1>
    %add3A_71 = vector.broadcast %select_n3A_56 : i32 to vector<16xi32>
    %add3A_72 = arith.addi %rem3A_58, %add3A_71 : vector<16xi32>
    %select_n3A_73 = arith.select %and3A_70, %add3A_72, %rem3A_58 : vector<16xi1>, vector<16xi32>
    %get3A = arith.constant 0 : i32
    %get3A_74 = arith.index_cast %get3A : i32 to index
    %get3A_75 = memref.load %arg18[%get3A_74] : memref<2xi32, #tpu.memory_space<smem>>
    %scan3A_76 = arith.constant 0 : i32
    %scan3A_77 = arith.constant 6 : i32
    %scan3A_78 = arith.addi %scan3A_76, %scan3A_77 : i32
    %scan3A_79 = arith.constant 1 : i32
    scf.for %scan3A_210 = %scan3A_76 to %scan3A_78 step %scan3A_79  : i32 {
      %mul3A_211 = arith.constant 16 : i32
      %mul3A_212 = arith.muli %scan3A_210, %mul3A_211 : i32
      %add3A_213 = arith.constant 0 : i32
      %add3A_214 = arith.addi %add3A_213, %mul3A_212 : i32
      %add3A_215 = arith.addi %get3A_75, %add3A_214 : i32
      %swap3A_216 = arith.index_cast %add3A_215 : i32 to index
      %swap3A_217 = tpu.vector_load %arg9[%swap3A_216] masked %ge3A_22 {strides = array<i32>} : memref<10096xi32, #tpu.memory_space<vmem>>, vector<16xi32>, vector<16xi1>
      tpu.vector_store %arg9[%swap3A_216], %add3A_44 masked %ge3A_22 {strides = array<i32>} : memref<10096xi32, #tpu.memory_space<vmem>>, vector<16xi32>, vector<16xi1>
      %add3A_218 = arith.addi %get3A_75, %add3A_214 : i32
      %swap3A_219 = arith.index_cast %add3A_218 : i32 to index
      %swap3A_220 = tpu.vector_load %arg8[%swap3A_219] masked %ge3A_22 {strides = array<i32>} : memref<10096xi32, #tpu.memory_space<vmem>>, vector<16xi32>, vector<16xi1>
      tpu.vector_store %arg8[%swap3A_219], %select_n3A_73 masked %ge3A_22 {strides = array<i32>} : memref<10096xi32, #tpu.memory_space<vmem>>, vector<16xi32>, vector<16xi1>
    }
    %scan3A_80 = arith.constant 6 : i32
    %get3A_81 = arith.constant 1 : i32
    %get3A_82 = arith.index_cast %get3A_81 : i32 to index
    %get3A_83 = memref.load %arg18[%get3A_82] : memref<2xi32, #tpu.memory_space<smem>>
    %scan3A_84 = arith.constant 0 : i32
    %scan3A_85 = arith.constant 6 : i32
    %scan3A_86 = arith.addi %scan3A_84, %scan3A_85 : i32
    %scan3A_87 = arith.constant 1 : i32
    scf.for %scan3A_210 = %scan3A_84 to %scan3A_86 step %scan3A_87  : i32 {
      %mul3A_211 = arith.constant 16 : i32
      %mul3A_212 = arith.muli %scan3A_210, %mul3A_211 : i32
      %add3A_213 = arith.constant 0 : i32
      %add3A_214 = arith.addi %add3A_213, %mul3A_212 : i32
      %add3A_215 = arith.addi %get3A_83, %add3A_214 : i32
      %swap3A_216 = arith.index_cast %add3A_215 : i32 to index
      %swap3A_217 = tpu.vector_load %arg11[%swap3A_216] masked %ge3A_22 {strides = array<i32>} : memref<10096xi32, #tpu.memory_space<vmem>>, vector<16xi32>, vector<16xi1>
      tpu.vector_store %arg11[%swap3A_216], %add3A_44 masked %ge3A_22 {strides = array<i32>} : memref<10096xi32, #tpu.memory_space<vmem>>, vector<16xi32>, vector<16xi1>
      %add3A_218 = arith.addi %get3A_83, %add3A_214 : i32
      %swap3A_219 = arith.index_cast %add3A_218 : i32 to index
      %swap3A_220 = tpu.vector_load %arg10[%swap3A_219] masked %ge3A_22 {strides = array<i32>} : memref<10096xi32, #tpu.memory_space<vmem>>, vector<16xi32>, vector<16xi1>
      tpu.vector_store %arg10[%swap3A_219], %select_n3A_73 masked %ge3A_22 {strides = array<i32>} : memref<10096xi32, #tpu.memory_space<vmem>>, vector<16xi32>, vector<16xi1>
    }
    %scan3A_88 = arith.constant 6 : i32
    %scan3A_89 = arith.constant 0 : i32
    %scan3A_90 = arith.constant 5 : i32
    %scan3A_91 = arith.addi %scan3A_89, %scan3A_90 : i32
    %scan3A_92 = arith.constant 1 : i32
    scf.for %scan3A_210 = %scan3A_89 to %scan3A_91 step %scan3A_92  : i32 {
      %mul3A_211 = arith.constant 64 : i32
      %mul3A_212 = arith.muli %scan3A_210, %mul3A_211 : i32
      %add3A_213 = arith.constant 0 : i32
      %add3A_214 = arith.addi %add3A_213, %mul3A_212 : i32
      %mul3A_215 = arith.constant 320 : i32
      %mul3A_216 = arith.muli %arg1, %mul3A_215 : i32
      %add3A_217 = arith.addi %mul3A_216, %add3A_214 : i32
      "tpu.region"() ({
        %run_scoped3A = tpu.sem_alloc : memref<!tpu.dma_semaphore, #tpu.memory_space<semaphore_mem>>
        %dma_start3A = arith.constant 0 : i32
        %dma_start3A_218 = tpu.memref_slice %arg17[%add3A_217, %dma_start3A] : memref<5120x128xf32, #tpu.memory_space<vmem_shared>> -> memref<64x128xf32, #tpu.memory_space<vmem_shared>>
        %dma_start3A_219 = arith.constant 0 : i32
        %dma_start3A_220 = tpu.memref_slice %arg17[%add3A_217, %dma_start3A_219] : memref<5120x128xf32, #tpu.memory_space<vmem_shared>> -> memref<64x128xf32, #tpu.memory_space<vmem_shared>>
        tpu.enqueue_dma source(%arg15 : memref<64x128xf32, #tpu.memory_space<vmem>>) target(%dma_start3A_220 : memref<64x128xf32, #tpu.memory_space<vmem_shared>>) target_semaphore(%run_scoped3A : memref<!tpu.dma_semaphore, #tpu.memory_space<semaphore_mem>>)
        %dma_wait3A = arith.constant 0 : i32
        %dma_wait3A_221 = tpu.memref_slice %arg17[%add3A_217, %dma_wait3A] : memref<5120x128xf32, #tpu.memory_space<vmem_shared>> -> memref<64x128xf32, #tpu.memory_space<vmem_shared>>
        %dma_wait3A_222 = arith.constant 0 : i32
        %dma_wait3A_223 = tpu.memref_slice %arg17[%add3A_217, %dma_wait3A_222] : memref<5120x128xf32, #tpu.memory_space<vmem_shared>> -> memref<64x128xf32, #tpu.memory_space<vmem_shared>>
        tpu.wait_dma2 semaphore(%run_scoped3A : memref<!tpu.dma_semaphore, #tpu.memory_space<semaphore_mem>>) src(%arg15 : memref<64x128xf32, #tpu.memory_space<vmem>>) dst(%dma_wait3A_223 : memref<64x128xf32, #tpu.memory_space<vmem_shared>>)
        tpu.yield
      }) : () -> ()
    }
    %scan3A_93 = arith.constant 5 : i32
    %barrier3A = arith.constant 0 : index
    tpu.barrier barrier_id(%barrier3A)
    %get3A_94 = arith.constant 0 : i32
    %get3A_95 = arith.index_cast %get3A_94 : i32 to index
    %get3A_96 = memref.load %arg18[%get3A_95] : memref<2xi32, #tpu.memory_space<smem>>
    %add3A_97 = arith.constant 80 : i32
    %add3A_98 = arith.addi %get3A_96, %add3A_97 : i32
    %sub3A = arith.constant 1 : i32
    %sub3A_99 = arith.subi %add3A_98, %sub3A : i32
    %jit3A_100 = arith.constant 80 : i32
    %div3A = arith.divsi %sub3A_99, %jit3A_100 : i32
    %sign3A = arith.constant 0 : i32
    %sign3A_101 = arith.cmpi sgt, %sub3A_99, %sign3A : i32
    %sign3A_102 = arith.extui %sign3A_101 : i1 to i32
    %sign3A_103 = arith.constant 0 : i32
    %sign3A_104 = arith.cmpi slt, %sub3A_99, %sign3A_103 : i32
    %sign3A_105 = arith.extui %sign3A_104 : i1 to i32
    %sign3A_106 = arith.subi %sign3A_102, %sign3A_105 : i32
    %sign3A_107 = arith.constant 0 : i32
    %sign3A_108 = arith.cmpi sgt, %jit3A_100, %sign3A_107 : i32
    %sign3A_109 = arith.extui %sign3A_108 : i1 to i32
    %sign3A_110 = arith.constant 0 : i32
    %sign3A_111 = arith.cmpi slt, %jit3A_100, %sign3A_110 : i32
    %sign3A_112 = arith.extui %sign3A_111 : i1 to i32
    %sign3A_113 = arith.subi %sign3A_109, %sign3A_112 : i32
    %ne3A_114 = arith.cmpi ne, %sign3A_106, %sign3A_113 : i32
    %rem3A_115 = arith.remsi %sub3A_99, %jit3A_100 : i32
    %ne3A_116 = arith.constant 0 : i32
    %ne3A_117 = arith.cmpi ne, %rem3A_115, %ne3A_116 : i32
    %and3A_118 = arith.andi %ne3A_114, %ne3A_117 : i1
    %sub3A_119 = arith.constant 1 : i32
    %sub3A_120 = arith.subi %div3A, %sub3A_119 : i32
    %select_n3A_121 = arith.select %and3A_118, %sub3A_120, %div3A : i32
    %sub3A_122 = arith.constant 0 : i32
    %sub3A_123 = arith.subi %select_n3A_121, %sub3A_122 : i32
    %sub3A_124 = arith.constant 1 : i32
    %sub3A_125 = arith.constant 1 : i32
    %sub3A_126 = arith.subi %sub3A_124, %sub3A_125 : i32
    %add3A_127 = arith.addi %sub3A_123, %sub3A_126 : i32
    %div3A_128 = arith.constant 1 : i32
    %div3A_129 = arith.divsi %add3A_127, %div3A_128 : i32
    %while3A = arith.constant 1 : i32
    %while3A_130 = arith.constant 0 : i32
    %while3A_131 = arith.constant 0 : i32
    %while3A_132 = arith.subi %div3A_129, %while3A_131 : i32
    %while3A_133 = arith.addi %while3A_131, %while3A_132 : i32
    %while3A_134 = arith.constant 1 : i32
    %while3A_135 = arith.divsi %while3A_132, %while3A_134 : i32
    %while3A_136 = arith.muli %while3A_135, %while3A_134 : i32
    %while3A_137 = arith.addi %while3A_131, %while3A_136 : i32
    %while3A_138 = arith.constant 1 : i32
    scf.for %while3A_210 = %while3A_131 to %while3A_137 step %while3A_138  : i32 {
      %mul3A_211 = arith.muli %while3A_210, %while3A : i32
      %add3A_212 = arith.addi %while3A_130, %mul3A_211 : i32
      %mul3A_213 = arith.constant 80 : i32
      %mul3A_214 = arith.muli %add3A_212, %mul3A_213 : i32
      %add3A_215 = arith.constant 0 : i32
      %add3A_216 = arith.addi %mul3A_214, %add3A_215 : i32
      %get3A_217 = arith.index_cast %add3A_216 : i32 to index
      %get3A_218 = tpu.vector_load %arg8[%get3A_217] {strides = array<i32>} : memref<10096xi32, #tpu.memory_space<vmem>>, vector<16xi32>,
      %swap3A_219 = arith.constant 0 : index
      %swap3A_220 = tpu.vector_load %arg12[%swap3A_219] {strides = array<i32>} : memref<80xi32, #tpu.memory_space<vmem>>, vector<16xi32>,
      tpu.vector_store %arg12[%swap3A_219], %get3A_218 {strides = array<i32>} : memref<80xi32, #tpu.memory_space<vmem>>, vector<16xi32>,
      %mul3A_221 = arith.constant 80 : i32
      %mul3A_222 = arith.muli %add3A_212, %mul3A_221 : i32
      %add3A_223 = arith.constant 0 : i32
      %add3A_224 = arith.addi %mul3A_222, %add3A_223 : i32
      %get3A_225 = arith.index_cast %add3A_224 : i32 to index
      %get3A_226 = tpu.vector_load %arg9[%get3A_225] {strides = array<i32>} : memref<10096xi32, #tpu.memory_space<vmem>>, vector<16xi32>,
      %swap3A_227 = arith.constant 0 : index
      %swap3A_228 = tpu.vector_load %arg13[%swap3A_227] {strides = array<i32>} : memref<80xi32, #tpu.memory_space<vmem>>, vector<16xi32>,
      tpu.vector_store %arg13[%swap3A_227], %get3A_226 {strides = array<i32>} : memref<80xi32, #tpu.memory_space<vmem>>, vector<16xi32>,
      %mul3A_229 = arith.constant 80 : i32
      %mul3A_230 = arith.muli %add3A_212, %mul3A_229 : i32
      %add3A_231 = arith.constant 16 : i32
      %add3A_232 = arith.addi %mul3A_230, %add3A_231 : i32
      %get3A_233 = arith.index_cast %add3A_232 : i32 to index
      %get3A_234 = tpu.vector_load %arg8[%get3A_233] {strides = array<i32>} : memref<10096xi32, #tpu.memory_space<vmem>>, vector<16xi32>,
      %swap3A_235 = arith.constant 16 : index
      %swap3A_236 = tpu.vector_load %arg12[%swap3A_235] {strides = array<i32>} : memref<80xi32, #tpu.memory_space<vmem>>, vector<16xi32>,
      tpu.vector_store %arg12[%swap3A_235], %get3A_234 {strides = array<i32>} : memref<80xi32, #tpu.memory_space<vmem>>, vector<16xi32>,
      %mul3A_237 = arith.constant 80 : i32
      %mul3A_238 = arith.muli %add3A_212, %mul3A_237 : i32
      %add3A_239 = arith.constant 16 : i32
      %add3A_240 = arith.addi %mul3A_238, %add3A_239 : i32
      %get3A_241 = arith.index_cast %add3A_240 : i32 to index
      %get3A_242 = tpu.vector_load %arg9[%get3A_241] {strides = array<i32>} : memref<10096xi32, #tpu.memory_space<vmem>>, vector<16xi32>,
      %swap3A_243 = arith.constant 16 : index
      %swap3A_244 = tpu.vector_load %arg13[%swap3A_243] {strides = array<i32>} : memref<80xi32, #tpu.memory_space<vmem>>, vector<16xi32>,
      tpu.vector_store %arg13[%swap3A_243], %get3A_242 {strides = array<i32>} : memref<80xi32, #tpu.memory_space<vmem>>, vector<16xi32>,
      %mul3A_245 = arith.constant 80 : i32
      %mul3A_246 = arith.muli %add3A_212, %mul3A_245 : i32
      %add3A_247 = arith.constant 32 : i32
      %add3A_248 = arith.addi %mul3A_246, %add3A_247 : i32
      %get3A_249 = arith.index_cast %add3A_248 : i32 to index
      %get3A_250 = tpu.vector_load %arg8[%get3A_249] {strides = array<i32>} : memref<10096xi32, #tpu.memory_space<vmem>>, vector<16xi32>,
      %swap3A_251 = arith.constant 32 : index
      %swap3A_252 = tpu.vector_load %arg12[%swap3A_251] {strides = array<i32>} : memref<80xi32, #tpu.memory_space<vmem>>, vector<16xi32>,
      tpu.vector_store %arg12[%swap3A_251], %get3A_250 {strides = array<i32>} : memref<80xi32, #tpu.memory_space<vmem>>, vector<16xi32>,
      %mul3A_253 = arith.constant 80 : i32
      %mul3A_254 = arith.muli %add3A_212, %mul3A_253 : i32
      %add3A_255 = arith.constant 32 : i32
      %add3A_256 = arith.addi %mul3A_254, %add3A_255 : i32
      %get3A_257 = arith.index_cast %add3A_256 : i32 to index
      %get3A_258 = tpu.vector_load %arg9[%get3A_257] {strides = array<i32>} : memref<10096xi32, #tpu.memory_space<vmem>>, vector<16xi32>,
      %swap3A_259 = arith.constant 32 : index
      %swap3A_260 = tpu.vector_load %arg13[%swap3A_259] {strides = array<i32>} : memref<80xi32, #tpu.memory_space<vmem>>, vector<16xi32>,
      tpu.vector_store %arg13[%swap3A_259], %get3A_258 {strides = array<i32>} : memref<80xi32, #tpu.memory_space<vmem>>, vector<16xi32>,
      %mul3A_261 = arith.constant 80 : i32
      %mul3A_262 = arith.muli %add3A_212, %mul3A_261 : i32
      %add3A_263 = arith.constant 48 : i32
      %add3A_264 = arith.addi %mul3A_262, %add3A_263 : i32
      %get3A_265 = arith.index_cast %add3A_264 : i32 to index
      %get3A_266 = tpu.vector_load %arg8[%get3A_265] {strides = array<i32>} : memref<10096xi32, #tpu.memory_space<vmem>>, vector<16xi32>,
      %swap3A_267 = arith.constant 48 : index
      %swap3A_268 = tpu.vector_load %arg12[%swap3A_267] {strides = array<i32>} : memref<80xi32, #tpu.memory_space<vmem>>, vector<16xi32>,
      tpu.vector_store %arg12[%swap3A_267], %get3A_266 {strides = array<i32>} : memref<80xi32, #tpu.memory_space<vmem>>, vector<16xi32>,
      %mul3A_269 = arith.constant 80 : i32
      %mul3A_270 = arith.muli %add3A_212, %mul3A_269 : i32
      %add3A_271 = arith.constant 48 : i32
      %add3A_272 = arith.addi %mul3A_270, %add3A_271 : i32
      %get3A_273 = arith.index_cast %add3A_272 : i32 to index
      %get3A_274 = tpu.vector_load %arg9[%get3A_273] {strides = array<i32>} : memref<10096xi32, #tpu.memory_space<vmem>>, vector<16xi32>,
      %swap3A_275 = arith.constant 48 : index
      %swap3A_276 = tpu.vector_load %arg13[%swap3A_275] {strides = array<i32>} : memref<80xi32, #tpu.memory_space<vmem>>, vector<16xi32>,
      tpu.vector_store %arg13[%swap3A_275], %get3A_274 {strides = array<i32>} : memref<80xi32, #tpu.memory_space<vmem>>, vector<16xi32>,
      %mul3A_277 = arith.constant 80 : i32
      %mul3A_278 = arith.muli %add3A_212, %mul3A_277 : i32
      %add3A_279 = arith.constant 64 : i32
      %add3A_280 = arith.addi %mul3A_278, %add3A_279 : i32
      %get3A_281 = arith.index_cast %add3A_280 : i32 to index
      %get3A_282 = tpu.vector_load %arg8[%get3A_281] {strides = array<i32>} : memref<10096xi32, #tpu.memory_space<vmem>>, vector<16xi32>,
      %swap3A_283 = arith.constant 64 : index
      %swap3A_284 = tpu.vector_load %arg12[%swap3A_283] {strides = array<i32>} : memref<80xi32, #tpu.memory_space<vmem>>, vector<16xi32>,
      tpu.vector_store %arg12[%swap3A_283], %get3A_282 {strides = array<i32>} : memref<80xi32, #tpu.memory_space<vmem>>, vector<16xi32>,
      %mul3A_285 = arith.constant 80 : i32
      %mul3A_286 = arith.muli %add3A_212, %mul3A_285 : i32
      %add3A_287 = arith.constant 64 : i32
      %add3A_288 = arith.addi %mul3A_286, %add3A_287 : i32
      %get3A_289 = arith.index_cast %add3A_288 : i32 to index
      %get3A_290 = tpu.vector_load %arg9[%get3A_289] {strides = array<i32>} : memref<10096xi32, #tpu.memory_space<vmem>>, vector<16xi32>,
      %swap3A_291 = arith.constant 64 : index
      %swap3A_292 = tpu.vector_load %arg13[%swap3A_291] {strides = array<i32>} : memref<80xi32, #tpu.memory_space<vmem>>, vector<16xi32>,
      tpu.vector_store %arg13[%swap3A_291], %get3A_290 {strides = array<i32>} : memref<80xi32, #tpu.memory_space<vmem>>, vector<16xi32>,
      %dma_start3A = arith.constant 0 : i32
      %dma_start3A_293 = arith.constant 0 : i32
      %dma_start3A_294 = tpu.memref_slice %arg4[%dma_start3A, %dma_start3A_293] : memref<10000x128xf32, #tpu.memory_space<hbm>> -> memref<10000x128xf32, #tpu.memory_space<hbm>>
      tpu.enqueue_indirect_dma source(%dma_start3A_294 : memref<10000x128xf32, #tpu.memory_space<hbm>>) target(%arg14 : memref<80x128xf32, #tpu.memory_space<vmem>>) offsets(%arg12 : memref<80xi32, #tpu.memory_space<vmem>>) semaphore(%arg19 : memref<!tpu.dma_semaphore, #tpu.memory_space<semaphore_mem>>)
      %dma_wait3A = arith.constant 0 : i32
      %dma_wait3A_295 = arith.constant 0 : i32
      %dma_wait3A_296 = tpu.memref_slice %arg4[%dma_wait3A, %dma_wait3A_295] : memref<10000x128xf32, #tpu.memory_space<hbm>> -> memref<10000x128xf32, #tpu.memory_space<hbm>>
      tpu.wait_indirect_dma semaphore(%arg19 : memref<!tpu.dma_semaphore, #tpu.memory_space<semaphore_mem>>) src(%dma_wait3A_296 : memref<10000x128xf32, #tpu.memory_space<hbm>>) dst(%arg14 : memref<80x128xf32, #tpu.memory_space<vmem>>)
      "tpu.region"() ({
        %run_scoped3A = tpu.sem_alloc : memref<!tpu.dma_semaphore, #tpu.memory_space<semaphore_mem>>
        %dma_start3A_297 = arith.constant 0 : i32
        %dma_start3A_298 = arith.constant 0 : i32
        %dma_start3A_299 = tpu.memref_slice %arg17[%dma_start3A_297, %dma_start3A_298] : memref<5120x128xf32, #tpu.memory_space<vmem_shared>> -> memref<5120x128xf32, #tpu.memory_space<vmem_shared>>
        tpu.enqueue_indirect_dma source(%arg14 : memref<80x128xf32, #tpu.memory_space<vmem>>) target(%dma_start3A_299 : memref<5120x128xf32, #tpu.memory_space<vmem_shared>>) offsets(%arg13 : memref<80xi32, #tpu.memory_space<vmem>>) semaphore(%run_scoped3A : memref<!tpu.dma_semaphore, #tpu.memory_space<semaphore_mem>>) {add = true}
        %dma_wait3A_300 = arith.constant 0 : i32
        %dma_wait3A_301 = arith.constant 0 : i32
        %dma_wait3A_302 = tpu.memref_slice %arg17[%dma_wait3A_300, %dma_wait3A_301] : memref<5120x128xf32, #tpu.memory_space<vmem_shared>> -> memref<5120x128xf32, #tpu.memory_space<vmem_shared>>
        tpu.wait_indirect_dma semaphore(%run_scoped3A : memref<!tpu.dma_semaphore, #tpu.memory_space<semaphore_mem>>) src(%arg14 : memref<80x128xf32, #tpu.memory_space<vmem>>) dst(%dma_wait3A_302 : memref<5120x128xf32, #tpu.memory_space<vmem_shared>>)
        tpu.yield
      }) : () -> ()
    }
    %while3A_139 = arith.constant 1 : i32
    scf.for %while3A_210 = %while3A_137 to %while3A_133 step %while3A_139  : i32 {
      %mul3A_211 = arith.muli %while3A_210, %while3A : i32
      %add3A_212 = arith.addi %while3A_130, %mul3A_211 : i32
      %mul3A_213 = arith.constant 80 : i32
      %mul3A_214 = arith.muli %add3A_212, %mul3A_213 : i32
      %add3A_215 = arith.constant 0 : i32
      %add3A_216 = arith.addi %mul3A_214, %add3A_215 : i32
      %get3A_217 = arith.index_cast %add3A_216 : i32 to index
      %get3A_218 = tpu.vector_load %arg8[%get3A_217] {strides = array<i32>} : memref<10096xi32, #tpu.memory_space<vmem>>, vector<16xi32>,
      %swap3A_219 = arith.constant 0 : index
      %swap3A_220 = tpu.vector_load %arg12[%swap3A_219] {strides = array<i32>} : memref<80xi32, #tpu.memory_space<vmem>>, vector<16xi32>,
      tpu.vector_store %arg12[%swap3A_219], %get3A_218 {strides = array<i32>} : memref<80xi32, #tpu.memory_space<vmem>>, vector<16xi32>,
      %mul3A_221 = arith.constant 80 : i32
      %mul3A_222 = arith.muli %add3A_212, %mul3A_221 : i32
      %add3A_223 = arith.constant 0 : i32
      %add3A_224 = arith.addi %mul3A_222, %add3A_223 : i32
      %get3A_225 = arith.index_cast %add3A_224 : i32 to index
      %get3A_226 = tpu.vector_load %arg9[%get3A_225] {strides = array<i32>} : memref<10096xi32, #tpu.memory_space<vmem>>, vector<16xi32>,
      %swap3A_227 = arith.constant 0 : index
      %swap3A_228 = tpu.vector_load %arg13[%swap3A_227] {strides = array<i32>} : memref<80xi32, #tpu.memory_space<vmem>>, vector<16xi32>,
      tpu.vector_store %arg13[%swap3A_227], %get3A_226 {strides = array<i32>} : memref<80xi32, #tpu.memory_space<vmem>>, vector<16xi32>,
      %mul3A_229 = arith.constant 80 : i32
      %mul3A_230 = arith.muli %add3A_212, %mul3A_229 : i32
      %add3A_231 = arith.constant 16 : i32
      %add3A_232 = arith.addi %mul3A_230, %add3A_231 : i32
      %get3A_233 = arith.index_cast %add3A_232 : i32 to index
      %get3A_234 = tpu.vector_load %arg8[%get3A_233] {strides = array<i32>} : memref<10096xi32, #tpu.memory_space<vmem>>, vector<16xi32>,
      %swap3A_235 = arith.constant 16 : index
      %swap3A_236 = tpu.vector_load %arg12[%swap3A_235] {strides = array<i32>} : memref<80xi32, #tpu.memory_space<vmem>>, vector<16xi32>,
      tpu.vector_store %arg12[%swap3A_235], %get3A_234 {strides = array<i32>} : memref<80xi32, #tpu.memory_space<vmem>>, vector<16xi32>,
      %mul3A_237 = arith.constant 80 : i32
      %mul3A_238 = arith.muli %add3A_212, %mul3A_237 : i32
      %add3A_239 = arith.constant 16 : i32
      %add3A_240 = arith.addi %mul3A_238, %add3A_239 : i32
      %get3A_241 = arith.index_cast %add3A_240 : i32 to index
      %get3A_242 = tpu.vector_load %arg9[%get3A_241] {strides = array<i32>} : memref<10096xi32, #tpu.memory_space<vmem>>, vector<16xi32>,
      %swap3A_243 = arith.constant 16 : index
      %swap3A_244 = tpu.vector_load %arg13[%swap3A_243] {strides = array<i32>} : memref<80xi32, #tpu.memory_space<vmem>>, vector<16xi32>,
      tpu.vector_store %arg13[%swap3A_243], %get3A_242 {strides = array<i32>} : memref<80xi32, #tpu.memory_space<vmem>>, vector<16xi32>,
      %mul3A_245 = arith.constant 80 : i32
      %mul3A_246 = arith.muli %add3A_212, %mul3A_245 : i32
      %add3A_247 = arith.constant 32 : i32
      %add3A_248 = arith.addi %mul3A_246, %add3A_247 : i32
      %get3A_249 = arith.index_cast %add3A_248 : i32 to index
      %get3A_250 = tpu.vector_load %arg8[%get3A_249] {strides = array<i32>} : memref<10096xi32, #tpu.memory_space<vmem>>, vector<16xi32>,
      %swap3A_251 = arith.constant 32 : index
      %swap3A_252 = tpu.vector_load %arg12[%swap3A_251] {strides = array<i32>} : memref<80xi32, #tpu.memory_space<vmem>>, vector<16xi32>,
      tpu.vector_store %arg12[%swap3A_251], %get3A_250 {strides = array<i32>} : memref<80xi32, #tpu.memory_space<vmem>>, vector<16xi32>,
      %mul3A_253 = arith.constant 80 : i32
      %mul3A_254 = arith.muli %add3A_212, %mul3A_253 : i32
      %add3A_255 = arith.constant 32 : i32
      %add3A_256 = arith.addi %mul3A_254, %add3A_255 : i32
      %get3A_257 = arith.index_cast %add3A_256 : i32 to index
      %get3A_258 = tpu.vector_load %arg9[%get3A_257] {strides = array<i32>} : memref<10096xi32, #tpu.memory_space<vmem>>, vector<16xi32>,
      %swap3A_259 = arith.constant 32 : index
      %swap3A_260 = tpu.vector_load %arg13[%swap3A_259] {strides = array<i32>} : memref<80xi32, #tpu.memory_space<vmem>>, vector<16xi32>,
      tpu.vector_store %arg13[%swap3A_259], %get3A_258 {strides = array<i32>} : memref<80xi32, #tpu.memory_space<vmem>>, vector<16xi32>,
      %mul3A_261 = arith.constant 80 : i32
      %mul3A_262 = arith.muli %add3A_212, %mul3A_261 : i32
      %add3A_263 = arith.constant 48 : i32
      %add3A_264 = arith.addi %mul3A_262, %add3A_263 : i32
      %get3A_265 = arith.index_cast %add3A_264 : i32 to index
      %get3A_266 = tpu.vector_load %arg8[%get3A_265] {strides = array<i32>} : memref<10096xi32, #tpu.memory_space<vmem>>, vector<16xi32>,
      %swap3A_267 = arith.constant 48 : index
      %swap3A_268 = tpu.vector_load %arg12[%swap3A_267] {strides = array<i32>} : memref<80xi32, #tpu.memory_space<vmem>>, vector<16xi32>,
      tpu.vector_store %arg12[%swap3A_267], %get3A_266 {strides = array<i32>} : memref<80xi32, #tpu.memory_space<vmem>>, vector<16xi32>,
      %mul3A_269 = arith.constant 80 : i32
      %mul3A_270 = arith.muli %add3A_212, %mul3A_269 : i32
      %add3A_271 = arith.constant 48 : i32
      %add3A_272 = arith.addi %mul3A_270, %add3A_271 : i32
      %get3A_273 = arith.index_cast %add3A_272 : i32 to index
      %get3A_274 = tpu.vector_load %arg9[%get3A_273] {strides = array<i32>} : memref<10096xi32, #tpu.memory_space<vmem>>, vector<16xi32>,
      %swap3A_275 = arith.constant 48 : index
      %swap3A_276 = tpu.vector_load %arg13[%swap3A_275] {strides = array<i32>} : memref<80xi32, #tpu.memory_space<vmem>>, vector<16xi32>,
      tpu.vector_store %arg13[%swap3A_275], %get3A_274 {strides = array<i32>} : memref<80xi32, #tpu.memory_space<vmem>>, vector<16xi32>,
      %mul3A_277 = arith.constant 80 : i32
      %mul3A_278 = arith.muli %add3A_212, %mul3A_277 : i32
      %add3A_279 = arith.constant 64 : i32
      %add3A_280 = arith.addi %mul3A_278, %add3A_279 : i32
      %get3A_281 = arith.index_cast %add3A_280 : i32 to index
      %get3A_282 = tpu.vector_load %arg8[%get3A_281] {strides = array<i32>} : memref<10096xi32, #tpu.memory_space<vmem>>, vector<16xi32>,
      %swap3A_283 = arith.constant 64 : index
      %swap3A_284 = tpu.vector_load %arg12[%swap3A_283] {strides = array<i32>} : memref<80xi32, #tpu.memory_space<vmem>>, vector<16xi32>,
      tpu.vector_store %arg12[%swap3A_283], %get3A_282 {strides = array<i32>} : memref<80xi32, #tpu.memory_space<vmem>>, vector<16xi32>,
      %mul3A_285 = arith.constant 80 : i32
      %mul3A_286 = arith.muli %add3A_212, %mul3A_285 : i32
      %add3A_287 = arith.constant 64 : i32
      %add3A_288 = arith.addi %mul3A_286, %add3A_287 : i32
      %get3A_289 = arith.index_cast %add3A_288 : i32 to index
      %get3A_290 = tpu.vector_load %arg9[%get3A_289] {strides = array<i32>} : memref<10096xi32, #tpu.memory_space<vmem>>, vector<16xi32>,
      %swap3A_291 = arith.constant 64 : index
      %swap3A_292 = tpu.vector_load %arg13[%swap3A_291] {strides = array<i32>} : memref<80xi32, #tpu.memory_space<vmem>>, vector<16xi32>,
      tpu.vector_store %arg13[%swap3A_291], %get3A_290 {strides = array<i32>} : memref<80xi32, #tpu.memory_space<vmem>>, vector<16xi32>,
      %dma_start3A = arith.constant 0 : i32
      %dma_start3A_293 = arith.constant 0 : i32
      %dma_start3A_294 = tpu.memref_slice %arg4[%dma_start3A, %dma_start3A_293] : memref<10000x128xf32, #tpu.memory_space<hbm>> -> memref<10000x128xf32, #tpu.memory_space<hbm>>
      tpu.enqueue_indirect_dma source(%dma_start3A_294 : memref<10000x128xf32, #tpu.memory_space<hbm>>) target(%arg14 : memref<80x128xf32, #tpu.memory_space<vmem>>) offsets(%arg12 : memref<80xi32, #tpu.memory_space<vmem>>) semaphore(%arg19 : memref<!tpu.dma_semaphore, #tpu.memory_space<semaphore_mem>>)
      %dma_wait3A = arith.constant 0 : i32
      %dma_wait3A_295 = arith.constant 0 : i32
      %dma_wait3A_296 = tpu.memref_slice %arg4[%dma_wait3A, %dma_wait3A_295] : memref<10000x128xf32, #tpu.memory_space<hbm>> -> memref<10000x128xf32, #tpu.memory_space<hbm>>
      tpu.wait_indirect_dma semaphore(%arg19 : memref<!tpu.dma_semaphore, #tpu.memory_space<semaphore_mem>>) src(%dma_wait3A_296 : memref<10000x128xf32, #tpu.memory_space<hbm>>) dst(%arg14 : memref<80x128xf32, #tpu.memory_space<vmem>>)
      "tpu.region"() ({
        %run_scoped3A = tpu.sem_alloc : memref<!tpu.dma_semaphore, #tpu.memory_space<semaphore_mem>>
        %dma_start3A_297 = arith.constant 0 : i32
        %dma_start3A_298 = arith.constant 0 : i32
        %dma_start3A_299 = tpu.memref_slice %arg17[%dma_start3A_297, %dma_start3A_298] : memref<5120x128xf32, #tpu.memory_space<vmem_shared>> -> memref<5120x128xf32, #tpu.memory_space<vmem_shared>>
        tpu.enqueue_indirect_dma source(%arg14 : memref<80x128xf32, #tpu.memory_space<vmem>>) target(%dma_start3A_299 : memref<5120x128xf32, #tpu.memory_space<vmem_shared>>) offsets(%arg13 : memref<80xi32, #tpu.memory_space<vmem>>) semaphore(%run_scoped3A : memref<!tpu.dma_semaphore, #tpu.memory_space<semaphore_mem>>) {add = true}
        %dma_wait3A_300 = arith.constant 0 : i32
        %dma_wait3A_301 = arith.constant 0 : i32
        %dma_wait3A_302 = tpu.memref_slice %arg17[%dma_wait3A_300, %dma_wait3A_301] : memref<5120x128xf32, #tpu.memory_space<vmem_shared>> -> memref<5120x128xf32, #tpu.memory_space<vmem_shared>>
        tpu.wait_indirect_dma semaphore(%run_scoped3A : memref<!tpu.dma_semaphore, #tpu.memory_space<semaphore_mem>>) src(%arg14 : memref<80x128xf32, #tpu.memory_space<vmem>>) dst(%dma_wait3A_302 : memref<5120x128xf32, #tpu.memory_space<vmem_shared>>)
        tpu.yield
      }) : () -> ()
    }
    %barrier3A_140 = arith.constant 0 : index
    tpu.barrier barrier_id(%barrier3A_140)
    %scan3A_141 = arith.constant 0 : i32
    %scan3A_142 = arith.constant 5 : i32
    %scan3A_143 = arith.addi %scan3A_141, %scan3A_142 : i32
    %scan3A_144 = arith.constant 1 : i32
    scf.for %scan3A_210 = %scan3A_141 to %scan3A_143 step %scan3A_144  : i32 {
      %mul3A_211 = arith.constant 64 : i32
      %mul3A_212 = arith.muli %scan3A_210, %mul3A_211 : i32
      %add3A_213 = arith.constant 0 : i32
      %add3A_214 = arith.addi %add3A_213, %mul3A_212 : i32
      %mul3A_215 = arith.constant 320 : i32
      %mul3A_216 = arith.muli %arg1, %mul3A_215 : i32
      %add3A_217 = arith.addi %mul3A_216, %add3A_214 : i32
      "tpu.region"() ({
        %run_scoped3A_218 = tpu.sem_alloc : memref<!tpu.dma_semaphore, #tpu.memory_space<semaphore_mem>>
        %dma_start3A = arith.constant 0 : i32
        %dma_start3A_219 = tpu.memref_slice %arg17[%add3A_217, %dma_start3A] : memref<5120x128xf32, #tpu.memory_space<vmem_shared>> -> memref<64x128xf32, #tpu.memory_space<vmem_shared>>
        %dma_start3A_220 = arith.constant 0 : i32
        %dma_start3A_221 = tpu.memref_slice %arg17[%add3A_217, %dma_start3A_220] : memref<5120x128xf32, #tpu.memory_space<vmem_shared>> -> memref<64x128xf32, #tpu.memory_space<vmem_shared>>
        tpu.enqueue_dma source(%dma_start3A_221 : memref<64x128xf32, #tpu.memory_space<vmem_shared>>) target(%arg16 : memref<64x128xf32, #tpu.memory_space<vmem>>) target_semaphore(%run_scoped3A_218 : memref<!tpu.dma_semaphore, #tpu.memory_space<semaphore_mem>>)
        %dma_wait3A = arith.constant 0 : i32
        %dma_wait3A_222 = tpu.memref_slice %arg17[%add3A_217, %dma_wait3A] : memref<5120x128xf32, #tpu.memory_space<vmem_shared>> -> memref<64x128xf32, #tpu.memory_space<vmem_shared>>
        %dma_wait3A_223 = arith.constant 0 : i32
        %dma_wait3A_224 = tpu.memref_slice %arg17[%add3A_217, %dma_wait3A_223] : memref<5120x128xf32, #tpu.memory_space<vmem_shared>> -> memref<64x128xf32, #tpu.memory_space<vmem_shared>>
        tpu.wait_dma2 semaphore(%run_scoped3A_218 : memref<!tpu.dma_semaphore, #tpu.memory_space<semaphore_mem>>) src(%dma_wait3A_224 : memref<64x128xf32, #tpu.memory_space<vmem_shared>>) dst(%arg16 : memref<64x128xf32, #tpu.memory_space<vmem>>)
        tpu.yield
      }) : () -> ()
      %run_scoped3A = arith.constant 0 : i32
      "tpu.region"() ({
        %run_scoped3A_218 = tpu.sem_alloc : memref<!tpu.dma_semaphore, #tpu.memory_space<semaphore_mem>>
        %dma_start3A = arith.constant 0 : i32
        %dma_start3A_219 = tpu.memref_slice %arg5[%arg0, %run_scoped3A, %add3A_217, %dma_start3A] : memref<2x2x5120x128xf32, #tpu.memory_space<hbm>> -> memref<1x1x64x128xf32, #tpu.memory_space<hbm>>
        %dma_start3A_220 = tpu.memref_squeeze %dma_start3A_219 : memref<1x1x64x128xf32, #tpu.memory_space<hbm>> -> memref<64x128xf32, #tpu.memory_space<hbm>>
        %dma_start3A_221 = arith.constant 0 : i32
        %dma_start3A_222 = tpu.memref_slice %arg5[%arg0, %run_scoped3A, %add3A_217, %dma_start3A_221] : memref<2x2x5120x128xf32, #tpu.memory_space<hbm>> -> memref<1x1x64x128xf32, #tpu.memory_space<hbm>>
        %dma_start3A_223 = tpu.memref_squeeze %dma_start3A_222 : memref<1x1x64x128xf32, #tpu.memory_space<hbm>> -> memref<64x128xf32, #tpu.memory_space<hbm>>
        tpu.enqueue_dma source(%arg16 : memref<64x128xf32, #tpu.memory_space<vmem>>) target(%dma_start3A_223 : memref<64x128xf32, #tpu.memory_space<hbm>>) target_semaphore(%run_scoped3A_218 : memref<!tpu.dma_semaphore, #tpu.memory_space<semaphore_mem>>)
        %dma_wait3A = arith.constant 0 : i32
        %dma_wait3A_224 = tpu.memref_slice %arg5[%arg0, %run_scoped3A, %add3A_217, %dma_wait3A] : memref<2x2x5120x128xf32, #tpu.memory_space<hbm>> -> memref<1x1x64x128xf32, #tpu.memory_space<hbm>>
        %dma_wait3A_225 = tpu.memref_squeeze %dma_wait3A_224 : memref<1x1x64x128xf32, #tpu.memory_space<hbm>> -> memref<64x128xf32, #tpu.memory_space<hbm>>
        %dma_wait3A_226 = arith.constant 0 : i32
        %dma_wait3A_227 = tpu.memref_slice %arg5[%arg0, %run_scoped3A, %add3A_217, %dma_wait3A_226] : memref<2x2x5120x128xf32, #tpu.memory_space<hbm>> -> memref<1x1x64x128xf32, #tpu.memory_space<hbm>>
        %dma_wait3A_228 = tpu.memref_squeeze %dma_wait3A_227 : memref<1x1x64x128xf32, #tpu.memory_space<hbm>> -> memref<64x128xf32, #tpu.memory_space<hbm>>
        tpu.wait_dma2 semaphore(%run_scoped3A_218 : memref<!tpu.dma_semaphore, #tpu.memory_space<semaphore_mem>>) src(%arg16 : memref<64x128xf32, #tpu.memory_space<vmem>>) dst(%dma_wait3A_228 : memref<64x128xf32, #tpu.memory_space<hbm>>)
        tpu.yield
      }) : () -> ()
    }
    %scan3A_145 = arith.constant 5 : i32
    %barrier3A_146 = arith.constant 0 : index
    tpu.barrier barrier_id(%barrier3A_146)
    %scan3A_147 = arith.constant 0 : i32
    %scan3A_148 = arith.constant 5 : i32
    %scan3A_149 = arith.addi %scan3A_147, %scan3A_148 : i32
    %scan3A_150 = arith.constant 1 : i32
    scf.for %scan3A_210 = %scan3A_147 to %scan3A_149 step %scan3A_150  : i32 {
      %mul3A_211 = arith.constant 64 : i32
      %mul3A_212 = arith.muli %scan3A_210, %mul3A_211 : i32
      %add3A_213 = arith.constant 0 : i32
      %add3A_214 = arith.addi %add3A_213, %mul3A_212 : i32
      %mul3A_215 = arith.constant 320 : i32
      %mul3A_216 = arith.muli %arg1, %mul3A_215 : i32
      %add3A_217 = arith.addi %mul3A_216, %add3A_214 : i32
      "tpu.region"() ({
        %run_scoped3A = tpu.sem_alloc : memref<!tpu.dma_semaphore, #tpu.memory_space<semaphore_mem>>
        %dma_start3A = arith.constant 0 : i32
        %dma_start3A_218 = tpu.memref_slice %arg17[%add3A_217, %dma_start3A] : memref<5120x128xf32, #tpu.memory_space<vmem_shared>> -> memref<64x128xf32, #tpu.memory_space<vmem_shared>>
        %dma_start3A_219 = arith.constant 0 : i32
        %dma_start3A_220 = tpu.memref_slice %arg17[%add3A_217, %dma_start3A_219] : memref<5120x128xf32, #tpu.memory_space<vmem_shared>> -> memref<64x128xf32, #tpu.memory_space<vmem_shared>>
        tpu.enqueue_dma source(%arg15 : memref<64x128xf32, #tpu.memory_space<vmem>>) target(%dma_start3A_220 : memref<64x128xf32, #tpu.memory_space<vmem_shared>>) target_semaphore(%run_scoped3A : memref<!tpu.dma_semaphore, #tpu.memory_space<semaphore_mem>>)
        %dma_wait3A = arith.constant 0 : i32
        %dma_wait3A_221 = tpu.memref_slice %arg17[%add3A_217, %dma_wait3A] : memref<5120x128xf32, #tpu.memory_space<vmem_shared>> -> memref<64x128xf32, #tpu.memory_space<vmem_shared>>
        %dma_wait3A_222 = arith.constant 0 : i32
        %dma_wait3A_223 = tpu.memref_slice %arg17[%add3A_217, %dma_wait3A_222] : memref<5120x128xf32, #tpu.memory_space<vmem_shared>> -> memref<64x128xf32, #tpu.memory_space<vmem_shared>>
        tpu.wait_dma2 semaphore(%run_scoped3A : memref<!tpu.dma_semaphore, #tpu.memory_space<semaphore_mem>>) src(%arg15 : memref<64x128xf32, #tpu.memory_space<vmem>>) dst(%dma_wait3A_223 : memref<64x128xf32, #tpu.memory_space<vmem_shared>>)
        tpu.yield
      }) : () -> ()
    }
    %scan3A_151 = arith.constant 5 : i32
    %barrier3A_152 = arith.constant 0 : index
    tpu.barrier barrier_id(%barrier3A_152)
    %get3A_153 = arith.constant 1 : i32
    %get3A_154 = arith.index_cast %get3A_153 : i32 to index
    %get3A_155 = memref.load %arg18[%get3A_154] : memref<2xi32, #tpu.memory_space<smem>>
    %add3A_156 = arith.constant 80 : i32
    %add3A_157 = arith.addi %get3A_155, %add3A_156 : i32
    %sub3A_158 = arith.constant 1 : i32
    %sub3A_159 = arith.subi %add3A_157, %sub3A_158 : i32
    %jit3A_160 = arith.constant 80 : i32
    %div3A_161 = arith.divsi %sub3A_159, %jit3A_160 : i32
    %sign3A_162 = arith.constant 0 : i32
    %sign3A_163 = arith.cmpi sgt, %sub3A_159, %sign3A_162 : i32
    %sign3A_164 = arith.extui %sign3A_163 : i1 to i32
    %sign3A_165 = arith.constant 0 : i32
    %sign3A_166 = arith.cmpi slt, %sub3A_159, %sign3A_165 : i32
    %sign3A_167 = arith.extui %sign3A_166 : i1 to i32
    %sign3A_168 = arith.subi %sign3A_164, %sign3A_167 : i32
    %sign3A_169 = arith.constant 0 : i32
    %sign3A_170 = arith.cmpi sgt, %jit3A_160, %sign3A_169 : i32
    %sign3A_171 = arith.extui %sign3A_170 : i1 to i32
    %sign3A_172 = arith.constant 0 : i32
    %sign3A_173 = arith.cmpi slt, %jit3A_160, %sign3A_172 : i32
    %sign3A_174 = arith.extui %sign3A_173 : i1 to i32
    %sign3A_175 = arith.subi %sign3A_171, %sign3A_174 : i32
    %ne3A_176 = arith.cmpi ne, %sign3A_168, %sign3A_175 : i32
    %rem3A_177 = arith.remsi %sub3A_159, %jit3A_160 : i32
    %ne3A_178 = arith.constant 0 : i32
    %ne3A_179 = arith.cmpi ne, %rem3A_177, %ne3A_178 : i32
    %and3A_180 = arith.andi %ne3A_176, %ne3A_179 : i1
    %sub3A_181 = arith.constant 1 : i32
    %sub3A_182 = arith.subi %div3A_161, %sub3A_181 : i32
    %select_n3A_183 = arith.select %and3A_180, %sub3A_182, %div3A_161 : i32
    %sub3A_184 = arith.constant 0 : i32
    %sub3A_185 = arith.subi %select_n3A_183, %sub3A_184 : i32
    %sub3A_186 = arith.constant 1 : i32
    %sub3A_187 = arith.constant 1 : i32
    %sub3A_188 = arith.subi %sub3A_186, %sub3A_187 : i32
    %add3A_189 = arith.addi %sub3A_185, %sub3A_188 : i32
    %div3A_190 = arith.constant 1 : i32
    %div3A_191 = arith.divsi %add3A_189, %div3A_190 : i32
    %while3A_192 = arith.constant 1 : i32
    %while3A_193 = arith.constant 0 : i32
    %while3A_194 = arith.constant 0 : i32
    %while3A_195 = arith.subi %div3A_191, %while3A_194 : i32
    %while3A_196 = arith.addi %while3A_194, %while3A_195 : i32
    %while3A_197 = arith.constant 1 : i32
    %while3A_198 = arith.divsi %while3A_195, %while3A_197 : i32
    %while3A_199 = arith.muli %while3A_198, %while3A_197 : i32
    %while3A_200 = arith.addi %while3A_194, %while3A_199 : i32
    %while3A_201 = arith.constant 1 : i32
    scf.for %while3A_210 = %while3A_194 to %while3A_200 step %while3A_201  : i32 {
      %mul3A_211 = arith.muli %while3A_210, %while3A_192 : i32
      %add3A_212 = arith.addi %while3A_193, %mul3A_211 : i32
      %mul3A_213 = arith.constant 80 : i32
      %mul3A_214 = arith.muli %add3A_212, %mul3A_213 : i32
      %add3A_215 = arith.constant 0 : i32
      %add3A_216 = arith.addi %mul3A_214, %add3A_215 : i32
      %get3A_217 = arith.index_cast %add3A_216 : i32 to index
      %get3A_218 = tpu.vector_load %arg10[%get3A_217] {strides = array<i32>} : memref<10096xi32, #tpu.memory_space<vmem>>, vector<16xi32>,
      %swap3A_219 = arith.constant 0 : index
      %swap3A_220 = tpu.vector_load %arg12[%swap3A_219] {strides = array<i32>} : memref<80xi32, #tpu.memory_space<vmem>>, vector<16xi32>,
      tpu.vector_store %arg12[%swap3A_219], %get3A_218 {strides = array<i32>} : memref<80xi32, #tpu.memory_space<vmem>>, vector<16xi32>,
      %mul3A_221 = arith.constant 80 : i32
      %mul3A_222 = arith.muli %add3A_212, %mul3A_221 : i32
      %add3A_223 = arith.constant 0 : i32
      %add3A_224 = arith.addi %mul3A_222, %add3A_223 : i32
      %get3A_225 = arith.index_cast %add3A_224 : i32 to index
      %get3A_226 = tpu.vector_load %arg11[%get3A_225] {strides = array<i32>} : memref<10096xi32, #tpu.memory_space<vmem>>, vector<16xi32>,
      %swap3A_227 = arith.constant 0 : index
      %swap3A_228 = tpu.vector_load %arg13[%swap3A_227] {strides = array<i32>} : memref<80xi32, #tpu.memory_space<vmem>>, vector<16xi32>,
      tpu.vector_store %arg13[%swap3A_227], %get3A_226 {strides = array<i32>} : memref<80xi32, #tpu.memory_space<vmem>>, vector<16xi32>,
      %mul3A_229 = arith.constant 80 : i32
      %mul3A_230 = arith.muli %add3A_212, %mul3A_229 : i32
      %add3A_231 = arith.constant 16 : i32
      %add3A_232 = arith.addi %mul3A_230, %add3A_231 : i32
      %get3A_233 = arith.index_cast %add3A_232 : i32 to index
      %get3A_234 = tpu.vector_load %arg10[%get3A_233] {strides = array<i32>} : memref<10096xi32, #tpu.memory_space<vmem>>, vector<16xi32>,
      %swap3A_235 = arith.constant 16 : index
      %swap3A_236 = tpu.vector_load %arg12[%swap3A_235] {strides = array<i32>} : memref<80xi32, #tpu.memory_space<vmem>>, vector<16xi32>,
      tpu.vector_store %arg12[%swap3A_235], %get3A_234 {strides = array<i32>} : memref<80xi32, #tpu.memory_space<vmem>>, vector<16xi32>,
      %mul3A_237 = arith.constant 80 : i32
      %mul3A_238 = arith.muli %add3A_212, %mul3A_237 : i32
      %add3A_239 = arith.constant 16 : i32
      %add3A_240 = arith.addi %mul3A_238, %add3A_239 : i32
      %get3A_241 = arith.index_cast %add3A_240 : i32 to index
      %get3A_242 = tpu.vector_load %arg11[%get3A_241] {strides = array<i32>} : memref<10096xi32, #tpu.memory_space<vmem>>, vector<16xi32>,
      %swap3A_243 = arith.constant 16 : index
      %swap3A_244 = tpu.vector_load %arg13[%swap3A_243] {strides = array<i32>} : memref<80xi32, #tpu.memory_space<vmem>>, vector<16xi32>,
      tpu.vector_store %arg13[%swap3A_243], %get3A_242 {strides = array<i32>} : memref<80xi32, #tpu.memory_space<vmem>>, vector<16xi32>,
      %mul3A_245 = arith.constant 80 : i32
      %mul3A_246 = arith.muli %add3A_212, %mul3A_245 : i32
      %add3A_247 = arith.constant 32 : i32
      %add3A_248 = arith.addi %mul3A_246, %add3A_247 : i32
      %get3A_249 = arith.index_cast %add3A_248 : i32 to index
      %get3A_250 = tpu.vector_load %arg10[%get3A_249] {strides = array<i32>} : memref<10096xi32, #tpu.memory_space<vmem>>, vector<16xi32>,
      %swap3A_251 = arith.constant 32 : index
      %swap3A_252 = tpu.vector_load %arg12[%swap3A_251] {strides = array<i32>} : memref<80xi32, #tpu.memory_space<vmem>>, vector<16xi32>,
      tpu.vector_store %arg12[%swap3A_251], %get3A_250 {strides = array<i32>} : memref<80xi32, #tpu.memory_space<vmem>>, vector<16xi32>,
      %mul3A_253 = arith.constant 80 : i32
      %mul3A_254 = arith.muli %add3A_212, %mul3A_253 : i32
      %add3A_255 = arith.constant 32 : i32
      %add3A_256 = arith.addi %mul3A_254, %add3A_255 : i32
      %get3A_257 = arith.index_cast %add3A_256 : i32 to index
      %get3A_258 = tpu.vector_load %arg11[%get3A_257] {strides = array<i32>} : memref<10096xi32, #tpu.memory_space<vmem>>, vector<16xi32>,
      %swap3A_259 = arith.constant 32 : index
      %swap3A_260 = tpu.vector_load %arg13[%swap3A_259] {strides = array<i32>} : memref<80xi32, #tpu.memory_space<vmem>>, vector<16xi32>,
      tpu.vector_store %arg13[%swap3A_259], %get3A_258 {strides = array<i32>} : memref<80xi32, #tpu.memory_space<vmem>>, vector<16xi32>,
      %mul3A_261 = arith.constant 80 : i32
      %mul3A_262 = arith.muli %add3A_212, %mul3A_261 : i32
      %add3A_263 = arith.constant 48 : i32
      %add3A_264 = arith.addi %mul3A_262, %add3A_263 : i32
      %get3A_265 = arith.index_cast %add3A_264 : i32 to index
      %get3A_266 = tpu.vector_load %arg10[%get3A_265] {strides = array<i32>} : memref<10096xi32, #tpu.memory_space<vmem>>, vector<16xi32>,
      %swap3A_267 = arith.constant 48 : index
      %swap3A_268 = tpu.vector_load %arg12[%swap3A_267] {strides = array<i32>} : memref<80xi32, #tpu.memory_space<vmem>>, vector<16xi32>,
      tpu.vector_store %arg12[%swap3A_267], %get3A_266 {strides = array<i32>} : memref<80xi32, #tpu.memory_space<vmem>>, vector<16xi32>,
      %mul3A_269 = arith.constant 80 : i32
      %mul3A_270 = arith.muli %add3A_212, %mul3A_269 : i32
      %add3A_271 = arith.constant 48 : i32
      %add3A_272 = arith.addi %mul3A_270, %add3A_271 : i32
      %get3A_273 = arith.index_cast %add3A_272 : i32 to index
      %get3A_274 = tpu.vector_load %arg11[%get3A_273] {strides = array<i32>} : memref<10096xi32, #tpu.memory_space<vmem>>, vector<16xi32>,
      %swap3A_275 = arith.constant 48 : index
      %swap3A_276 = tpu.vector_load %arg13[%swap3A_275] {strides = array<i32>} : memref<80xi32, #tpu.memory_space<vmem>>, vector<16xi32>,
      tpu.vector_store %arg13[%swap3A_275], %get3A_274 {strides = array<i32>} : memref<80xi32, #tpu.memory_space<vmem>>, vector<16xi32>,
      %mul3A_277 = arith.constant 80 : i32
      %mul3A_278 = arith.muli %add3A_212, %mul3A_277 : i32
      %add3A_279 = arith.constant 64 : i32
      %add3A_280 = arith.addi %mul3A_278, %add3A_279 : i32
      %get3A_281 = arith.index_cast %add3A_280 : i32 to index
      %get3A_282 = tpu.vector_load %arg10[%get3A_281] {strides = array<i32>} : memref<10096xi32, #tpu.memory_space<vmem>>, vector<16xi32>,
      %swap3A_283 = arith.constant 64 : index
      %swap3A_284 = tpu.vector_load %arg12[%swap3A_283] {strides = array<i32>} : memref<80xi32, #tpu.memory_space<vmem>>, vector<16xi32>,
      tpu.vector_store %arg12[%swap3A_283], %get3A_282 {strides = array<i32>} : memref<80xi32, #tpu.memory_space<vmem>>, vector<16xi32>,
      %mul3A_285 = arith.constant 80 : i32
      %mul3A_286 = arith.muli %add3A_212, %mul3A_285 : i32
      %add3A_287 = arith.constant 64 : i32
      %add3A_288 = arith.addi %mul3A_286, %add3A_287 : i32
      %get3A_289 = arith.index_cast %add3A_288 : i32 to index
      %get3A_290 = tpu.vector_load %arg11[%get3A_289] {strides = array<i32>} : memref<10096xi32, #tpu.memory_space<vmem>>, vector<16xi32>,
      %swap3A_291 = arith.constant 64 : index
      %swap3A_292 = tpu.vector_load %arg13[%swap3A_291] {strides = array<i32>} : memref<80xi32, #tpu.memory_space<vmem>>, vector<16xi32>,
      tpu.vector_store %arg13[%swap3A_291], %get3A_290 {strides = array<i32>} : memref<80xi32, #tpu.memory_space<vmem>>, vector<16xi32>,
      %dma_start3A = arith.constant 0 : i32
      %dma_start3A_293 = arith.constant 0 : i32
      %dma_start3A_294 = tpu.memref_slice %arg4[%dma_start3A, %dma_start3A_293] : memref<10000x128xf32, #tpu.memory_space<hbm>> -> memref<10000x128xf32, #tpu.memory_space<hbm>>
      tpu.enqueue_indirect_dma source(%dma_start3A_294 : memref<10000x128xf32, #tpu.memory_space<hbm>>) target(%arg14 : memref<80x128xf32, #tpu.memory_space<vmem>>) offsets(%arg12 : memref<80xi32, #tpu.memory_space<vmem>>) semaphore(%arg19 : memref<!tpu.dma_semaphore, #tpu.memory_space<semaphore_mem>>)
      %dma_wait3A = arith.constant 0 : i32
      %dma_wait3A_295 = arith.constant 0 : i32
      %dma_wait3A_296 = tpu.memref_slice %arg4[%dma_wait3A, %dma_wait3A_295] : memref<10000x128xf32, #tpu.memory_space<hbm>> -> memref<10000x128xf32, #tpu.memory_space<hbm>>
      tpu.wait_indirect_dma semaphore(%arg19 : memref<!tpu.dma_semaphore, #tpu.memory_space<semaphore_mem>>) src(%dma_wait3A_296 : memref<10000x128xf32, #tpu.memory_space<hbm>>) dst(%arg14 : memref<80x128xf32, #tpu.memory_space<vmem>>)
      "tpu.region"() ({
        %run_scoped3A = tpu.sem_alloc : memref<!tpu.dma_semaphore, #tpu.memory_space<semaphore_mem>>
        %dma_start3A_297 = arith.constant 0 : i32
        %dma_start3A_298 = arith.constant 0 : i32
        %dma_start3A_299 = tpu.memref_slice %arg17[%dma_start3A_297, %dma_start3A_298] : memref<5120x128xf32, #tpu.memory_space<vmem_shared>> -> memref<5120x128xf32, #tpu.memory_space<vmem_shared>>
        tpu.enqueue_indirect_dma source(%arg14 : memref<80x128xf32, #tpu.memory_space<vmem>>) target(%dma_start3A_299 : memref<5120x128xf32, #tpu.memory_space<vmem_shared>>) offsets(%arg13 : memref<80xi32, #tpu.memory_space<vmem>>) semaphore(%run_scoped3A : memref<!tpu.dma_semaphore, #tpu.memory_space<semaphore_mem>>) {add = true}
        %dma_wait3A_300 = arith.constant 0 : i32
        %dma_wait3A_301 = arith.constant 0 : i32
        %dma_wait3A_302 = tpu.memref_slice %arg17[%dma_wait3A_300, %dma_wait3A_301] : memref<5120x128xf32, #tpu.memory_space<vmem_shared>> -> memref<5120x128xf32, #tpu.memory_space<vmem_shared>>
        tpu.wait_indirect_dma semaphore(%run_scoped3A : memref<!tpu.dma_semaphore, #tpu.memory_space<semaphore_mem>>) src(%arg14 : memref<80x128xf32, #tpu.memory_space<vmem>>) dst(%dma_wait3A_302 : memref<5120x128xf32, #tpu.memory_space<vmem_shared>>)
        tpu.yield
      }) : () -> ()
    }
    %while3A_202 = arith.constant 1 : i32
    scf.for %while3A_210 = %while3A_200 to %while3A_196 step %while3A_202  : i32 {
      %mul3A_211 = arith.muli %while3A_210, %while3A_192 : i32
      %add3A_212 = arith.addi %while3A_193, %mul3A_211 : i32
      %mul3A_213 = arith.constant 80 : i32
      %mul3A_214 = arith.muli %add3A_212, %mul3A_213 : i32
      %add3A_215 = arith.constant 0 : i32
      %add3A_216 = arith.addi %mul3A_214, %add3A_215 : i32
      %get3A_217 = arith.index_cast %add3A_216 : i32 to index
      %get3A_218 = tpu.vector_load %arg10[%get3A_217] {strides = array<i32>} : memref<10096xi32, #tpu.memory_space<vmem>>, vector<16xi32>,
      %swap3A_219 = arith.constant 0 : index
      %swap3A_220 = tpu.vector_load %arg12[%swap3A_219] {strides = array<i32>} : memref<80xi32, #tpu.memory_space<vmem>>, vector<16xi32>,
      tpu.vector_store %arg12[%swap3A_219], %get3A_218 {strides = array<i32>} : memref<80xi32, #tpu.memory_space<vmem>>, vector<16xi32>,
      %mul3A_221 = arith.constant 80 : i32
      %mul3A_222 = arith.muli %add3A_212, %mul3A_221 : i32
      %add3A_223 = arith.constant 0 : i32
      %add3A_224 = arith.addi %mul3A_222, %add3A_223 : i32
      %get3A_225 = arith.index_cast %add3A_224 : i32 to index
      %get3A_226 = tpu.vector_load %arg11[%get3A_225] {strides = array<i32>} : memref<10096xi32, #tpu.memory_space<vmem>>, vector<16xi32>,
      %swap3A_227 = arith.constant 0 : index
      %swap3A_228 = tpu.vector_load %arg13[%swap3A_227] {strides = array<i32>} : memref<80xi32, #tpu.memory_space<vmem>>, vector<16xi32>,
      tpu.vector_store %arg13[%swap3A_227], %get3A_226 {strides = array<i32>} : memref<80xi32, #tpu.memory_space<vmem>>, vector<16xi32>,
      %mul3A_229 = arith.constant 80 : i32
      %mul3A_230 = arith.muli %add3A_212, %mul3A_229 : i32
      %add3A_231 = arith.constant 16 : i32
      %add3A_232 = arith.addi %mul3A_230, %add3A_231 : i32
      %get3A_233 = arith.index_cast %add3A_232 : i32 to index
      %get3A_234 = tpu.vector_load %arg10[%get3A_233] {strides = array<i32>} : memref<10096xi32, #tpu.memory_space<vmem>>, vector<16xi32>,
      %swap3A_235 = arith.constant 16 : index
      %swap3A_236 = tpu.vector_load %arg12[%swap3A_235] {strides = array<i32>} : memref<80xi32, #tpu.memory_space<vmem>>, vector<16xi32>,
      tpu.vector_store %arg12[%swap3A_235], %get3A_234 {strides = array<i32>} : memref<80xi32, #tpu.memory_space<vmem>>, vector<16xi32>,
      %mul3A_237 = arith.constant 80 : i32
      %mul3A_238 = arith.muli %add3A_212, %mul3A_237 : i32
      %add3A_239 = arith.constant 16 : i32
      %add3A_240 = arith.addi %mul3A_238, %add3A_239 : i32
      %get3A_241 = arith.index_cast %add3A_240 : i32 to index
      %get3A_242 = tpu.vector_load %arg11[%get3A_241] {strides = array<i32>} : memref<10096xi32, #tpu.memory_space<vmem>>, vector<16xi32>,
      %swap3A_243 = arith.constant 16 : index
      %swap3A_244 = tpu.vector_load %arg13[%swap3A_243] {strides = array<i32>} : memref<80xi32, #tpu.memory_space<vmem>>, vector<16xi32>,
      tpu.vector_store %arg13[%swap3A_243], %get3A_242 {strides = array<i32>} : memref<80xi32, #tpu.memory_space<vmem>>, vector<16xi32>,
      %mul3A_245 = arith.constant 80 : i32
      %mul3A_246 = arith.muli %add3A_212, %mul3A_245 : i32
      %add3A_247 = arith.constant 32 : i32
      %add3A_248 = arith.addi %mul3A_246, %add3A_247 : i32
      %get3A_249 = arith.index_cast %add3A_248 : i32 to index
      %get3A_250 = tpu.vector_load %arg10[%get3A_249] {strides = array<i32>} : memref<10096xi32, #tpu.memory_space<vmem>>, vector<16xi32>,
      %swap3A_251 = arith.constant 32 : index
      %swap3A_252 = tpu.vector_load %arg12[%swap3A_251] {strides = array<i32>} : memref<80xi32, #tpu.memory_space<vmem>>, vector<16xi32>,
      tpu.vector_store %arg12[%swap3A_251], %get3A_250 {strides = array<i32>} : memref<80xi32, #tpu.memory_space<vmem>>, vector<16xi32>,
      %mul3A_253 = arith.constant 80 : i32
      %mul3A_254 = arith.muli %add3A_212, %mul3A_253 : i32
      %add3A_255 = arith.constant 32 : i32
      %add3A_256 = arith.addi %mul3A_254, %add3A_255 : i32
      %get3A_257 = arith.index_cast %add3A_256 : i32 to index
      %get3A_258 = tpu.vector_load %arg11[%get3A_257] {strides = array<i32>} : memref<10096xi32, #tpu.memory_space<vmem>>, vector<16xi32>,
      %swap3A_259 = arith.constant 32 : index
      %swap3A_260 = tpu.vector_load %arg13[%swap3A_259] {strides = array<i32>} : memref<80xi32, #tpu.memory_space<vmem>>, vector<16xi32>,
      tpu.vector_store %arg13[%swap3A_259], %get3A_258 {strides = array<i32>} : memref<80xi32, #tpu.memory_space<vmem>>, vector<16xi32>,
      %mul3A_261 = arith.constant 80 : i32
      %mul3A_262 = arith.muli %add3A_212, %mul3A_261 : i32
      %add3A_263 = arith.constant 48 : i32
      %add3A_264 = arith.addi %mul3A_262, %add3A_263 : i32
      %get3A_265 = arith.index_cast %add3A_264 : i32 to index
      %get3A_266 = tpu.vector_load %arg10[%get3A_265] {strides = array<i32>} : memref<10096xi32, #tpu.memory_space<vmem>>, vector<16xi32>,
      %swap3A_267 = arith.constant 48 : index
      %swap3A_268 = tpu.vector_load %arg12[%swap3A_267] {strides = array<i32>} : memref<80xi32, #tpu.memory_space<vmem>>, vector<16xi32>,
      tpu.vector_store %arg12[%swap3A_267], %get3A_266 {strides = array<i32>} : memref<80xi32, #tpu.memory_space<vmem>>, vector<16xi32>,
      %mul3A_269 = arith.constant 80 : i32
      %mul3A_270 = arith.muli %add3A_212, %mul3A_269 : i32
      %add3A_271 = arith.constant 48 : i32
      %add3A_272 = arith.addi %mul3A_270, %add3A_271 : i32
      %get3A_273 = arith.index_cast %add3A_272 : i32 to index
      %get3A_274 = tpu.vector_load %arg11[%get3A_273] {strides = array<i32>} : memref<10096xi32, #tpu.memory_space<vmem>>, vector<16xi32>,
      %swap3A_275 = arith.constant 48 : index
      %swap3A_276 = tpu.vector_load %arg13[%swap3A_275] {strides = array<i32>} : memref<80xi32, #tpu.memory_space<vmem>>, vector<16xi32>,
      tpu.vector_store %arg13[%swap3A_275], %get3A_274 {strides = array<i32>} : memref<80xi32, #tpu.memory_space<vmem>>, vector<16xi32>,
      %mul3A_277 = arith.constant 80 : i32
      %mul3A_278 = arith.muli %add3A_212, %mul3A_277 : i32
      %add3A_279 = arith.constant 64 : i32
      %add3A_280 = arith.addi %mul3A_278, %add3A_279 : i32
      %get3A_281 = arith.index_cast %add3A_280 : i32 to index
      %get3A_282 = tpu.vector_load %arg10[%get3A_281] {strides = array<i32>} : memref<10096xi32, #tpu.memory_space<vmem>>, vector<16xi32>,
      %swap3A_283 = arith.constant 64 : index
      %swap3A_284 = tpu.vector_load %arg12[%swap3A_283] {strides = array<i32>} : memref<80xi32, #tpu.memory_space<vmem>>, vector<16xi32>,
      tpu.vector_store %arg12[%swap3A_283], %get3A_282 {strides = array<i32>} : memref<80xi32, #tpu.memory_space<vmem>>, vector<16xi32>,
      %mul3A_285 = arith.constant 80 : i32
      %mul3A_286 = arith.muli %add3A_212, %mul3A_285 : i32
      %add3A_287 = arith.constant 64 : i32
      %add3A_288 = arith.addi %mul3A_286, %add3A_287 : i32
      %get3A_289 = arith.index_cast %add3A_288 : i32 to index
      %get3A_290 = tpu.vector_load %arg11[%get3A_289] {strides = array<i32>} : memref<10096xi32, #tpu.memory_space<vmem>>, vector<16xi32>,
      %swap3A_291 = arith.constant 64 : index
      %swap3A_292 = tpu.vector_load %arg13[%swap3A_291] {strides = array<i32>} : memref<80xi32, #tpu.memory_space<vmem>>, vector<16xi32>,
      tpu.vector_store %arg13[%swap3A_291], %get3A_290 {strides = array<i32>} : memref<80xi32, #tpu.memory_space<vmem>>, vector<16xi32>,
      %dma_start3A = arith.constant 0 : i32
      %dma_start3A_293 = arith.constant 0 : i32
      %dma_start3A_294 = tpu.memref_slice %arg4[%dma_start3A, %dma_start3A_293] : memref<10000x128xf32, #tpu.memory_space<hbm>> -> memref<10000x128xf32, #tpu.memory_space<hbm>>
      tpu.enqueue_indirect_dma source(%dma_start3A_294 : memref<10000x128xf32, #tpu.memory_space<hbm>>) target(%arg14 : memref<80x128xf32, #tpu.memory_space<vmem>>) offsets(%arg12 : memref<80xi32, #tpu.memory_space<vmem>>) semaphore(%arg19 : memref<!tpu.dma_semaphore, #tpu.memory_space<semaphore_mem>>)
      %dma_wait3A = arith.constant 0 : i32
      %dma_wait3A_295 = arith.constant 0 : i32
      %dma_wait3A_296 = tpu.memref_slice %arg4[%dma_wait3A, %dma_wait3A_295] : memref<10000x128xf32, #tpu.memory_space<hbm>> -> memref<10000x128xf32, #tpu.memory_space<hbm>>
      tpu.wait_indirect_dma semaphore(%arg19 : memref<!tpu.dma_semaphore, #tpu.memory_space<semaphore_mem>>) src(%dma_wait3A_296 : memref<10000x128xf32, #tpu.memory_space<hbm>>) dst(%arg14 : memref<80x128xf32, #tpu.memory_space<vmem>>)
      "tpu.region"() ({
        %run_scoped3A = tpu.sem_alloc : memref<!tpu.dma_semaphore, #tpu.memory_space<semaphore_mem>>
        %dma_start3A_297 = arith.constant 0 : i32
        %dma_start3A_298 = arith.constant 0 : i32
        %dma_start3A_299 = tpu.memref_slice %arg17[%dma_start3A_297, %dma_start3A_298] : memref<5120x128xf32, #tpu.memory_space<vmem_shared>> -> memref<5120x128xf32, #tpu.memory_space<vmem_shared>>
        tpu.enqueue_indirect_dma source(%arg14 : memref<80x128xf32, #tpu.memory_space<vmem>>) target(%dma_start3A_299 : memref<5120x128xf32, #tpu.memory_space<vmem_shared>>) offsets(%arg13 : memref<80xi32, #tpu.memory_space<vmem>>) semaphore(%run_scoped3A : memref<!tpu.dma_semaphore, #tpu.memory_space<semaphore_mem>>) {add = true}
        %dma_wait3A_300 = arith.constant 0 : i32
        %dma_wait3A_301 = arith.constant 0 : i32
        %dma_wait3A_302 = tpu.memref_slice %arg17[%dma_wait3A_300, %dma_wait3A_301] : memref<5120x128xf32, #tpu.memory_space<vmem_shared>> -> memref<5120x128xf32, #tpu.memory_space<vmem_shared>>
        tpu.wait_indirect_dma semaphore(%run_scoped3A : memref<!tpu.dma_semaphore, #tpu.memory_space<semaphore_mem>>) src(%arg14 : memref<80x128xf32, #tpu.memory_space<vmem>>) dst(%dma_wait3A_302 : memref<5120x128xf32, #tpu.memory_space<vmem_shared>>)
        tpu.yield
      }) : () -> ()
    }
    %barrier3A_203 = arith.constant 0 : index
    tpu.barrier barrier_id(%barrier3A_203)
    %scan3A_204 = arith.constant 0 : i32
    %scan3A_205 = arith.constant 5 : i32
    %scan3A_206 = arith.addi %scan3A_204, %scan3A_205 : i32
    %scan3A_207 = arith.constant 1 : i32
    scf.for %scan3A_210 = %scan3A_204 to %scan3A_206 step %scan3A_207  : i32 {
      %mul3A_211 = arith.constant 64 : i32
      %mul3A_212 = arith.muli %scan3A_210, %mul3A_211 : i32
      %add3A_213 = arith.constant 0 : i32
      %add3A_214 = arith.addi %add3A_213, %mul3A_212 : i32
      %mul3A_215 = arith.constant 320 : i32
      %mul3A_216 = arith.muli %arg1, %mul3A_215 : i32
      %add3A_217 = arith.addi %mul3A_216, %add3A_214 : i32
      "tpu.region"() ({
        %run_scoped3A_218 = tpu.sem_alloc : memref<!tpu.dma_semaphore, #tpu.memory_space<semaphore_mem>>
        %dma_start3A = arith.constant 0 : i32
        %dma_start3A_219 = tpu.memref_slice %arg17[%add3A_217, %dma_start3A] : memref<5120x128xf32, #tpu.memory_space<vmem_shared>> -> memref<64x128xf32, #tpu.memory_space<vmem_shared>>
        %dma_start3A_220 = arith.constant 0 : i32
        %dma_start3A_221 = tpu.memref_slice %arg17[%add3A_217, %dma_start3A_220] : memref<5120x128xf32, #tpu.memory_space<vmem_shared>> -> memref<64x128xf32, #tpu.memory_space<vmem_shared>>
        tpu.enqueue_dma source(%dma_start3A_221 : memref<64x128xf32, #tpu.memory_space<vmem_shared>>) target(%arg16 : memref<64x128xf32, #tpu.memory_space<vmem>>) target_semaphore(%run_scoped3A_218 : memref<!tpu.dma_semaphore, #tpu.memory_space<semaphore_mem>>)
        %dma_wait3A = arith.constant 0 : i32
        %dma_wait3A_222 = tpu.memref_slice %arg17[%add3A_217, %dma_wait3A] : memref<5120x128xf32, #tpu.memory_space<vmem_shared>> -> memref<64x128xf32, #tpu.memory_space<vmem_shared>>
        %dma_wait3A_223 = arith.constant 0 : i32
        %dma_wait3A_224 = tpu.memref_slice %arg17[%add3A_217, %dma_wait3A_223] : memref<5120x128xf32, #tpu.memory_space<vmem_shared>> -> memref<64x128xf32, #tpu.memory_space<vmem_shared>>
        tpu.wait_dma2 semaphore(%run_scoped3A_218 : memref<!tpu.dma_semaphore, #tpu.memory_space<semaphore_mem>>) src(%dma_wait3A_224 : memref<64x128xf32, #tpu.memory_space<vmem_shared>>) dst(%arg16 : memref<64x128xf32, #tpu.memory_space<vmem>>)
        tpu.yield
      }) : () -> ()
      %run_scoped3A = arith.constant 1 : i32
      "tpu.region"() ({
        %run_scoped3A_218 = tpu.sem_alloc : memref<!tpu.dma_semaphore, #tpu.memory_space<semaphore_mem>>
        %dma_start3A = arith.constant 0 : i32
        %dma_start3A_219 = tpu.memref_slice %arg5[%arg0, %run_scoped3A, %add3A_217, %dma_start3A] : memref<2x2x5120x128xf32, #tpu.memory_space<hbm>> -> memref<1x1x64x128xf32, #tpu.memory_space<hbm>>
        %dma_start3A_220 = tpu.memref_squeeze %dma_start3A_219 : memref<1x1x64x128xf32, #tpu.memory_space<hbm>> -> memref<64x128xf32, #tpu.memory_space<hbm>>
        %dma_start3A_221 = arith.constant 0 : i32
        %dma_start3A_222 = tpu.memref_slice %arg5[%arg0, %run_scoped3A, %add3A_217, %dma_start3A_221] : memref<2x2x5120x128xf32, #tpu.memory_space<hbm>> -> memref<1x1x64x128xf32, #tpu.memory_space<hbm>>
        %dma_start3A_223 = tpu.memref_squeeze %dma_start3A_222 : memref<1x1x64x128xf32, #tpu.memory_space<hbm>> -> memref<64x128xf32, #tpu.memory_space<hbm>>
        tpu.enqueue_dma source(%arg16 : memref<64x128xf32, #tpu.memory_space<vmem>>) target(%dma_start3A_223 : memref<64x128xf32, #tpu.memory_space<hbm>>) target_semaphore(%run_scoped3A_218 : memref<!tpu.dma_semaphore, #tpu.memory_space<semaphore_mem>>)
        %dma_wait3A = arith.constant 0 : i32
        %dma_wait3A_224 = tpu.memref_slice %arg5[%arg0, %run_scoped3A, %add3A_217, %dma_wait3A] : memref<2x2x5120x128xf32, #tpu.memory_space<hbm>> -> memref<1x1x64x128xf32, #tpu.memory_space<hbm>>
        %dma_wait3A_225 = tpu.memref_squeeze %dma_wait3A_224 : memref<1x1x64x128xf32, #tpu.memory_space<hbm>> -> memref<64x128xf32, #tpu.memory_space<hbm>>
        %dma_wait3A_226 = arith.constant 0 : i32
        %dma_wait3A_227 = tpu.memref_slice %arg5[%arg0, %run_scoped3A, %add3A_217, %dma_wait3A_226] : memref<2x2x5120x128xf32, #tpu.memory_space<hbm>> -> memref<1x1x64x128xf32, #tpu.memory_space<hbm>>
        %dma_wait3A_228 = tpu.memref_squeeze %dma_wait3A_227 : memref<1x1x64x128xf32, #tpu.memory_space<hbm>> -> memref<64x128xf32, #tpu.memory_space<hbm>>
        tpu.wait_dma2 semaphore(%run_scoped3A_218 : memref<!tpu.dma_semaphore, #tpu.memory_space<semaphore_mem>>) src(%arg16 : memref<64x128xf32, #tpu.memory_space<vmem>>) dst(%dma_wait3A_228 : memref<64x128xf32, #tpu.memory_space<hbm>>)
        tpu.yield
      }) : () -> ()
    }
    %scan3A_208 = arith.constant 5 : i32
    %barrier3A_209 = arith.constant 0 : index
    tpu.barrier barrier_id(%barrier3A_209)
    return
  }
}

module attributes {stable_mosaic.version = 14 : i64} {
  func.func @_prescale_body(%arg0: i32, %arg1: memref<2000x128xf32, #tpu.memory_space<vmem>>, %arg2: memref<2000x32xf32, #tpu.memory_space<vmem>>, %arg3: memref<2000x32xf32, #tpu.memory_space<vmem>>, %arg4: memref<2000x128xf32, #tpu.memory_space<vmem>>, %arg5: memref<2000x1xf32, #tpu.memory_space<vmem>>, %arg6: memref<2000x1xf32, #tpu.memory_space<vmem>>) attributes {dimension_semantics = [#tpu.dimension_semantics<arbitrary>], iteration_bounds = array<i64: 5>, scalar_prefetch = 0 : i64, scratch_operands = 0 : i64, tpu.core_type = #tpu.core_type<tc>, window_params = [{transform_indices = @transform_0, window_bounds = array<i64: 2000, 128>}, {transform_indices = @transform_1, window_bounds = array<i64: 2000, 32>}, {transform_indices = @transform_2, window_bounds = array<i64: 2000, 32>}, {transform_indices = @transform_3, window_bounds = array<i64: 2000, 128>}, {transform_indices = @transform_4, window_bounds = array<i64: 2000, 1>}, {transform_indices = @transform_5, window_bounds = array<i64: 2000, 1>}]} {
    %get3A = arith.constant 0 : index
    %get3A_0 = arith.constant 0 : index
    %get3A_1 = vector.load %arg2[%get3A, %get3A_0] : memref<2000x32xf32, #tpu.memory_space<vmem>>, vector<2000x32xf32>
    %reduce_sum3A = arith.constant dense<0.000000e+00> : vector<2000xf32>
    %reduce_sum3A_2 = vector.multi_reduction <add>, %get3A_1, %reduce_sum3A [1] : vector<2000x32xf32> to vector<2000xf32>
    %broadcast_in_dim3A = vector.shape_cast %reduce_sum3A_2 : vector<2000xf32> to vector<2000x1xf32>
    %get3A_3 = arith.constant 0 : index
    %get3A_4 = arith.constant 0 : index
    %get3A_5 = vector.load %arg3[%get3A_3, %get3A_4] : memref<2000x32xf32, #tpu.memory_space<vmem>>, vector<2000x32xf32>
    %reduce_sum3A_6 = arith.constant dense<0.000000e+00> : vector<2000xf32>
    %reduce_sum3A_7 = vector.multi_reduction <add>, %get3A_5, %reduce_sum3A_6 [1] : vector<2000x32xf32> to vector<2000xf32>
    %broadcast_in_dim3A_8 = vector.shape_cast %reduce_sum3A_7 : vector<2000xf32> to vector<2000x1xf32>
    %max3A = arith.constant 1.000000e+00 : f32
    %max3A_9 = vector.broadcast %max3A : f32 to vector<2000x1xf32>
    %max3A_10 = arith.maximumf %broadcast_in_dim3A, %max3A_9 : vector<2000x1xf32>
    %rsqrt3A = math.rsqrt %max3A_10 : vector<2000x1xf32>
    %max3A_11 = arith.constant 1.000000e+00 : f32
    %max3A_12 = vector.broadcast %max3A_11 : f32 to vector<2000x1xf32>
    %max3A_13 = arith.maximumf %broadcast_in_dim3A_8, %max3A_12 : vector<2000x1xf32>
    %rsqrt3A_14 = math.rsqrt %max3A_13 : vector<2000x1xf32>
    %get3A_15 = arith.constant 0 : index
    %get3A_16 = arith.constant 0 : index
    %get3A_17 = vector.load %arg1[%get3A_15, %get3A_16] : memref<2000x128xf32, #tpu.memory_space<vmem>>, vector<2000x128xf32>
    %mul3A = vector.broadcast %rsqrt3A : vector<2000x1xf32> to vector<2000x128xf32>
    %mul3A_18 = arith.mulf %get3A_17, %mul3A : vector<2000x128xf32>
    %swap3A = arith.constant 0 : index
    %swap3A_19 = arith.constant 0 : index
    %swap3A_20 = vector.load %arg4[%swap3A, %swap3A_19] : memref<2000x128xf32, #tpu.memory_space<vmem>>, vector<2000x128xf32>
    tpu.vector_store %arg4[%swap3A, %swap3A_19], %mul3A_18 {strides = array<i32>} : memref<2000x128xf32, #tpu.memory_space<vmem>>, vector<2000x128xf32>,
    %swap3A_21 = arith.constant 0 : index
    %swap3A_22 = arith.constant 0 : index
    %swap3A_23 = vector.load %arg5[%swap3A_21, %swap3A_22] : memref<2000x1xf32, #tpu.memory_space<vmem>>, vector<2000x1xf32>
    tpu.vector_store %arg5[%swap3A_21, %swap3A_22], %rsqrt3A {strides = array<i32>} : memref<2000x1xf32, #tpu.memory_space<vmem>>, vector<2000x1xf32>,
    %swap3A_24 = arith.constant 0 : index
    %swap3A_25 = arith.constant 0 : index
    %swap3A_26 = vector.load %arg6[%swap3A_24, %swap3A_25] : memref<2000x1xf32, #tpu.memory_space<vmem>>, vector<2000x1xf32>
    tpu.vector_store %arg6[%swap3A_24, %swap3A_25], %rsqrt3A_14 {strides = array<i32>} : memref<2000x1xf32, #tpu.memory_space<vmem>>, vector<2000x1xf32>,
    return
  }
  func.func @transform_0(%arg0: i32) -> (i32, i32) {
    %c0_i32 = arith.constant 0 : i32
    %c0_i32_0 = arith.constant 0 : i32
    return %arg0, %c0_i32 : i32, i32
  }
  func.func @transform_1(%arg0: i32) -> (i32, i32) {
    %c0_i32 = arith.constant 0 : i32
    %c0_i32_0 = arith.constant 0 : i32
    return %arg0, %c0_i32 : i32, i32
  }
  func.func @transform_2(%arg0: i32) -> (i32, i32) {
    %c0_i32 = arith.constant 0 : i32
    %c0_i32_0 = arith.constant 0 : i32
    return %arg0, %c0_i32 : i32, i32
  }
  func.func @transform_3(%arg0: i32) -> (i32, i32) {
    %c0_i32 = arith.constant 0 : i32
    %c0_i32_0 = arith.constant 0 : i32
    return %arg0, %c0_i32 : i32, i32
  }
  func.func @transform_4(%arg0: i32) -> (i32, i32) {
    %c0_i32 = arith.constant 0 : i32
    %c0_i32_0 = arith.constant 0 : i32
    return %arg0, %c0_i32 : i32, i32
  }
  func.func @transform_5(%arg0: i32) -> (i32, i32) {
    %c0_i32 = arith.constant 0 : i32
    %c0_i32_0 = arith.constant 0 : i32
    return %arg0, %c0_i32 : i32, i32
  }
}

module attributes {stable_mosaic.version = 14 : i64} {
  func.func @_layer_body(%arg0: i32, %arg1: i32, %arg2: memref<1x1000x128xf32, #tpu.memory_space<vmem>>, %arg3: memref<1x1000x128xf32, #tpu.memory_space<vmem>>, %arg4: memref<1000x1xf32, #tpu.memory_space<vmem>>, %arg5: memref<1000x1xf32, #tpu.memory_space<vmem>>, %arg6: memref<128x128xf32, #tpu.memory_space<vmem>>, %arg7: memref<1x128xf32, #tpu.memory_space<vmem>>, %arg8: memref<1000x128xf32, #tpu.memory_space<vmem>>) attributes {dimension_semantics = [#tpu.dimension_semantics<arbitrary>, #tpu.dimension_semantics<arbitrary>], iteration_bounds = array<i64: 2, 5>, scalar_prefetch = 0 : i64, scratch_operands = 0 : i64, tpu.core_type = #tpu.core_type<tc>, window_params = [{transform_indices = @transform_0, window_bounds = array<i64: 1, 1000, 128>}, {transform_indices = @transform_1, window_bounds = array<i64: 1, 1000, 128>}, {transform_indices = @transform_2, window_bounds = array<i64: 1000, 1>}, {transform_indices = @transform_3, window_bounds = array<i64: 1000, 1>}, {pipeline_mode = #tpu.pipeline_mode<synchronous>, transform_indices = @transform_4, window_bounds = array<i64: 128, 128>}, {pipeline_mode = #tpu.pipeline_mode<synchronous>, transform_indices = @transform_5, window_bounds = array<i64: 1, 128>}, {transform_indices = @transform_6, window_bounds = array<i64: 1000, 128>}]} {
    %get3A = arith.constant 0 : index
    %get3A_0 = arith.constant 0 : index
    %get3A_1 = arith.constant 0 : index
    %get3A_2 = vector.load %arg2[%get3A, %get3A_0, %get3A_1] : memref<1x1000x128xf32, #tpu.memory_space<vmem>>, vector<1x1000x128xf32>
    %get3A_3 = vector.shape_cast %get3A_2 : vector<1x1000x128xf32> to vector<1000x128xf32>
    %get3A_4 = arith.constant 0 : index
    %get3A_5 = arith.constant 0 : index
    %get3A_6 = arith.constant 0 : index
    %get3A_7 = vector.load %arg3[%get3A_4, %get3A_5, %get3A_6] : memref<1x1000x128xf32, #tpu.memory_space<vmem>>, vector<1x1000x128xf32>
    %get3A_8 = vector.shape_cast %get3A_7 : vector<1x1000x128xf32> to vector<1000x128xf32>
    %add3A = arith.addf %get3A_3, %get3A_8 : vector<1000x128xf32>
    %get3A_9 = arith.constant 0 : index
    %get3A_10 = arith.constant 0 : index
    %get3A_11 = vector.load %arg4[%get3A_9, %get3A_10] : memref<1000x1xf32, #tpu.memory_space<vmem>>, vector<1000x1xf32>
    %mul3A = vector.broadcast %get3A_11 : vector<1000x1xf32> to vector<1000x128xf32>
    %mul3A_12 = arith.mulf %add3A, %mul3A : vector<1000x128xf32>
    %get3A_13 = arith.constant 0 : index
    %get3A_14 = arith.constant 0 : index
    %get3A_15 = vector.load %arg6[%get3A_13, %get3A_14] : memref<128x128xf32, #tpu.memory_space<vmem>>, vector<128x128xf32>
    %dot_general3A = arith.constant dense<0.000000e+00> : vector<1000x128xf32>
    %dot_general3A_16 = tpu.matmul %mul3A_12, %get3A_15, %dot_general3A {dimension_numbers = #tpu.dot_dimension_numbers<[1], [0], [0], [1], [0, 0, 1, 1], [], []>, precision = #tpu.contract_precision<fp32>, transpose_lhs_hint = false} : vector<1000x128xf32>, vector<128x128xf32>, vector<1000x128xf32> -> vector<1000x128xf32>
    %get3A_17 = arith.constant 0 : index
    %get3A_18 = arith.constant 0 : index
    %get3A_19 = vector.load %arg7[%get3A_17, %get3A_18] : memref<1x128xf32, #tpu.memory_space<vmem>>, vector<1x128xf32>
    %add3A_20 = vector.broadcast %get3A_19 : vector<1x128xf32> to vector<1000x128xf32>
    %add3A_21 = arith.addf %dot_general3A_16, %add3A_20 : vector<1000x128xf32>
    %max3A = arith.constant 0.000000e+00 : f32
    %max3A_22 = vector.broadcast %max3A : f32 to vector<1000x128xf32>
    %max3A_23 = arith.maximumf %add3A_21, %max3A_22 : vector<1000x128xf32>
    %get3A_24 = arith.constant 0 : index
    %get3A_25 = arith.constant 0 : index
    %get3A_26 = vector.load %arg5[%get3A_24, %get3A_25] : memref<1000x1xf32, #tpu.memory_space<vmem>>, vector<1000x1xf32>
    %mul3A_27 = vector.broadcast %get3A_26 : vector<1000x1xf32> to vector<1000x128xf32>
    %mul3A_28 = arith.mulf %max3A_23, %mul3A_27 : vector<1000x128xf32>
    %swap3A = arith.constant 0 : index
    %swap3A_29 = arith.constant 0 : index
    %swap3A_30 = vector.load %arg8[%swap3A, %swap3A_29] : memref<1000x128xf32, #tpu.memory_space<vmem>>, vector<1000x128xf32>
    tpu.vector_store %arg8[%swap3A, %swap3A_29], %mul3A_28 {strides = array<i32>} : memref<1000x128xf32, #tpu.memory_space<vmem>>, vector<1000x128xf32>,
    return
  }
  func.func @transform_0(%arg0: i32, %arg1: i32) -> (i32, i32, i32) {
    %c0_i32 = arith.constant 0 : i32
    %c0_i32_0 = arith.constant 0 : i32
    return %arg0, %arg1, %c0_i32 : i32, i32, i32
  }
  func.func @transform_1(%arg0: i32, %arg1: i32) -> (i32, i32, i32) {
    %c0_i32 = arith.constant 0 : i32
    %c0_i32_0 = arith.constant 0 : i32
    return %arg0, %arg1, %c0_i32 : i32, i32, i32
  }
  func.func @transform_2(%arg0: i32, %arg1: i32) -> (i32, i32) {
    %mul3A = arith.constant 5 : i32
    %mul3A_0 = arith.muli %arg0, %mul3A : i32
    %add3A = arith.addi %mul3A_0, %arg1 : i32
    %c0_i32 = arith.constant 0 : i32
    %c0_i32_1 = arith.constant 0 : i32
    return %add3A, %c0_i32 : i32, i32
  }
  func.func @transform_3(%arg0: i32, %arg1: i32) -> (i32, i32) {
    %mul3A = arith.constant 5 : i32
    %mul3A_0 = arith.muli %arg0, %mul3A : i32
    %add3A = arith.addi %mul3A_0, %arg1 : i32
    %c0_i32 = arith.constant 0 : i32
    %c0_i32_1 = arith.constant 0 : i32
    return %add3A, %c0_i32 : i32, i32
  }
  func.func @transform_4(%arg0: i32, %arg1: i32) -> (i32, i32) {
    %c0_i32 = arith.constant 0 : i32
    %c0_i32_0 = arith.constant 0 : i32
    %c0_i32_1 = arith.constant 0 : i32
    return %c0_i32, %c0_i32_0 : i32, i32
  }
  func.func @transform_5(%arg0: i32, %arg1: i32) -> (i32, i32) {
    %c0_i32 = arith.constant 0 : i32
    %c0_i32_0 = arith.constant 0 : i32
    %c0_i32_1 = arith.constant 0 : i32
    return %c0_i32, %c0_i32_0 : i32, i32
  }
  func.func @transform_6(%arg0: i32, %arg1: i32) -> (i32, i32) {
    %mul3A = arith.constant 5 : i32
    %mul3A_0 = arith.muli %arg0, %mul3A : i32
    %add3A = arith.addi %mul3A_0, %arg1 : i32
    %c0_i32 = arith.constant 0 : i32
    %c0_i32_1 = arith.constant 0 : i32
    return %add3A, %c0_i32 : i32, i32
  }
}

module attributes {stable_mosaic.version = 14 : i64} {
  func.func @_layer_body(%arg0: i32, %arg1: i32, %arg2: memref<1x1000x128xf32, #tpu.memory_space<vmem>>, %arg3: memref<1x1000x128xf32, #tpu.memory_space<vmem>>, %arg4: memref<1000x1xf32, #tpu.memory_space<vmem>>, %arg5: memref<1000x1xf32, #tpu.memory_space<vmem>>, %arg6: memref<128x128xf32, #tpu.memory_space<vmem>>, %arg7: memref<1x128xf32, #tpu.memory_space<vmem>>, %arg8: memref<1000x128xf32, #tpu.memory_space<vmem>>) attributes {dimension_semantics = [#tpu.dimension_semantics<arbitrary>, #tpu.dimension_semantics<arbitrary>], iteration_bounds = array<i64: 2, 5>, scalar_prefetch = 0 : i64, scratch_operands = 0 : i64, tpu.core_type = #tpu.core_type<tc>, window_params = [{transform_indices = @transform_0, window_bounds = array<i64: 1, 1000, 128>}, {transform_indices = @transform_1, window_bounds = array<i64: 1, 1000, 128>}, {transform_indices = @transform_2, window_bounds = array<i64: 1000, 1>}, {transform_indices = @transform_3, window_bounds = array<i64: 1000, 1>}, {pipeline_mode = #tpu.pipeline_mode<synchronous>, transform_indices = @transform_4, window_bounds = array<i64: 128, 128>}, {pipeline_mode = #tpu.pipeline_mode<synchronous>, transform_indices = @transform_5, window_bounds = array<i64: 1, 128>}, {transform_indices = @transform_6, window_bounds = array<i64: 1000, 128>}]} {
    %get3A = arith.constant 0 : index
    %get3A_0 = arith.constant 0 : index
    %get3A_1 = arith.constant 0 : index
    %get3A_2 = vector.load %arg2[%get3A, %get3A_0, %get3A_1] : memref<1x1000x128xf32, #tpu.memory_space<vmem>>, vector<1x1000x128xf32>
    %get3A_3 = vector.shape_cast %get3A_2 : vector<1x1000x128xf32> to vector<1000x128xf32>
    %get3A_4 = arith.constant 0 : index
    %get3A_5 = arith.constant 0 : index
    %get3A_6 = arith.constant 0 : index
    %get3A_7 = vector.load %arg3[%get3A_4, %get3A_5, %get3A_6] : memref<1x1000x128xf32, #tpu.memory_space<vmem>>, vector<1x1000x128xf32>
    %get3A_8 = vector.shape_cast %get3A_7 : vector<1x1000x128xf32> to vector<1000x128xf32>
    %add3A = arith.addf %get3A_3, %get3A_8 : vector<1000x128xf32>
    %get3A_9 = arith.constant 0 : index
    %get3A_10 = arith.constant 0 : index
    %get3A_11 = vector.load %arg4[%get3A_9, %get3A_10] : memref<1000x1xf32, #tpu.memory_space<vmem>>, vector<1000x1xf32>
    %mul3A = vector.broadcast %get3A_11 : vector<1000x1xf32> to vector<1000x128xf32>
    %mul3A_12 = arith.mulf %add3A, %mul3A : vector<1000x128xf32>
    %get3A_13 = arith.constant 0 : index
    %get3A_14 = arith.constant 0 : index
    %get3A_15 = vector.load %arg6[%get3A_13, %get3A_14] : memref<128x128xf32, #tpu.memory_space<vmem>>, vector<128x128xf32>
    %dot_general3A = arith.constant dense<0.000000e+00> : vector<1000x128xf32>
    %dot_general3A_16 = tpu.matmul %mul3A_12, %get3A_15, %dot_general3A {dimension_numbers = #tpu.dot_dimension_numbers<[1], [0], [0], [1], [0, 0, 1, 1], [], []>, precision = #tpu.contract_precision<fp32>, transpose_lhs_hint = false} : vector<1000x128xf32>, vector<128x128xf32>, vector<1000x128xf32> -> vector<1000x128xf32>
    %get3A_17 = arith.constant 0 : index
    %get3A_18 = arith.constant 0 : index
    %get3A_19 = vector.load %arg7[%get3A_17, %get3A_18] : memref<1x128xf32, #tpu.memory_space<vmem>>, vector<1x128xf32>
    %add3A_20 = vector.broadcast %get3A_19 : vector<1x128xf32> to vector<1000x128xf32>
    %add3A_21 = arith.addf %dot_general3A_16, %add3A_20 : vector<1000x128xf32>
    %swap3A = arith.constant 0 : index
    %swap3A_22 = arith.constant 0 : index
    %swap3A_23 = vector.load %arg8[%swap3A, %swap3A_22] : memref<1000x128xf32, #tpu.memory_space<vmem>>, vector<1000x128xf32>
    tpu.vector_store %arg8[%swap3A, %swap3A_22], %add3A_21 {strides = array<i32>} : memref<1000x128xf32, #tpu.memory_space<vmem>>, vector<1000x128xf32>,
    return
  }
  func.func @transform_0(%arg0: i32, %arg1: i32) -> (i32, i32, i32) {
    %c0_i32 = arith.constant 0 : i32
    %c0_i32_0 = arith.constant 0 : i32
    return %arg0, %arg1, %c0_i32 : i32, i32, i32
  }
  func.func @transform_1(%arg0: i32, %arg1: i32) -> (i32, i32, i32) {
    %c0_i32 = arith.constant 0 : i32
    %c0_i32_0 = arith.constant 0 : i32
    return %arg0, %arg1, %c0_i32 : i32, i32, i32
  }
  func.func @transform_2(%arg0: i32, %arg1: i32) -> (i32, i32) {
    %mul3A = arith.constant 5 : i32
    %mul3A_0 = arith.muli %arg0, %mul3A : i32
    %add3A = arith.addi %mul3A_0, %arg1 : i32
    %c0_i32 = arith.constant 0 : i32
    %c0_i32_1 = arith.constant 0 : i32
    return %add3A, %c0_i32 : i32, i32
  }
  func.func @transform_3(%arg0: i32, %arg1: i32) -> (i32, i32) {
    %mul3A = arith.constant 5 : i32
    %mul3A_0 = arith.muli %arg0, %mul3A : i32
    %add3A = arith.addi %mul3A_0, %arg1 : i32
    %c0_i32 = arith.constant 0 : i32
    %c0_i32_1 = arith.constant 0 : i32
    return %add3A, %c0_i32 : i32, i32
  }
  func.func @transform_4(%arg0: i32, %arg1: i32) -> (i32, i32) {
    %c0_i32 = arith.constant 0 : i32
    %c0_i32_0 = arith.constant 0 : i32
    %c0_i32_1 = arith.constant 0 : i32
    return %c0_i32, %c0_i32_0 : i32, i32
  }
  func.func @transform_5(%arg0: i32, %arg1: i32) -> (i32, i32) {
    %c0_i32 = arith.constant 0 : i32
    %c0_i32_0 = arith.constant 0 : i32
    %c0_i32_1 = arith.constant 0 : i32
    return %c0_i32, %c0_i32_0 : i32, i32
  }
  func.func @transform_6(%arg0: i32, %arg1: i32) -> (i32, i32) {
    %mul3A = arith.constant 5 : i32
    %mul3A_0 = arith.muli %arg0, %mul3A : i32
    %add3A = arith.addi %mul3A_0, %arg1 : i32
    %c0_i32 = arith.constant 0 : i32
    %c0_i32_1 = arith.constant 0 : i32
    return %add3A, %c0_i32 : i32, i32
  }
}

</mosaic_0001>

<sc_bundles>
// kernel: kernel.11.cloned.1.call-start
scs
__scs_entry_jumppad:
0x0: {  	(pc) =	sbr.rel $0x88, $3  }
0x1: {  	(tag) =	ssettag $0x0;
	lr =	simm.s32 $0x1  }
0x2: {  	[smem:$0x3F9B] =	sst lr;
	_ =	strace $0xD0000000  }
0x3: {  	_ = 	snop  }
0x4: {  	_ = 	snop  }
0x5: {  	_ = 	snop  }
0x6: {  	_ = 	snop  }
0x7: {  	_ = 	snop  }
__scs_overlays_trampoline_lowered:
0x8: {  	[smem:$0x3FAA] =	sst s0  }
0x9: {  	[smem:$0x3FAB] =	sst s1  }
0xa: {  	[smem:$0x3FAC] =	sst s2  }
0xb: {  	[smem:$0x3FAD] =	sst s3  }
0xc: {  	[smem:$0x3FAE] =	sst s4  }
0xd: {  	[smem:$0x3FAF] =	sst s5  }
0xe: {  	[smem:$0x3FB0] =	sst s6  }
0xf: {  	[smem:$0x3FB1] =	sst s7  }
0x10: {  	[smem:$0x3FB2] =	sst s8  }
0x11: {  	[smem:$0x3FB3] =	sst s9;
	s0 =	simm.s32 @!p0 $0x0  }
0x12: {  	s1 =	sld [smem:$0x3F99];
	s0 =	simm.s32 @p0 $0x1  }
0x13: {  	[smem:$0x3FB4] =	sst s0;
	s0 =	simm.s32 @!p1 $0x0  }
0x14: {  	s2 =	sld [smem:$0x3F98];
	s0 =	simm.s32 @p1 $0x1  }
0x15: {  	[smem:$0x3FB5] =	sst s0;
	s0 =	simm.s32 @!p2 $0x0  }
0x16: {  	s3 =	sld [smem:$0x3FDB];
	s0 =	simm.s32 @p2 $0x1  }
0x17: {  	s4 =	simm.s32 $0x1BF5;
	[smem:$0x3FB7] =	sst s0  }
0x18: {  	s0 =	sld [smem:$0x3F9A];
	_ =	swait.ge [sflag:s4], $0x0  }
0x19: {  	s7 =	sld [smem:$0x3F9B]  }
0x1a: {  	s8 =	sadd.s32 $0xFFFFE003, lr  }
0x1b: {  	s9 =	sadd.s32 $0xFFFFFEF7, lr;
	s5 =	simm.s32 $0xFFFFFFFF;
	p2 =	slt.u32 s8, $0xFFFFF086  }
0x1c: {  	p1 =	slt.u32 s9, $0xF7A;
	s5 =	simm.s32 @!p2 $0x0  }
0x1d: {  	s5 =	simm.s32 @p1 $0x1;
	p0 =	seq.s32 s7, s2  }
0x1e: {  	s7 =	smul.u32 @!p0 $0xF7A, s2;
	p2 =	seq.s32 @!p0 s5, $0x0  }
0x1f: {  	s9 =	smul.u32 $0xF7A, s1;
	s8 =	simm.s32 @!p0 $0x1BF5;
	p2 =	por !p2, p0  }
0x20: {  	[sflag:s8] =	ssyncset.s32 @!p0 $0xFFFFF086;
	s6 =	sadd.s32 @!p0 s3, s7;
	s7 =	simm.s32 @!p0 $0x108  }
0x21: {  	s3 =	sadd.s32 s3, s9;
	s6 =	sadd.s32 @!p0 $0x88, s6;
	s7 =	simm.s32 @p2 $0x1082  }
0x22: {  	[simem:s7], [sflag:s8] =	dma.local @!p0 [hbm:s6], $0xF7A  }
0x23: {  	s9 =	sor.u32 $0xD0000000, s2;
	s6 =	simm.s32 $0x108;
	_ =	swait.ge @!p0 [sflag:s8], $0x0  }
0x24: {  	s3 =	sadd.s32 $0x88, s3;
	s6 =	simm.s32 @!p1 $0x1082;
	[sflag:s4] =	ssyncset.s32 $0xFFFFF086  }
0x25: {  	[simem:s6], [sflag:s4] =	dma.local [hbm:s3], $0xF7A  }
0x26: {  	[smem:$0x3F9B] =	sst s1;
	(tag) =	ssettag s2;
	_ =	strace s9  }
0x27: {  	s1 =	sld [smem:$0x3FAB]  }
0x28: {  	s2 =	sld [smem:$0x3FAC]  }
0x29: {  	s4 =	sld [smem:$0x3FAE]  }
0x2a: {  	p0 =	seq.s32 s5, $0x0;
	s5 =	sld [smem:$0x3FAF]  }
0x2b: {  	s6 =	sld [smem:$0x3FB0]  }
0x2c: {  	s7 =	sld [smem:$0x3FB1]  }
0x2d: {  	s3 =	simm.s32 $0x108;
	s8 =	sld [smem:$0x3FB2]  }
0x2e: {  	s3 =	simm.s32 @!p0 $0x1082;
	s9 =	sld [smem:$0x3FB3]  }
0x2f: {  	lr =	sadd.s32 s0, s3;
	s0 =	sld [smem:$0x3FAA]  }
0x30: {  	s3 =	sld [smem:$0x3FAD]  }
0x31: {  	[smem:$0x3FB6] =	sst s10  }
0x32: {  	s10 =	sld [smem:$0x3FB4];
	_ =	sdelay $0x3  }
0x33: {  	p0 =	seq.s32 s10, $0x1;
	s10 =	sld [smem:$0x3FB6];
	_ =	sdelay $0x3  }
0x34: {  	[smem:$0x3FB6] =	sst s10  }
0x35: {  	s10 =	sld [smem:$0x3FB5];
	_ =	sdelay $0x3  }
0x36: {  	p1 =	seq.s32 s10, $0x1;
	s10 =	sld [smem:$0x3FB6];
	_ =	sdelay $0x3  }
0x37: {  	[smem:$0x3FB6] =	sst s10  }
0x38: {  	s10 =	sld [smem:$0x3FB7]  }
0x39: {  	_ = 	snop;
	(pc) =	sbr.ind lr, $3  }
0x3a: {  	_ = 	snop  }
0x3b: {  	_ = 	snop  }
0x3c: {  	p2 =	seq.s32 s10, $0x1;
	s10 =	sld [smem:$0x3FB6]  }
0x3d: {  	_ =	shalt  }
0x3e: {  	_ =	shalt  }
0x3f: {  	_ =	shalt  }
0x40: {  	_ =	shalt  }
0x41: {  	_ =	shalt  }
0x42: {  	_ =	shalt  }
0x43: {  	_ =	shalt  }
0x44: {  	_ =	shalt  }
0x45: {  	_ =	shalt  }
0x46: {  	_ =	shalt  }
0x47: {  	_ =	shalt  }
0x48: {  	_ =	shalt  }
0x49: {  	_ =	shalt  }
0x4a: {  	_ =	shalt  }
0x4b: {  	_ =	shalt  }
0x4c: {  	_ =	shalt  }
0x4d: {  	_ =	shalt  }
0x4e: {  	_ =	shalt  }
0x4f: {  	_ =	shalt  }
0x50: {  	_ =	shalt  }
0x51: {  	_ =	shalt  }
0x52: {  	_ =	shalt  }
0x53: {  	_ =	shalt  }
0x54: {  	_ =	shalt  }
0x55: {  	_ =	shalt  }
0x56: {  	_ =	shalt  }
0x57: {  	_ =	shalt  }
0x58: {  	_ =	shalt  }
0x59: {  	_ =	shalt  }
0x5a: {  	_ =	shalt  }
0x5b: {  	_ =	shalt  }
0x5c: {  	_ =	shalt  }
0x5d: {  	_ =	shalt  }
0x5e: {  	_ =	shalt  }
0x5f: {  	_ =	shalt  }
0x60: {  	_ =	shalt  }
0x61: {  	_ =	shalt  }
0x62: {  	_ =	shalt  }
0x63: {  	_ =	shalt  }
0x64: {  	_ =	shalt  }
0x65: {  	_ =	shalt  }
0x66: {  	_ =	shalt  }
0x67: {  	_ =	shalt  }
0x68: {  	_ =	shalt  }
0x69: {  	_ =	shalt  }
0x6a: {  	_ =	shalt  }
0x6b: {  	_ =	shalt  }
0x6c: {  	_ =	shalt  }
0x6d: {  	_ =	shalt  }
0x6e: {  	_ =	shalt  }
0x6f: {  	_ =	shalt  }
0x70: {  	_ =	shalt  }
0x71: {  	_ =	shalt  }
0x72: {  	_ =	shalt  }
0x73: {  	_ =	shalt  }
0x74: {  	_ =	shalt  }
0x75: {  	_ =	shalt  }
0x76: {  	_ =	shalt  }
0x77: {  	_ =	shalt  }
0x78: {  	_ =	shalt  }
0x79: {  	_ =	shalt  }
0x7a: {  	_ =	shalt  }
0x7b: {  	_ =	shalt  }
0x7c: {  	_ =	shalt  }
0x7d: {  	_ =	shalt  }
0x7e: {  	_ =	shalt  }
0x7f: {  	_ =	shalt  }
0x80: {  	_ =	shalt  }
0x81: {  	_ =	shalt  }
0x82: {  	_ =	shalt  }
0x83: {  	_ =	shalt  }
0x84: {  	_ =	shalt  }
0x85: {  	_ =	shalt  }
0x86: {  	_ =	shalt  }
0x87: {  	_ =	shalt  }
.Lfunc_end0:
.L_simem_size_0:
called_computation.1_lowered:
.L_overlay_start_0:
0x88: {  	s2 =	sld [smem:$0x3FD9]  }
0x89: {  	s3 =	sld [smem:$0x3FFE];
	_ =	sdelay $0x1  }
0x8a: {  	s1 =	srdreg.scid  }
0x8b: {  	s0 =	sand.u32 $0x1, s1  }
0x8c: {  	s17 =	sshll.u32 s0, $0xA;
	s2 =	sadd.s32 s3, s2  }
0x8d: {  	s2 =	sadd.s32 s2, s17  }
0x8e: {  	[smem:$0x3FC2] =	sst s2  }
0x8f: {  	_ = 	snop  }
0x90: {  	s2 =	sld [smem:$0x3FD0];
	(tm) =	ssettm $0x1  }
0x91: {  	s18 =	sld [smem:$0x3FFB];
	_ =	sdelay $0x3  }
0x92: {  	_ =	strace s18  }
0x93: {  	s3 =	sld [smem:$0x3FFC];
	_ =	sdelay $0x3  }
0x94: {  	_ =	strace s3  }
0x95: {  	s3 =	sld [smem:$0x3FFD];
	_ =	sdelay $0x3  }
0x96: {  	_ =	strace s3  }
0x97: {  	_ =	strace $0x8FFFFFFF  }
0x98: {  	s19 =	sld [smem:$0x3FDB];
	_ =	sdelay $0x1  }
0x99: {  	s4 =	simm.s32 $_scs_section_size  }
0x9a: {  	s5 =	simm.s32 $_size__tile_overlayer_lowered;
	s6 =	simm.s32 $_tile_overlayer_lowered  }
0x9b: {  	s22 =	simm.s32 $0x1BFF;
	s21 =	sshll.u32 s6, $0x1;
	s3 =	sadd.s32 s4, s19  }
0x9c: {  	s7 =	simm.s32 $0x0;
	s20 =	sshll.u32 s5, $0x1;
	s5 =	sadd.s32 s21, s3  }
0x9d: {  	[timem:s7], [sflag:s22] =	dma.local [hbm:s5], s20  }
0x9e: {  	_ =	swait.ge [sflag:s22], s20  }
0x9f: {  	s4 =	ssub.s32 $0x0, s20;
	[sflag:s22] =	ssyncset.done $0x0  }
0xa0: {  	[sflag:s22] =	ssyncadd.s32 s4;
	_ =	sdelay $0x1  }
0xa1: {  	s23 =	simm.s32 $0x1B8B  }
0xa2: {  	_ =	swait.ge [sflag:s23], $0x1  }
0xa3: {  	[sflag:s23] =	ssyncset.done $0x0  }
0xa4: {  	s25 =	simm.s32 $0x1B8E;
	s24 =	sld [smem:$0x3FFE];
	[sflag:s23] =	ssyncadd.s32 $0xFFFFFFFF  }
0xa5: {  	s26 =	simm.s32 $execute0_lowered;
	[smem:$0x3FD2] =	sst s25  }
0xa6: {  	s5 =	sshll.u32 s26, $0x1;
	_ =	strace $0x80000049;
	[dreg:$0x1] =	wrdreg $0xFFFFFFFF  }
0xa7: {  	s28 =	simm.s32 $_size_execute0_lowered;
	s3 =	sadd.s32 s3, s5;
	[dreg:$0x0] =	wrdreg $0x0  }
0xa8: {  	s5 =	sshll.u32 s28, $0x1;
	[dreg:$0x2] =	wrdreg s3  }
0xa9: {  	[dreg:$0x3] =	wrdreg s5  }
0xaa: {  	[dreg:$0x4] =	wrdreg $0xC0  }
0xab: {  	_ =	task [dreg:s7], $0x5FFFF  }
0xac: {  	[dreg:$0x1] =	wrdreg $0xFFFFFFFF  }
0xad: {  	[dreg:$0x0] =	wrdreg $0x60  }
0xae: {  	[dreg:$0x2] =	wrdreg s24  }
0xaf: {  	[dreg:$0x3] =	wrdreg s2  }
0xb0: {  	[dreg:$0x4] =	wrdreg $0x156000  }
0xb1: {  	[dreg:$0x5] =	wrdreg $0x9  }
0xb2: {  	_ =	task.clear_ibuf [dreg:s7], $0x6FFFF;
	_ =	strace $0x90000049  }
0xb3: {  	s29 =	simm.s32 $0x9;
	_ =	strace $0x8000004B  }
0xb4: {  	_ =	swait.ge [sflag:s29], $0x1  }
0xb5: {  	[sflag:s29] =	ssyncadd.s32 $0xFFFFFFFF  }
0xb6: {  	_ =	strace $0x9000004B  }
0xb7: {  	_ =	sfence  }
0xb8: {  	s30 =	sld [smem:$0x0];
	_ =	sdelay $0x2  }
0xb9: {  	s31 =	sshll.u32 s1, $0xD;
	s1 =	sshrl.u32 s1, $0x2  }
0xba: {  	s3 =	sand.u32 $0x4000, s31;
	s1 =	sadd.s32 s1, s30  }
0xbb: {  	s0 =	sor.u32 s3, s0;
	s1 =	sshll.u32 s1, $0x11  }
0xbc: {  	s0 =	sor.u32 s1, s0  }
0xbd: {  	s0 =	sadd.s32 $0x8F2B, s0  }
0xbe: {  	[sflag:s0] =	ssyncadd.remote.s32 $0x1  }
0xbf: {  	_ =	sfence.sel $0xFFFF  }
0xc0: {  	[dreg:$0x0] =	wrdreg $0xFFFFFFFF;
	(pc) =	sbr.abs _section_cstart, $3  }
0xc1: {  	[dreg:$0x1] =	wrdreg $0xFFFFFFFF  }
0xc2: {  	_ =	task.clear_ibuf [dreg:s7], $0x2FFFF;
	_ =	strace $0x9FFFFFFF  }
0xc3: {  	(tm) =	ssettm $0x7FFFFFFF  }
tec
execute0_lowered:
.L_overlay_start_1:
0x0: {  	(tag) =	ssettag $0x1  }
0x1: {  	s1 =	rddreg [dreg:$0x0]  }
0x2: {  	s0 =	srdreg.scid;
	s2 =	rddreg [dreg:$0x1]  }
0x3: {  	s10 =	stileid.u32;
	s3 =	rddreg [dreg:$0x2];
	s28 =	simm.s32 $0x2  }
0x4: {  	s30 =	simm.s32 $0x11600;
	s31 =	simm.s32 $0x1;
	s0 =	sand.u32 $0x1, s0  }
0x5: {  	s29 =	simm.s32 $0xEE00;
	s9 =	smul.u32 $0x28000, s10;
	s4 =	sshll.u32 s0, $0x4  }
0x6: {  	s7 =	ssub.s32 $0x2, s0;
	s0 =	smul.u32 $0x140000, s0;
	s5 =	sor.u32 s10, s4  }
0x7: {  	s4 =	simm.s32 $0x0;
	s8 =	sshrl.u32 s7, $0x1;
	s10 =	smul.u32 $0xA000, s10  }
0x8: {  	s25 =	sshrl.u32 s9, $0x2;
	s6 =	smul.u32 $0x4E2, s5;
	[smem:$0x7FF] =	sst s4  }
0x9: {  	s8 =	ssub.s32 s7, s8;
	s11 =	sshll.u32 s5, $0x4;
	s5 =	smul.u32 $0x139, s5  }
0xa: {  	s7 =	sadd.s32 s25, s3;
	s26 =	sadd.s32 $0xA0000, s0;
	_ =	strace $0x8000004A  }
0xb: {  	s14 =	sadd.s32 s0, s10;
	s12 =	sadd.s32 $0x2000, s10;
	s8 =	smax.u32 s8, $0x1  }
0xc: {  	s9 =	sadd.s32 $0x2000, s7;
	s25 =	sadd.s32 $0x8000, s10;
	s19 =	sadd.s32 s10, s26  }
0xd: {  	s6 =	sadd.s32 s6, s1;
	s1 =	sadd.s32 $0x15C00, s1;
	[dreg:$0x6] =	wrdreg s8  }
0xe: {  	v0 =	vlaneseq.u32;
	s15 =	sshrl.u32 s14, $0x3;
	s13 =	sadd.s32 s0, s12;
	s24 =	sadd.s32 $0xBE00, s6  }
0xf: {  	v1 =	vor.u32 s11, v0;
	v0 =	vmul.u32 $0x29, v0;
	s20 =	sadd.s32 s12, s26;
	s6 =	sadd.s32 $0x2000, s6;
	[dreg:$0x4] =	wrdreg s24  }
0x10: {  	s8 =	sadd.s32 s1, s15;
	s16 =	sshrl.u32 s13, $0x3;
	[dreg:$0x5] =	wrdreg s6  }
0x11: {  	v3 =	vadd.s32 s5, v0;
	s5 =	simm.s32 $0xED80;
	[dreg:$0x7] =	wrdreg s8;
	s8 =	sadd.s32 s1, s16  }
0x12: {  	s24 =	sadd.s32 $0x6000, s10;
	s6 =	sadd.s32 s25, s26;
	[dreg:$0x8] =	wrdreg s8  }
0x13: {  	s8 =	sadd.s32 $0x4000, s10;
	s14 =	sadd.s32 s0, s24;
	s10 =	sshrl.u32 s20, $0x3  }
0x14: {  	s22 =	sadd.s32 s24, s26;
	s24 =	sadd.s32 s24, s3;
	s17 =	sadd.s32 s0, s8  }
0x15: {  	s14 =	sshrl.u32 s14, $0x3;
	s0 =	sadd.s32 s0, s25;
	s16 =	sadd.s32 s1, s10  }
0x16: {  	s23 =	sshrl.u32 s22, $0x3;
	s22 =	sadd.s32 s12, s3;
	s25 =	sadd.s32 s25, s3  }
0x17: {  	v2 =	vmulhi.u32 $0x88888889, v1;
	s13 =	sshrl.u32 s17, $0x3;
	s18 =	sadd.s32 s1, s14;
	s0 =	sshrl.u32 s0, $0x3  }
0x18: {  	s17 =	sadd.s32 s8, s26;
	s26 =	sshrl.u32 s6, $0x3;
	s6 =	simm.s32 $0x13600  }
0x19: {  	v0 =	vshrl.u32 v2, $0x6;
	v2 =	vmulhi.u32 $0xD1B71759, v3;
	s13 =	sadd.s32 s1, s13;
	[dreg:$0xa] =	wrdreg s18;
	s14 =	sadd.s32 s1, s0  }
.Ltmp0:
0x1a: {  	v0 =	vmul.u32 $0x78, v0;
	s0 =	sshrl.u32 s19, $0x3;
	s21 =	sshrl.u32 s17, $0x3;
	(pc) =	sbr.rel .LBB2_1-.Ltmp0, $4  }
0x1b: {  	v2 =	vshrl.u32 v2, $0xD;
	s17 =	sadd.s32 $0x4000, s7;
	s19 =	sadd.s32 s1, s23;
	s20 =	sadd.s32 s1, s26  }
0x1c: {  	v0 =	vsub.s32 v1, v0;
	v1 =	vmul.u32 $0x2710, v2;
	s23 =	sadd.s32 s8, s3;
	s26 =	sadd.s32 $0x8000, s7;
	s8 =	simm.s32 $0x0  }
0x1d: {  	v2 =	vimm.f32 $0.0e+00;
	[dreg:$0x9] =	wrdreg s13;
	s15 =	sadd.s32 s1, s0;
	s18 =	sadd.s32 s1, s21  }
0x1e: {  	v0 =	vadd.s32 $0x1388, v0;
	s21 =	sadd.s32 $0x6000, s7;
	s1 =	simm.s32 $0x50;
	s0 =	simm.s32 $0xED00;
	v1 =	vsub.s32 v3, v1;
	v3 =	vimm.s32 $0x0  }
.LBB2_12:
0x1f: {  	[sflag:s28] =	ssyncadd.s32 $0xFFFFD800  }
.LBB2_13:
0x20: {  	[bflag:$0x0] =	sbarrier.arrive $0xFFFF  }
0x21: {  	[tilespmem:s6], [sflag:$0x2] =	stream.linear.gather [spmem:s7], $0x2000, $0x38;
	[tilespmem:$0x1F600] =	vst v63  }
0x22: {  	_ =	swait.ge [sflag:s28], $0x2000  }
0x23: {  	[sflag:s28] =	ssyncset.done $0x0  }
0x24: {  	[sflag:s28] =	ssyncadd.s32 $0xFFFFE000  }
0x25: {  	[hbm4b:s15+s4] =	stream.linear.scatter [tilespmem:s6], [sflag:$0x2], $0x2000, $0x38;
	[tilespmem:$0x1F600] =	vst v63  }
0x26: {  	_ =	swait.ge [sflag:s28], $0x2000  }
0x27: {  	[sflag:s28] =	ssyncset.done $0x0  }
0x28: {  	[sflag:s28] =	ssyncadd.s32 $0xFFFFE000  }
0x29: {  	[tilespmem:s6], [sflag:$0x2] =	stream.linear.gather [spmem:s22], $0x2000, $0x38;
	[tilespmem:$0x1F600] =	vst v63  }
0x2a: {  	_ =	swait.ge [sflag:s28], $0x2000  }
0x2b: {  	[sflag:s28] =	ssyncset.done $0x0  }
0x2c: {  	[sflag:s28] =	ssyncadd.s32 $0xFFFFE000  }
0x2d: {  	[hbm4b:s16+s4] =	stream.linear.scatter [tilespmem:s6], [sflag:$0x2], $0x2000, $0x38;
	[tilespmem:$0x1F600] =	vst v63  }
0x2e: {  	_ =	swait.ge [sflag:s28], $0x2000  }
0x2f: {  	[sflag:s28] =	ssyncset.done $0x0  }
0x30: {  	[sflag:s28] =	ssyncadd.s32 $0xFFFFE000  }
0x31: {  	[tilespmem:s6], [sflag:$0x2] =	stream.linear.gather [spmem:s23], $0x2000, $0x38;
	[tilespmem:$0x1F600] =	vst v63  }
0x32: {  	_ =	swait.ge [sflag:s28], $0x2000  }
0x33: {  	[sflag:s28] =	ssyncset.done $0x0  }
0x34: {  	[sflag:s28] =	ssyncadd.s32 $0xFFFFE000  }
0x35: {  	[hbm4b:s18+s4] =	stream.linear.scatter [tilespmem:s6], [sflag:$0x2], $0x2000, $0x38;
	[tilespmem:$0x1F600] =	vst v63  }
0x36: {  	_ =	swait.ge [sflag:s28], $0x2000  }
0x37: {  	[sflag:s28] =	ssyncset.done $0x0  }
0x38: {  	[sflag:s28] =	ssyncadd.s32 $0xFFFFE000  }
0x39: {  	[tilespmem:s6], [sflag:$0x2] =	stream.linear.gather [spmem:s24], $0x2000, $0x38;
	[tilespmem:$0x1F600] =	vst v63  }
0x3a: {  	_ =	swait.ge [sflag:s28], $0x2000  }
0x3b: {  	[sflag:s28] =	ssyncset.done $0x0  }
0x3c: {  	[sflag:s28] =	ssyncadd.s32 $0xFFFFE000  }
0x3d: {  	[hbm4b:s19+s4] =	stream.linear.scatter [tilespmem:s6], [sflag:$0x2], $0x2000, $0x38;
	[tilespmem:$0x1F600] =	vst v63  }
0x3e: {  	_ =	swait.ge [sflag:s28], $0x2000  }
0x3f: {  	[sflag:s28] =	ssyncset.done $0x0  }
0x40: {  	[sflag:s28] =	ssyncadd.s32 $0xFFFFE000  }
0x41: {  	[tilespmem:s6], [sflag:$0x2] =	stream.linear.gather [spmem:s25], $0x2000, $0x38;
	[tilespmem:$0x1F600] =	vst v63  }
0x42: {  	_ =	swait.ge [sflag:s28], $0x2000  }
0x43: {  	[sflag:s28] =	ssyncset.done $0x0  }
0x44: {  	[sflag:s28] =	ssyncadd.s32 $0xFFFFE000  }
0x45: {  	[hbm4b:s20+s4] =	stream.linear.scatter [tilespmem:s6], [sflag:$0x2], $0x2000, $0x38;
	[tilespmem:$0x1F600] =	vst v63  }
0x46: {  	_ =	swait.ge [sflag:s28], $0x2000  }
0x47: {  	s8 =	sadd.s32 $0x1, s8;
	s10 =	rddreg [dreg:$0x6]  }
0x48: {  	p0 =	sne.s32 s8, s10  }
.Ltmp1:
0x49: {  	_ = 	snop;
	(pc) =	sbr.rel @!p0 .LBB2_14-.Ltmp1, $3  }
0x4a: {  	[sflag:s28] =	ssyncset.done $0x0  }
0x4b: {  	[sflag:s28] =	ssyncadd.s32 $0xFFFFE000  }
0x4c: {  	[bflag:$0x0] =	sbarrier.arrive $0xFFFF;
	_ =	sdelay $0x1  }
.LBB2_1:
0x4d: {  	s10 =	rddreg [dreg:$0x4]  }
0x4e: {  	[tilespmem:s4], [sflag:$0x2] =	stream.linear.gather [hbm4b:s10+s4], $0x2710, $0x38;
	[tilespmem:$0x1F600] =	vst v63  }
0x4f: {  	_ =	swait.ge [sflag:s28], $0x2710  }
0x50: {  	[sflag:s28] =	ssyncset.done $0x0  }
0x51: {  	s11 =	simm.s32 $0x2780;
	s13 =	rddreg [dreg:$0x5];
	[sflag:s28] =	ssyncadd.s32 $0xFFFFD8F0  }
0x52: {  	[tilespmem:s11], [sflag:$0x2] =	stream.linear.gather [hbm4b:s13+s4], $0x2710, $0x38;
	[tilespmem:$0x1F600] =	vst v63  }
0x53: {  	_ =	swait.ge [sflag:s28], $0x2710  }
0x54: {  	[sflag:s28] =	ssyncset.done $0x0  }
0x55: {  	s10 =	simm.s32 $0x0;
	s11 =	simm.s32 $0x200;
	[sflag:s28] =	ssyncadd.s32 $0xFFFFD8F0  }
.LBB2_2:
0x56: {  	p0 =	sne.s32 s11, $0x7E00;
	[tilespmem:s10+$0x11670] =	vst v2  }
0x57: {  	[tilespmem:s10+$0x11600] =	vst v2  }
0x58: {  	[tilespmem:s10+$0x11610] =	vst v2  }
.Ltmp2:
0x59: {  	[tilespmem:s10+$0x11620] =	vst v2;
	(pc) =	sbr.rel @p0 .LBB2_2-.Ltmp2, $4  }
0x5a: {  	[tilespmem:s10+$0x11630] =	vst v2  }
0x5b: {  	[tilespmem:s10+$0x11640] =	vst v2  }
0x5c: {  	[tilespmem:s10+$0x11650] =	vst v2  }
0x5d: {  	[tilespmem:s10+$0x11660] =	vst v2;
	s10 =	sshra.s32 s11, $0x2;
	s11 =	sadd.s32 $0x200, s11  }
0x5e: {  	[tilespmem:s10+$0x11670] =	vst v2  }
0x5f: {  	[tilespmem:s10+$0x11600] =	vst v2  }
0x60: {  	[tilespmem:s10+$0x11610] =	vst v2  }
0x61: {  	[tilespmem:s10+$0x11620] =	vst v2  }
0x62: {  	[tilespmem:s10+$0x11630] =	vst v2  }
0x63: {  	[tilespmem:s10+$0x11640] =	vst v2  }
0x64: {  	[tilespmem:s10+$0x11650] =	vst v2  }
0x65: {  	[tilespmem:s10+$0x11660] =	vst v2;
	s12 =	simm.s32 $0x0  }
0x66: {  	v4 =	vld [tilespmem:s12+$0x2780];
	_ =	sdelay $0x4  }
0x67: {  	vm0 =	vlt.s32 v4, $0x1388  }
0x68: {  	vm1 =	vgt.s32 v4, $0x1387;
	v5 =	vsel vm0, $0x1, v3  }
0x69: {  	v6 =	vsel vm1, $0x1, v3;
	(xrf0) =	vadd.scan.msk.s32 $0xffff, v5  }
0x6a: {  	(xrf0) =	vadd.scan.msk.s32 $0xffff, v6;
	_ =	sdelay $0x1  }
0x6b: {  	v5 =	vld [tilespmem:s12+$0x0];
	_ =	sdelay $0x2  }
0x6c: {  	s13 =	simm.s32 $0x0;
	v6, _, _ =	vpop (xrf0)  }
0x6d: {  	[tilespmem:s13+$0x7680] =	vst.msk vm0, v4;
	(v2sf) =	vpush v6, $0xF;
	v6, _, _ =	vpop (xrf0)  }
0x6e: {  	v4 =	vadd.s32 $0xFFFFEC78, v4;
	[tilespmem:s13+$0x4F00] =	vst.msk vm0, v5;
	(v2sf) =	vpush v6, $0xF  }
0x6f: {  	[tilespmem:s13+$0xC580] =	vst.msk vm1, v4  }
0x70: {  	s11 =	simm.s32 $0x10;
	[tilespmem:s13+$0x9E00] =	vst.msk vm1, v5  }
0x71: {  	v4 =	vld [tilespmem:s11+$0x2780];
	_ =	sdelay $0x4  }
0x72: {  	vm1 =	vlt.s32 v4, $0x1388  }
0x73: {  	v5 =	vsel vm1, $0x1, v3  }
0x74: {  	vm0 =	vgt.s32 v4, $0x1387;
	(xrf0) =	vadd.scan.msk.s32 $0xffff, v5  }
0x75: {  	v6 =	vsel vm0, $0x1, v3  }
0x76: {  	(xrf0) =	vadd.scan.msk.s32 $0xffff, v6;
	_ =	sdelay $0x1  }
0x77: {  	v5 =	vld [tilespmem:s11+$0x0];
	s12 =	spop (v2sf)  }
0x78: {  	s11 =	sadd.s32 $0x0, s12;
	s13 =	spop (v2sf)  }
0x79: {  	v6, _, _ =	vpop (xrf0);
	s12 =	simm.s32 $0x80;
	[tilespmem:s11+$0x7680] =	vst.msk vm1, v4;
	[smem:$0x0] =	sst s11;
	s10 =	sadd.s32 $0x0, s13  }
.LBB2_4:
0x7a: {  	p0 =	sne.s32 s12, $0x9C00  }
0x7b: {  	(v2sf) =	vpush v6, $0xF;
	v6, _, _ =	vpop (xrf0);
	[smem:$0x1] =	sst s10;
	s13 =	smov.u32 s12;
	s12 =	sadd.s32 $0x40, s12  }
0x7c: {  	v4 =	vadd.s32 $0xFFFFEC78, v4;
	[tilespmem:s11+$0x4F00] =	vst.msk vm1, v5;
	(v2sf) =	vpush v6, $0xF  }
0x7d: {  	[tilespmem:s10+$0xC580] =	vst.msk vm0, v4  }
0x7e: {  	s13 =	sshra.s32 s13, $0x2;
	[tilespmem:s10+$0x9E00] =	vst.msk vm0, v5  }
0x7f: {  	v4 =	vld [tilespmem:s13+$0x2780];
	_ =	sdelay $0x4  }
0x80: {  	vm1 =	vlt.s32 v4, $0x1388;
	vm0 =	vgt.s32 v4, $0x1387  }
0x81: {  	v5 =	vsel vm1, $0x1, v3;
	v6 =	vsel vm0, $0x1, v3  }
0x82: {  	(xrf0) =	vadd.scan.msk.s32 $0xffff, v5  }
0x83: {  	(xrf0) =	vadd.scan.msk.s32 $0xffff, v6  }
.Ltmp3:
0x84: {  	(pc) =	sbr.rel @p0 .LBB2_4-.Ltmp3, $4  }
0x85: {  	v5 =	vld [tilespmem:s13+$0x0]  }
0x86: {  	s13 =	spop (v2sf)  }
0x87: {  	s11 =	sadd.s32 s11, s13;
	s13 =	spop (v2sf)  }
0x88: {  	[tilespmem:s11+$0x7680] =	vst.msk vm1, v4;
	v6, _, _ =	vpop (xrf0);
	[smem:$0x0] =	sst s11;
	s10 =	sadd.s32 s13, s10  }
0x89: {  	(v2sf) =	vpush v6, $0xF;
	_ =	sdelay $0xa  }
0x8a: {  	v63, _, _ =	vpop (xrf0)  }
0x8b: {  	(v2sf) =	vpush v63, $0xF;
	_ =	sdelay $0x1  }
0x8c: {  	v4 =	vadd.s32 $0xFFFFEC78, v4;
	[tilespmem:s11+$0x4F00] =	vst.msk vm1, v5  }
0x8d: {  	[tilespmem:s10+$0xC580] =	vst.msk vm0, v4;
	s12 =	spop (v2sf)  }
0x8e: {  	[tilespmem:s10+$0x9E00] =	vst.msk vm0, v5;
	s11 =	sadd.s32 s11, s12  }
0x8f: {  	[tilespmem:s11+$0x7680] =	vst v0  }
0x90: {  	[tilespmem:s11+$0x4F00] =	vst v1  }
0x91: {  	[tilespmem:s11+$0x7690] =	vst v0  }
0x92: {  	[tilespmem:s11+$0x4F10] =	vst v1  }
0x93: {  	[tilespmem:s11+$0x76A0] =	vst v0  }
0x94: {  	[tilespmem:s11+$0x4F20] =	vst v1  }
0x95: {  	[tilespmem:s11+$0x76B0] =	vst v0  }
0x96: {  	[tilespmem:s11+$0x4F30] =	vst v1  }
0x97: {  	[tilespmem:s11+$0x76C0] =	vst v0  }
0x98: {  	[tilespmem:s11+$0x4F40] =	vst v1  }
0x99: {  	s13 =	spop (v2sf);
	[tilespmem:s11+$0x76D0] =	vst v0  }
0x9a: {  	s12 =	sadd.s32 s13, s10;
	[tilespmem:s11+$0x4F50] =	vst v1  }
0x9b: {  	[tilespmem:s12+$0xC580] =	vst v0  }
0x9c: {  	[tilespmem:s12+$0x9E00] =	vst v1  }
0x9d: {  	[tilespmem:s12+$0xC590] =	vst v0  }
0x9e: {  	[tilespmem:s12+$0x9E10] =	vst v1  }
0x9f: {  	[tilespmem:s12+$0xC5A0] =	vst v0  }
0xa0: {  	[tilespmem:s12+$0x9E20] =	vst v1  }
0xa1: {  	[tilespmem:s12+$0xC5B0] =	vst v0  }
0xa2: {  	[tilespmem:s12+$0x9E30] =	vst v1  }
0xa3: {  	[tilespmem:s12+$0xC5C0] =	vst v0  }
0xa4: {  	[smem:$0x1] =	sst s10;
	[tilespmem:s12+$0x9E40] =	vst v1  }
0xa5: {  	[smem:$0x0] =	sst s11;
	[tilespmem:s12+$0xC5D0] =	vst v0  }
0xa6: {  	[smem:$0x1] =	sst s12;
	[tilespmem:s12+$0x9E50] =	vst v1  }
0xa7: {  	[spmem:s7] =	stream.linear.scatter [tilespmem:s30], [sflag:$0x2], $0x2000, $0x38;
	[tilespmem:$0x1F600] =	vst v63  }
0xa8: {  	_ =	swait.ge [sflag:s28], $0x2000  }
0xa9: {  	[sflag:s28] =	ssyncset.done $0x0  }
0xaa: {  	[sflag:s28] =	ssyncadd.s32 $0xFFFFE000  }
0xab: {  	[spmem:s9] =	stream.linear.scatter [tilespmem:s30], [sflag:$0x2], $0x2000, $0x38;
	[tilespmem:$0x1F600] =	vst v63  }
0xac: {  	_ =	swait.ge [sflag:s28], $0x2000  }
0xad: {  	[sflag:s28] =	ssyncset.done $0x0  }
0xae: {  	[sflag:s28] =	ssyncadd.s32 $0xFFFFE000  }
0xaf: {  	[spmem:s17] =	stream.linear.scatter [tilespmem:s30], [sflag:$0x2], $0x2000, $0x38;
	[tilespmem:$0x1F600] =	vst v63  }
0xb0: {  	_ =	swait.ge [sflag:s28], $0x2000  }
0xb1: {  	[sflag:s28] =	ssyncset.done $0x0  }
0xb2: {  	[sflag:s28] =	ssyncadd.s32 $0xFFFFE000  }
0xb3: {  	[spmem:s21] =	stream.linear.scatter [tilespmem:s30], [sflag:$0x2], $0x2000, $0x38;
	[tilespmem:$0x1F600] =	vst v63  }
0xb4: {  	_ =	swait.ge [sflag:s28], $0x2000  }
0xb5: {  	[sflag:s28] =	ssyncset.done $0x0  }
0xb6: {  	[sflag:s28] =	ssyncadd.s32 $0xFFFFE000  }
0xb7: {  	[spmem:s26] =	stream.linear.scatter [tilespmem:s30], [sflag:$0x2], $0x2000, $0x38;
	[tilespmem:$0x1F600] =	vst v63  }
0xb8: {  	_ =	swait.ge [sflag:s28], $0x2000  }
0xb9: {  	[sflag:s28] =	ssyncset.done $0x0  }
0xba: {  	[sflag:s28] =	ssyncadd.s32 $0xFFFFE000  }
0xbb: {  	[bflag:$0x0] =	sbarrier.arrive $0xFFFF  }
0xbc: {  	s10 =	sld [smem:$0x0];
	_ =	sdelay $0x2  }
0xbd: {  	s11 =	sadd.s32 $0x4F, s10  }
0xbe: {  	s12 =	smulhi.u32 $0x66666667, s11;
	s13 =	sshra.s32 s11, $0x1F  }
0xbf: {  	s13 =	smul.u32 $0x66666667, s13;
	_ =	sdelay $0x1  }
0xc0: {  	s12 =	sadd.s32 s13, s12  }
0xc1: {  	s13 =	sshrl.u32 s12, $0x1F;
	s12 =	sshra.s32 s12, $0x5  }
0xc2: {  	s12 =	sadd.s32 s13, s12  }
0xc3: {  	s13 =	smul.u32 $0xFFFFFFB0, s12  }
0xc4: {  	s10 =	ssub.s32 $0xFFFFFFB1, s10  }
0xc5: {  	p0 =	slt.s32 s11, $0x1;
	p1 =	sne.s32 s13, s10  }
0xc6: {  	p0 =	por !p0, !p1  }
0xc7: {  	s10 =	simm.s32 $0x1;
	p0 =	por !p0, !p0  }
0xc8: {  	s10 =	simm.s32 @!p0 $0x0  }
0xc9: {  	s12 =	ssub.s32 s12, s10  }
0xca: {  	p0 =	slt.s32 s12, $0x1  }
.Ltmp4:
0xcb: {  	_ = 	snop;
	(pc) =	sbr.rel @p0 .LBB2_9-.Ltmp4, $1  }
0xcc: {  	_ =	sdelay $0x3  }
0xcd: {  	s10 =	simm.s32 $0x4F20  }
0xce: {  	v4 =	vld [tilespmem:s10+$0xFFFFFFE0];
	_ =	sdelay $0x4  }
0xcf: {  	s11 =	simm.s32 $0x76A0;
	[tilespmem:$0xED00] =	vst v4  }
0xd0: {  	v4 =	vld [tilespmem:s11+$0xFFFFFFE0];
	_ =	sdelay $0x4  }
0xd1: {  	[tilespmem:$0xED80] =	vst v4  }
0xd2: {  	v4 =	vld [tilespmem:s10+$0xFFFFFFF0];
	_ =	sdelay $0x4  }
0xd3: {  	[tilespmem:$0xED10] =	vst v4  }
0xd4: {  	v4 =	vld [tilespmem:s11+$0xFFFFFFF0];
	_ =	sdelay $0x4  }
0xd5: {  	[tilespmem:$0xED90] =	vst v4  }
0xd6: {  	v4 =	vld [tilespmem:s10+$0x0];
	_ =	sdelay $0x4  }
0xd7: {  	[tilespmem:$0xED20] =	vst v4  }
0xd8: {  	v4 =	vld [tilespmem:s11+$0x0];
	_ =	sdelay $0x4  }
0xd9: {  	[tilespmem:$0xEDA0] =	vst v4  }
0xda: {  	v4 =	vld [tilespmem:s10+$0x10];
	_ =	sdelay $0x4  }
0xdb: {  	[tilespmem:$0xED30] =	vst v4  }
0xdc: {  	v4 =	vld [tilespmem:s11+$0x10];
	_ =	sdelay $0x4  }
0xdd: {  	[tilespmem:$0xEDB0] =	vst v4  }
0xde: {  	v4 =	vld [tilespmem:s10+$0x20];
	_ =	sdelay $0x4  }
0xdf: {  	[tilespmem:$0xED40] =	vst v4  }
0xe0: {  	v4 =	vld [tilespmem:s11+$0x20];
	_ =	sdelay $0x4  }
0xe1: {  	[tilespmem:$0xEDC0] =	vst v4  }
0xe2: {  	[tilespmem:s29], [sflag:$0x1] =	stream.indirect.gather [hbm4b:s2+s1], $0x80, s0, s1, $0xb8;
	[tilespmem:$0x1F600] =	vst v63  }
0xe3: {  	p0 =	sne.s32 s12, $0x1;
	_ =	swait.ge [sflag:s31], $0x2800  }
.Ltmp5:
0xe4: {  	[sflag:s31] =	ssyncset.done $0x0;
	(pc) =	sbr.rel @!p0 .LBB2_8-.Ltmp5, $4  }
0xe5: {  	[sflag:s31] =	ssyncadd.s32 $0xFFFFD800  }
0xe6: {  	[spmem:s3] =	stream.indirect.scatter.add.f32 [tilespmem:s29], [sflag:$0x2], $0x80, s5, s1, $0xb8;
	[tilespmem:$0x1F600] =	vst v63  }
0xe7: {  	_ =	swait.ge [sflag:s28], $0x2800  }
0xe8: {  	s12 =	sadd.s32 $0xFFFFFFFF, s12;
	[sflag:s28] =	ssyncset.done $0x0  }
.LBB2_7:
0xe9: {  	[sflag:s28] =	ssyncadd.s32 $0xFFFFD800;
	s10 =	sadd.s32 $0x50, s10;
	s11 =	sadd.s32 $0x50, s11  }
0xea: {  	p0 =	sne.s32 s12, $0x1;
	s12 =	sadd.s32 $0xFFFFFFFF, s12;
	v4 =	vld [tilespmem:s10+$0xFFFFFFE0];
	_ =	sdelay $0x4  }
0xeb: {  	[tilespmem:$0xED00] =	vst v4  }
0xec: {  	v4 =	vld [tilespmem:s11+$0xFFFFFFE0];
	_ =	sdelay $0x4  }
0xed: {  	[tilespmem:$0xED80] =	vst v4  }
0xee: {  	v4 =	vld [tilespmem:s10+$0xFFFFFFF0];
	_ =	sdelay $0x4  }
0xef: {  	[tilespmem:$0xED10] =	vst v4  }
0xf0: {  	v4 =	vld [tilespmem:s11+$0xFFFFFFF0];
	_ =	sdelay $0x4  }
0xf1: {  	[tilespmem:$0xED90] =	vst v4  }
0xf2: {  	v4 =	vld [tilespmem:s10+$0x0];
	_ =	sdelay $0x4  }
0xf3: {  	[tilespmem:$0xED20] =	vst v4  }
0xf4: {  	v4 =	vld [tilespmem:s11+$0x0];
	_ =	sdelay $0x4  }
0xf5: {  	[tilespmem:$0xEDA0] =	vst v4  }
0xf6: {  	v4 =	vld [tilespmem:s10+$0x10];
	_ =	sdelay $0x4  }
0xf7: {  	[tilespmem:$0xED30] =	vst v4  }
0xf8: {  	v4 =	vld [tilespmem:s11+$0x10];
	_ =	sdelay $0x4  }
0xf9: {  	[tilespmem:$0xEDB0] =	vst v4  }
0xfa: {  	v4 =	vld [tilespmem:s10+$0x20];
	_ =	sdelay $0x4  }
0xfb: {  	[tilespmem:$0xED40] =	vst v4  }
0xfc: {  	v4 =	vld [tilespmem:s11+$0x20];
	_ =	sdelay $0x4  }
0xfd: {  	[tilespmem:$0xEDC0] =	vst v4  }
0xfe: {  	[tilespmem:s29], [sflag:$0x1] =	stream.indirect.gather [hbm4b:s2+s1], $0x80, s0, s1, $0xb8;
	[tilespmem:$0x1F600] =	vst v63  }
0xff: {  	_ =	swait.ge [sflag:s31], $0x2800  }
.Ltmp6:
0x100: {  	[sflag:s31] =	ssyncset.done $0x0;
	(pc) =	sbr.rel @p0 .LBB2_7-.Ltmp6, $4  }
0x101: {  	[sflag:s31] =	ssyncadd.s32 $0xFFFFD800  }
0x102: {  	[spmem:s3] =	stream.indirect.scatter.add.f32 [tilespmem:s29], [sflag:$0x2], $0x80, s5, s1, $0xb8;
	[tilespmem:$0x1F600] =	vst v63  }
0x103: {  	_ =	swait.ge [sflag:s28], $0x2800  }
0x104: {  	[sflag:s28] =	ssyncset.done $0x0  }
.LBB2_8:
0x105: {  	[sflag:s28] =	ssyncadd.s32 $0xFFFFD800  }
.LBB2_9:
0x106: {  	[bflag:$0x0] =	sbarrier.arrive $0xFFFF  }
0x107: {  	[tilespmem:s6], [sflag:$0x2] =	stream.linear.gather [spmem:s7], $0x2000, $0x38;
	[tilespmem:$0x1F600] =	vst v63  }
0x108: {  	_ =	swait.ge [sflag:s28], $0x2000  }
0x109: {  	[sflag:s28] =	ssyncset.done $0x0  }
0x10a: {  	s10 =	rddreg [dreg:$0x7];
	[sflag:s28] =	ssyncadd.s32 $0xFFFFE000  }
0x10b: {  	[hbm4b:s10+s4] =	stream.linear.scatter [tilespmem:s6], [sflag:$0x2], $0x2000, $0x38;
	[tilespmem:$0x1F600] =	vst v63  }
0x10c: {  	_ =	swait.ge [sflag:s28], $0x2000  }
0x10d: {  	[sflag:s28] =	ssyncset.done $0x0  }
0x10e: {  	[sflag:s28] =	ssyncadd.s32 $0xFFFFE000  }
0x10f: {  	[tilespmem:s6], [sflag:$0x2] =	stream.linear.gather [spmem:s22], $0x2000, $0x38;
	[tilespmem:$0x1F600] =	vst v63  }
0x110: {  	_ =	swait.ge [sflag:s28], $0x2000  }
0x111: {  	[sflag:s28] =	ssyncset.done $0x0  }
0x112: {  	s11 =	rddreg [dreg:$0x8];
	[sflag:s28] =	ssyncadd.s32 $0xFFFFE000  }
0x113: {  	[hbm4b:s11+s4] =	stream.linear.scatter [tilespmem:s6], [sflag:$0x2], $0x2000, $0x38;
	[tilespmem:$0x1F600] =	vst v63  }
0x114: {  	_ =	swait.ge [sflag:s28], $0x2000  }
0x115: {  	[sflag:s28] =	ssyncset.done $0x0  }
0x116: {  	[sflag:s28] =	ssyncadd.s32 $0xFFFFE000  }
0x117: {  	[tilespmem:s6], [sflag:$0x2] =	stream.linear.gather [spmem:s23], $0x2000, $0x38;
	[tilespmem:$0x1F600] =	vst v63  }
0x118: {  	_ =	swait.ge [sflag:s28], $0x2000  }
0x119: {  	[sflag:s28] =	ssyncset.done $0x0  }
0x11a: {  	s12 =	rddreg [dreg:$0x9];
	[sflag:s28] =	ssyncadd.s32 $0xFFFFE000  }
0x11b: {  	[hbm4b:s12+s4] =	stream.linear.scatter [tilespmem:s6], [sflag:$0x2], $0x2000, $0x38;
	[tilespmem:$0x1F600] =	vst v63  }
0x11c: {  	_ =	swait.ge [sflag:s28], $0x2000  }
0x11d: {  	[sflag:s28] =	ssyncset.done $0x0  }
0x11e: {  	[sflag:s28] =	ssyncadd.s32 $0xFFFFE000  }
0x11f: {  	[tilespmem:s6], [sflag:$0x2] =	stream.linear.gather [spmem:s24], $0x2000, $0x38;
	[tilespmem:$0x1F600] =	vst v63  }
0x120: {  	_ =	swait.ge [sflag:s28], $0x2000  }
0x121: {  	[sflag:s28] =	ssyncset.done $0x0  }
0x122: {  	s13 =	rddreg [dreg:$0xa];
	[sflag:s28] =	ssyncadd.s32 $0xFFFFE000  }
0x123: {  	[hbm4b:s13+s4] =	stream.linear.scatter [tilespmem:s6], [sflag:$0x2], $0x2000, $0x38;
	[tilespmem:$0x1F600] =	vst v63  }
0x124: {  	_ =	swait.ge [sflag:s28], $0x2000  }
0x125: {  	[sflag:s28] =	ssyncset.done $0x0  }
0x126: {  	[sflag:s28] =	ssyncadd.s32 $0xFFFFE000  }
0x127: {  	[tilespmem:s6], [sflag:$0x2] =	stream.linear.gather [spmem:s25], $0x2000, $0x38;
	[tilespmem:$0x1F600] =	vst v63  }
0x128: {  	_ =	swait.ge [sflag:s28], $0x2000  }
0x129: {  	[sflag:s28] =	ssyncset.done $0x0  }
0x12a: {  	[sflag:s28] =	ssyncadd.s32 $0xFFFFE000  }
0x12b: {  	[hbm4b:s14+s4] =	stream.linear.scatter [tilespmem:s6], [sflag:$0x2], $0x2000, $0x38;
	[tilespmem:$0x1F600] =	vst v63  }
0x12c: {  	_ =	swait.ge [sflag:s28], $0x2000  }
0x12d: {  	[sflag:s28] =	ssyncset.done $0x0  }
0x12e: {  	[sflag:s28] =	ssyncadd.s32 $0xFFFFE000  }
0x12f: {  	[bflag:$0x0] =	sbarrier.arrive $0xFFFF  }
0x130: {  	[spmem:s7] =	stream.linear.scatter [tilespmem:s30], [sflag:$0x2], $0x2000, $0x38;
	[tilespmem:$0x1F600] =	vst v63  }
0x131: {  	_ =	swait.ge [sflag:s28], $0x2000  }
0x132: {  	[sflag:s28] =	ssyncset.done $0x0  }
0x133: {  	[sflag:s28] =	ssyncadd.s32 $0xFFFFE000  }
0x134: {  	[spmem:s9] =	stream.linear.scatter [tilespmem:s30], [sflag:$0x2], $0x2000, $0x38;
	[tilespmem:$0x1F600] =	vst v63  }
0x135: {  	_ =	swait.ge [sflag:s28], $0x2000  }
0x136: {  	[sflag:s28] =	ssyncset.done $0x0  }
0x137: {  	[sflag:s28] =	ssyncadd.s32 $0xFFFFE000  }
0x138: {  	[spmem:s17] =	stream.linear.scatter [tilespmem:s30], [sflag:$0x2], $0x2000, $0x38;
	[tilespmem:$0x1F600] =	vst v63  }
0x139: {  	_ =	swait.ge [sflag:s28], $0x2000  }
0x13a: {  	[sflag:s28] =	ssyncset.done $0x0  }
0x13b: {  	[sflag:s28] =	ssyncadd.s32 $0xFFFFE000  }
0x13c: {  	[spmem:s21] =	stream.linear.scatter [tilespmem:s30], [sflag:$0x2], $0x2000, $0x38;
	[tilespmem:$0x1F600] =	vst v63  }
0x13d: {  	_ =	swait.ge [sflag:s28], $0x2000  }
0x13e: {  	[sflag:s28] =	ssyncset.done $0x0  }
0x13f: {  	[sflag:s28] =	ssyncadd.s32 $0xFFFFE000  }
0x140: {  	[spmem:s26] =	stream.linear.scatter [tilespmem:s30], [sflag:$0x2], $0x2000, $0x38;
	[tilespmem:$0x1F600] =	vst v63  }
0x141: {  	_ =	swait.ge [sflag:s28], $0x2000  }
0x142: {  	[sflag:s28] =	ssyncset.done $0x0  }
0x143: {  	[sflag:s28] =	ssyncadd.s32 $0xFFFFE000  }
0x144: {  	[bflag:$0x0] =	sbarrier.arrive $0xFFFF  }
0x145: {  	s10 =	sld [smem:$0x1];
	_ =	sdelay $0x2  }
0x146: {  	s11 =	sadd.s32 $0x4F, s10  }
0x147: {  	s12 =	smulhi.u32 $0x66666667, s11;
	s13 =	sshra.s32 s11, $0x1F  }
0x148: {  	s13 =	smul.u32 $0x66666667, s13;
	_ =	sdelay $0x1  }
0x149: {  	s12 =	sadd.s32 s13, s12  }
0x14a: {  	s13 =	sshrl.u32 s12, $0x1F;
	s12 =	sshra.s32 s12, $0x5  }
0x14b: {  	s12 =	sadd.s32 s13, s12  }
0x14c: {  	s13 =	smul.u32 $0xFFFFFFB0, s12  }
0x14d: {  	s10 =	ssub.s32 $0xFFFFFFB1, s10  }
0x14e: {  	p0 =	slt.s32 s11, $0x1;
	p1 =	sne.s32 s13, s10  }
0x14f: {  	p0 =	por !p0, !p1  }
0x150: {  	s10 =	simm.s32 $0x1;
	p0 =	por !p0, !p0  }
0x151: {  	s10 =	simm.s32 @!p0 $0x0  }
0x152: {  	s12 =	ssub.s32 s12, s10  }
0x153: {  	p0 =	slt.s32 s12, $0x1  }
.Ltmp7:
0x154: {  	_ = 	snop;
	(pc) =	sbr.rel @p0 .LBB2_13-.Ltmp7, $1  }
0x155: {  	_ =	sdelay $0x3  }
0x156: {  	s10 =	simm.s32 $0x9E20  }
0x157: {  	v4 =	vld [tilespmem:s10+$0xFFFFFFE0];
	_ =	sdelay $0x4  }
0x158: {  	s11 =	simm.s32 $0xC5A0;
	[tilespmem:$0xED00] =	vst v4  }
0x159: {  	v4 =	vld [tilespmem:s11+$0xFFFFFFE0];
	_ =	sdelay $0x4  }
0x15a: {  	[tilespmem:$0xED80] =	vst v4  }
0x15b: {  	v4 =	vld [tilespmem:s10+$0xFFFFFFF0];
	_ =	sdelay $0x4  }
0x15c: {  	[tilespmem:$0xED10] =	vst v4  }
0x15d: {  	v4 =	vld [tilespmem:s11+$0xFFFFFFF0];
	_ =	sdelay $0x4  }
0x15e: {  	[tilespmem:$0xED90] =	vst v4  }
0x15f: {  	v4 =	vld [tilespmem:s10+$0x0];
	_ =	sdelay $0x4  }
0x160: {  	[tilespmem:$0xED20] =	vst v4  }
0x161: {  	v4 =	vld [tilespmem:s11+$0x0];
	_ =	sdelay $0x4  }
0x162: {  	[tilespmem:$0xEDA0] =	vst v4  }
0x163: {  	v4 =	vld [tilespmem:s10+$0x10];
	_ =	sdelay $0x4  }
0x164: {  	[tilespmem:$0xED30] =	vst v4  }
0x165: {  	v4 =	vld [tilespmem:s11+$0x10];
	_ =	sdelay $0x4  }
0x166: {  	[tilespmem:$0xEDB0] =	vst v4  }
0x167: {  	v4 =	vld [tilespmem:s10+$0x20];
	_ =	sdelay $0x4  }
0x168: {  	[tilespmem:$0xED40] =	vst v4  }
0x169: {  	v4 =	vld [tilespmem:s11+$0x20];
	_ =	sdelay $0x4  }
0x16a: {  	[tilespmem:$0xEDC0] =	vst v4  }
0x16b: {  	[tilespmem:s29], [sflag:$0x1] =	stream.indirect.gather [hbm4b:s2+s1], $0x80, s0, s1, $0xb8;
	[tilespmem:$0x1F600] =	vst v63  }
0x16c: {  	p0 =	sne.s32 s12, $0x1;
	_ =	swait.ge [sflag:s31], $0x2800  }
.Ltmp8:
0x16d: {  	[sflag:s31] =	ssyncset.done $0x0;
	(pc) =	sbr.rel @!p0 .LBB2_12-.Ltmp8, $4  }
0x16e: {  	[sflag:s31] =	ssyncadd.s32 $0xFFFFD800  }
0x16f: {  	[spmem:s3] =	stream.indirect.scatter.add.f32 [tilespmem:s29], [sflag:$0x2], $0x80, s5, s1, $0xb8;
	[tilespmem:$0x1F600] =	vst v63  }
0x170: {  	_ =	swait.ge [sflag:s28], $0x2800  }
0x171: {  	s12 =	sadd.s32 $0xFFFFFFFF, s12;
	[sflag:s28] =	ssyncset.done $0x0  }
.LBB2_11:
0x172: {  	[sflag:s28] =	ssyncadd.s32 $0xFFFFD800;
	s10 =	sadd.s32 $0x50, s10;
	s11 =	sadd.s32 $0x50, s11  }
0x173: {  	p0 =	sne.s32 s12, $0x1;
	s12 =	sadd.s32 $0xFFFFFFFF, s12;
	v4 =	vld [tilespmem:s10+$0xFFFFFFE0];
	_ =	sdelay $0x4  }
0x174: {  	[tilespmem:$0xED00] =	vst v4  }
0x175: {  	v4 =	vld [tilespmem:s11+$0xFFFFFFE0];
	_ =	sdelay $0x4  }
0x176: {  	[tilespmem:$0xED80] =	vst v4  }
0x177: {  	v4 =	vld [tilespmem:s10+$0xFFFFFFF0];
	_ =	sdelay $0x4  }
0x178: {  	[tilespmem:$0xED10] =	vst v4  }
0x179: {  	v4 =	vld [tilespmem:s11+$0xFFFFFFF0];
	_ =	sdelay $0x4  }
0x17a: {  	[tilespmem:$0xED90] =	vst v4  }
0x17b: {  	v4 =	vld [tilespmem:s10+$0x0];
	_ =	sdelay $0x4  }
0x17c: {  	[tilespmem:$0xED20] =	vst v4  }
0x17d: {  	v4 =	vld [tilespmem:s11+$0x0];
	_ =	sdelay $0x4  }
0x17e: {  	[tilespmem:$0xEDA0] =	vst v4  }
0x17f: {  	v4 =	vld [tilespmem:s10+$0x10];
	_ =	sdelay $0x4  }
0x180: {  	[tilespmem:$0xED30] =	vst v4  }
0x181: {  	v4 =	vld [tilespmem:s11+$0x10];
	_ =	sdelay $0x4  }
0x182: {  	[tilespmem:$0xEDB0] =	vst v4  }
0x183: {  	v4 =	vld [tilespmem:s10+$0x20];
	_ =	sdelay $0x4  }
0x184: {  	[tilespmem:$0xED40] =	vst v4  }
0x185: {  	v4 =	vld [tilespmem:s11+$0x20];
	_ =	sdelay $0x4  }
0x186: {  	[tilespmem:$0xEDC0] =	vst v4  }
0x187: {  	[tilespmem:s29], [sflag:$0x1] =	stream.indirect.gather [hbm4b:s2+s1], $0x80, s0, s1, $0xb8;
	[tilespmem:$0x1F600] =	vst v63  }
0x188: {  	_ =	swait.ge [sflag:s31], $0x2800  }
.Ltmp9:
0x189: {  	[sflag:s31] =	ssyncset.done $0x0;
	(pc) =	sbr.rel @p0 .LBB2_11-.Ltmp9, $4  }
0x18a: {  	[sflag:s31] =	ssyncadd.s32 $0xFFFFD800  }
0x18b: {  	[spmem:s3] =	stream.indirect.scatter.add.f32 [tilespmem:s29], [sflag:$0x2], $0x80, s5, s1, $0xb8;
	[tilespmem:$0x1F600] =	vst v63  }
0x18c: {  	_ =	swait.ge [sflag:s28], $0x2800  }
0x18d: {  	[sflag:s28] =	ssyncset.done $0x0  }
.Ltmp10:
0x18e: {  	_ = 	snop;
	(pc) =	sbr.rel .LBB2_12-.Ltmp10, $1  }
0x18f: {  	_ =	sdelay $0x3  }
.LBB2_14:
0x190: {  	_ =	sfence.sel $0x180000  }
0x191: {  	[bflag:$0x0] =	sbarrier.arrive $0xFFFF  }
0x192: {  	_ =	strace $0x9000004A  }
0x193: {  	s0 =	stileid.u32;
	[bflag:$0x2] =	sbarrier.arrive $0xFFFF  }
0x194: {  	p0 =	sne.s32 s0, $0x0;
	s0 =	rddreg [dreg:$0x3]  }
0x195: {  	s0 =	sadd.s32 @!p0 $0x100000, s0  }
0x196: {  	[sflag:s0] =	ssyncadd.tile.s32 @!p0 $0x1;
	_ =	shalt  }
.Lfunc_end2:
_tile_overlayer_lowered:
.L_overlay_start_2:
0x197: {  	(tag) =	ssettag $0x2  }
0x198: {  	s0 =	rddreg [dreg:$0x0];
	s2 =	stileid.u32  }
0x199: {  	s1 =	rddreg [dreg:$0x1];
	p0 =	sne.s32 s2, $0x0  }
0x19a: {  	s3 =	rddreg [dreg:$0x2];
	[bflag:$0x3] =	sbarrier.arrive $0xFFFF;
	s2 =	simm.s32 @!p0 $0x1C02  }
0x19b: {  	[timem:s3], [sflag:s2] =	dma.local @!p0 [hbm:s0], s1  }
0x19c: {  	s0 =	simm.s32 @!p0 $0x2  }
0x19d: {  	_ =	swait.ge @!p0 [sflag:s0], s1  }
0x19e: {  	s1 =	ssub.s32 @!p0 $0x0, s1;
	[sflag:s0] =	ssyncset.done @!p0 $0x0  }
0x19f: {  	[sflag:s0] =	ssyncadd.s32 @!p0 s1  }
0x1a0: {  	[bflag:$0x3] =	sbarrier.arrive $0xFFFF  }
0x1a1: {  	_ =	shalt  }

// kernel: kernel.14.cloned.1.call-start
scs
__scs_entry_jumppad:
0x0: {  	(pc) =	sbr.rel $0x88, $3  }
0x1: {  	(tag) =	ssettag $0x0;
	lr =	simm.s32 $0x1  }
0x2: {  	[smem:$0x3F9B] =	sst lr;
	_ =	strace $0xD0000000  }
0x3: {  	_ = 	snop  }
0x4: {  	_ = 	snop  }
0x5: {  	_ = 	snop  }
0x6: {  	_ = 	snop  }
0x7: {  	_ = 	snop  }
__scs_overlays_trampoline_lowered:
0x8: {  	[smem:$0x3FAA] =	sst s0  }
0x9: {  	[smem:$0x3FAB] =	sst s1  }
0xa: {  	[smem:$0x3FAC] =	sst s2  }
0xb: {  	[smem:$0x3FAD] =	sst s3  }
0xc: {  	[smem:$0x3FAE] =	sst s4  }
0xd: {  	[smem:$0x3FAF] =	sst s5  }
0xe: {  	[smem:$0x3FB0] =	sst s6  }
0xf: {  	[smem:$0x3FB1] =	sst s7  }
0x10: {  	[smem:$0x3FB2] =	sst s8  }
0x11: {  	[smem:$0x3FB3] =	sst s9;
	s0 =	simm.s32 @!p0 $0x0  }
0x12: {  	s1 =	sld [smem:$0x3F99];
	s0 =	simm.s32 @p0 $0x1  }
0x13: {  	[smem:$0x3FB4] =	sst s0;
	s0 =	simm.s32 @!p1 $0x0  }
0x14: {  	s2 =	sld [smem:$0x3F98];
	s0 =	simm.s32 @p1 $0x1  }
0x15: {  	[smem:$0x3FB5] =	sst s0;
	s0 =	simm.s32 @!p2 $0x0  }
0x16: {  	s3 =	sld [smem:$0x3FDB];
	s0 =	simm.s32 @p2 $0x1  }
0x17: {  	s4 =	simm.s32 $0x1BF5;
	[smem:$0x3FB7] =	sst s0  }
0x18: {  	s0 =	sld [smem:$0x3F9A];
	_ =	swait.ge [sflag:s4], $0x0  }
0x19: {  	s7 =	sld [smem:$0x3F9B]  }
0x1a: {  	s8 =	sadd.s32 $0xFFFFE003, lr  }
0x1b: {  	s9 =	sadd.s32 $0xFFFFFEF7, lr;
	s5 =	simm.s32 $0xFFFFFFFF;
	p2 =	slt.u32 s8, $0xFFFFF086  }
0x1c: {  	p1 =	slt.u32 s9, $0xF7A;
	s5 =	simm.s32 @!p2 $0x0  }
0x1d: {  	s5 =	simm.s32 @p1 $0x1;
	p0 =	seq.s32 s7, s2  }
0x1e: {  	s7 =	smul.u32 @!p0 $0xF7A, s2;
	p2 =	seq.s32 @!p0 s5, $0x0  }
0x1f: {  	s9 =	smul.u32 $0xF7A, s1;
	s8 =	simm.s32 @!p0 $0x1BF5;
	p2 =	por !p2, p0  }
0x20: {  	[sflag:s8] =	ssyncset.s32 @!p0 $0xFFFFF086;
	s6 =	sadd.s32 @!p0 s3, s7;
	s7 =	simm.s32 @!p0 $0x108  }
0x21: {  	s3 =	sadd.s32 s3, s9;
	s6 =	sadd.s32 @!p0 $0x88, s6;
	s7 =	simm.s32 @p2 $0x1082  }
0x22: {  	[simem:s7], [sflag:s8] =	dma.local @!p0 [hbm:s6], $0xF7A  }
0x23: {  	s9 =	sor.u32 $0xD0000000, s2;
	s6 =	simm.s32 $0x108;
	_ =	swait.ge @!p0 [sflag:s8], $0x0  }
0x24: {  	s3 =	sadd.s32 $0x88, s3;
	s6 =	simm.s32 @!p1 $0x1082;
	[sflag:s4] =	ssyncset.s32 $0xFFFFF086  }
0x25: {  	[simem:s6], [sflag:s4] =	dma.local [hbm:s3], $0xF7A  }
0x26: {  	[smem:$0x3F9B] =	sst s1;
	(tag) =	ssettag s2;
	_ =	strace s9  }
0x27: {  	s1 =	sld [smem:$0x3FAB]  }
0x28: {  	s2 =	sld [smem:$0x3FAC]  }
0x29: {  	s4 =	sld [smem:$0x3FAE]  }
0x2a: {  	p0 =	seq.s32 s5, $0x0;
	s5 =	sld [smem:$0x3FAF]  }
0x2b: {  	s6 =	sld [smem:$0x3FB0]  }
0x2c: {  	s7 =	sld [smem:$0x3FB1]  }
0x2d: {  	s3 =	simm.s32 $0x108;
	s8 =	sld [smem:$0x3FB2]  }
0x2e: {  	s3 =	simm.s32 @!p0 $0x1082;
	s9 =	sld [smem:$0x3FB3]  }
0x2f: {  	lr =	sadd.s32 s0, s3;
	s0 =	sld [smem:$0x3FAA]  }
0x30: {  	s3 =	sld [smem:$0x3FAD]  }
0x31: {  	[smem:$0x3FB6] =	sst s10  }
0x32: {  	s10 =	sld [smem:$0x3FB4];
	_ =	sdelay $0x3  }
0x33: {  	p0 =	seq.s32 s10, $0x1;
	s10 =	sld [smem:$0x3FB6];
	_ =	sdelay $0x3  }
0x34: {  	[smem:$0x3FB6] =	sst s10  }
0x35: {  	s10 =	sld [smem:$0x3FB5];
	_ =	sdelay $0x3  }
0x36: {  	p1 =	seq.s32 s10, $0x1;
	s10 =	sld [smem:$0x3FB6];
	_ =	sdelay $0x3  }
0x37: {  	[smem:$0x3FB6] =	sst s10  }
0x38: {  	s10 =	sld [smem:$0x3FB7]  }
0x39: {  	_ = 	snop;
	(pc) =	sbr.ind lr, $3  }
0x3a: {  	_ = 	snop  }
0x3b: {  	_ = 	snop  }
0x3c: {  	p2 =	seq.s32 s10, $0x1;
	s10 =	sld [smem:$0x3FB6]  }
0x3d: {  	_ =	shalt  }
0x3e: {  	_ =	shalt  }
0x3f: {  	_ =	shalt  }
0x40: {  	_ =	shalt  }
0x41: {  	_ =	shalt  }
0x42: {  	_ =	shalt  }
0x43: {  	_ =	shalt  }
0x44: {  	_ =	shalt  }
0x45: {  	_ =	shalt  }
0x46: {  	_ =	shalt  }
0x47: {  	_ =	shalt  }
0x48: {  	_ =	shalt  }
0x49: {  	_ =	shalt  }
0x4a: {  	_ =	shalt  }
0x4b: {  	_ =	shalt  }
0x4c: {  	_ =	shalt  }
0x4d: {  	_ =	shalt  }
0x4e: {  	_ =	shalt  }
0x4f: {  	_ =	shalt  }
0x50: {  	_ =	shalt  }
0x51: {  	_ =	shalt  }
0x52: {  	_ =	shalt  }
0x53: {  	_ =	shalt  }
0x54: {  	_ =	shalt  }
0x55: {  	_ =	shalt  }
0x56: {  	_ =	shalt  }
0x57: {  	_ =	shalt  }
0x58: {  	_ =	shalt  }
0x59: {  	_ =	shalt  }
0x5a: {  	_ =	shalt  }
0x5b: {  	_ =	shalt  }
0x5c: {  	_ =	shalt  }
0x5d: {  	_ =	shalt  }
0x5e: {  	_ =	shalt  }
0x5f: {  	_ =	shalt  }
0x60: {  	_ =	shalt  }
0x61: {  	_ =	shalt  }
0x62: {  	_ =	shalt  }
0x63: {  	_ =	shalt  }
0x64: {  	_ =	shalt  }
0x65: {  	_ =	shalt  }
0x66: {  	_ =	shalt  }
0x67: {  	_ =	shalt  }
0x68: {  	_ =	shalt  }
0x69: {  	_ =	shalt  }
0x6a: {  	_ =	shalt  }
0x6b: {  	_ =	shalt  }
0x6c: {  	_ =	shalt  }
0x6d: {  	_ =	shalt  }
0x6e: {  	_ =	shalt  }
0x6f: {  	_ =	shalt  }
0x70: {  	_ =	shalt  }
0x71: {  	_ =	shalt  }
0x72: {  	_ =	shalt  }
0x73: {  	_ =	shalt  }
0x74: {  	_ =	shalt  }
0x75: {  	_ =	shalt  }
0x76: {  	_ =	shalt  }
0x77: {  	_ =	shalt  }
0x78: {  	_ =	shalt  }
0x79: {  	_ =	shalt  }
0x7a: {  	_ =	shalt  }
0x7b: {  	_ =	shalt  }
0x7c: {  	_ =	shalt  }
0x7d: {  	_ =	shalt  }
0x7e: {  	_ =	shalt  }
0x7f: {  	_ =	shalt  }
0x80: {  	_ =	shalt  }
0x81: {  	_ =	shalt  }
0x82: {  	_ =	shalt  }
0x83: {  	_ =	shalt  }
0x84: {  	_ =	shalt  }
0x85: {  	_ =	shalt  }
0x86: {  	_ =	shalt  }
0x87: {  	_ =	shalt  }
.Lfunc_end0:
.L_simem_size_0:
called_computation.2_lowered:
.L_overlay_start_0:
0x88: {  	s2 =	sld [smem:$0x3FD9]  }
0x89: {  	s3 =	sld [smem:$0x3FFE];
	_ =	sdelay $0x1  }
0x8a: {  	s1 =	srdreg.scid  }
0x8b: {  	s0 =	sand.u32 $0x1, s1  }
0x8c: {  	s17 =	sshll.u32 s0, $0xA;
	s2 =	sadd.s32 s3, s2  }
0x8d: {  	s2 =	sadd.s32 s2, s17  }
0x8e: {  	[smem:$0x3FC2] =	sst s2  }
0x8f: {  	_ = 	snop  }
0x90: {  	s2 =	sld [smem:$0x3FD0];
	(tm) =	ssettm $0x1  }
0x91: {  	s18 =	sld [smem:$0x3FFB];
	_ =	sdelay $0x3  }
0x92: {  	_ =	strace s18  }
0x93: {  	s3 =	sld [smem:$0x3FFC];
	_ =	sdelay $0x3  }
0x94: {  	_ =	strace s3  }
0x95: {  	s3 =	sld [smem:$0x3FFD];
	_ =	sdelay $0x3  }
0x96: {  	_ =	strace s3  }
0x97: {  	_ =	strace $0x8FFFFFFF  }
0x98: {  	s19 =	sld [smem:$0x3FDB];
	_ =	sdelay $0x1  }
0x99: {  	s4 =	simm.s32 $_scs_section_size  }
0x9a: {  	s5 =	simm.s32 $_size__tile_overlayer_lowered;
	s6 =	simm.s32 $_tile_overlayer_lowered  }
0x9b: {  	s22 =	simm.s32 $0x1BFF;
	s21 =	sshll.u32 s6, $0x1;
	s3 =	sadd.s32 s4, s19  }
0x9c: {  	s7 =	simm.s32 $0x0;
	s20 =	sshll.u32 s5, $0x1;
	s5 =	sadd.s32 s21, s3  }
0x9d: {  	[timem:s7], [sflag:s22] =	dma.local [hbm:s5], s20  }
0x9e: {  	_ =	swait.ge [sflag:s22], s20  }
0x9f: {  	s4 =	ssub.s32 $0x0, s20;
	[sflag:s22] =	ssyncset.done $0x0  }
0xa0: {  	[sflag:s22] =	ssyncadd.s32 s4;
	_ =	sdelay $0x1  }
0xa1: {  	s23 =	simm.s32 $0x1B8B  }
0xa2: {  	_ =	swait.ge [sflag:s23], $0x1  }
0xa3: {  	[sflag:s23] =	ssyncset.done $0x0  }
0xa4: {  	s25 =	simm.s32 $0x1B8E;
	s24 =	sld [smem:$0x3FFE];
	[sflag:s23] =	ssyncadd.s32 $0xFFFFFFFF  }
0xa5: {  	s26 =	simm.s32 $execute0_lowered;
	[smem:$0x3FD2] =	sst s25  }
0xa6: {  	s5 =	sshll.u32 s26, $0x1;
	_ =	strace $0x8000004C;
	[dreg:$0x1] =	wrdreg $0xFFFFFFFF  }
0xa7: {  	s28 =	simm.s32 $_size_execute0_lowered;
	s3 =	sadd.s32 s3, s5;
	[dreg:$0x0] =	wrdreg $0x0  }
0xa8: {  	s5 =	sshll.u32 s28, $0x1;
	[dreg:$0x2] =	wrdreg s3  }
0xa9: {  	[dreg:$0x3] =	wrdreg s5  }
0xaa: {  	[dreg:$0x4] =	wrdreg $0xC0  }
0xab: {  	_ =	task [dreg:s7], $0x5FFFF  }
0xac: {  	[dreg:$0x1] =	wrdreg $0xFFFFFFFF  }
0xad: {  	[dreg:$0x0] =	wrdreg $0x60  }
0xae: {  	[dreg:$0x2] =	wrdreg s24  }
0xaf: {  	[dreg:$0x3] =	wrdreg s2  }
0xb0: {  	[dreg:$0x4] =	wrdreg $0x156000  }
0xb1: {  	[dreg:$0x5] =	wrdreg $0x9  }
0xb2: {  	_ =	task.clear_ibuf [dreg:s7], $0x6FFFF;
	_ =	strace $0x9000004C  }
0xb3: {  	s29 =	simm.s32 $0x9;
	_ =	strace $0x8000004E  }
0xb4: {  	_ =	swait.ge [sflag:s29], $0x1  }
0xb5: {  	[sflag:s29] =	ssyncadd.s32 $0xFFFFFFFF  }
0xb6: {  	_ =	strace $0x9000004E  }
0xb7: {  	_ =	sfence  }
0xb8: {  	s30 =	sld [smem:$0x0];
	_ =	sdelay $0x2  }
0xb9: {  	s31 =	sshll.u32 s1, $0xD;
	s1 =	sshrl.u32 s1, $0x2  }
0xba: {  	s3 =	sand.u32 $0x4000, s31;
	s1 =	sadd.s32 s1, s30  }
0xbb: {  	s0 =	sor.u32 s3, s0;
	s1 =	sshll.u32 s1, $0x11  }
0xbc: {  	s0 =	sor.u32 s1, s0  }
0xbd: {  	s0 =	sadd.s32 $0x8F2B, s0  }
0xbe: {  	[sflag:s0] =	ssyncadd.remote.s32 $0x1  }
0xbf: {  	_ =	sfence.sel $0xFFFF  }
0xc0: {  	[dreg:$0x0] =	wrdreg $0xFFFFFFFF;
	(pc) =	sbr.abs _section_cstart, $3  }
0xc1: {  	[dreg:$0x1] =	wrdreg $0xFFFFFFFF  }
0xc2: {  	_ =	task.clear_ibuf [dreg:s7], $0x2FFFF;
	_ =	strace $0x9FFFFFFF  }
0xc3: {  	(tm) =	ssettm $0x7FFFFFFF  }
tec
execute0_lowered:
.L_overlay_start_1:
0x0: {  	(tag) =	ssettag $0x1  }
0x1: {  	s1 =	rddreg [dreg:$0x0]  }
0x2: {  	s0 =	srdreg.scid;
	s2 =	rddreg [dreg:$0x1]  }
0x3: {  	s10 =	stileid.u32;
	s3 =	rddreg [dreg:$0x2];
	s28 =	simm.s32 $0x2  }
0x4: {  	s30 =	simm.s32 $0x11600;
	s31 =	simm.s32 $0x1;
	s0 =	sand.u32 $0x1, s0  }
0x5: {  	s29 =	simm.s32 $0xEE00;
	s9 =	smul.u32 $0x28000, s10;
	s4 =	sshll.u32 s0, $0x4  }
0x6: {  	s7 =	ssub.s32 $0x2, s0;
	s0 =	smul.u32 $0x140000, s0;
	s5 =	sor.u32 s10, s4  }
0x7: {  	s4 =	simm.s32 $0x0;
	s8 =	sshrl.u32 s7, $0x1;
	s10 =	smul.u32 $0xA000, s10  }
0x8: {  	s25 =	sshrl.u32 s9, $0x2;
	s6 =	smul.u32 $0x4E2, s5;
	[smem:$0x7FF] =	sst s4  }
0x9: {  	s8 =	ssub.s32 s7, s8;
	s11 =	sshll.u32 s5, $0x4;
	s5 =	smul.u32 $0x139, s5  }
0xa: {  	s7 =	sadd.s32 s25, s3;
	s26 =	sadd.s32 $0xA0000, s0;
	_ =	strace $0x8000004D  }
0xb: {  	s14 =	sadd.s32 s0, s10;
	s12 =	sadd.s32 $0x2000, s10;
	s8 =	smax.u32 s8, $0x1  }
0xc: {  	s9 =	sadd.s32 $0x2000, s7;
	s25 =	sadd.s32 $0x8000, s10;
	s19 =	sadd.s32 s10, s26  }
0xd: {  	s6 =	sadd.s32 s6, s1;
	s1 =	sadd.s32 $0x15C00, s1;
	[dreg:$0x6] =	wrdreg s8  }
0xe: {  	v0 =	vlaneseq.u32;
	s15 =	sshrl.u32 s14, $0x3;
	s13 =	sadd.s32 s0, s12;
	s24 =	sadd.s32 $0xBE00, s6  }
0xf: {  	v1 =	vor.u32 s11, v0;
	v0 =	vmul.u32 $0x29, v0;
	s20 =	sadd.s32 s12, s26;
	s6 =	sadd.s32 $0x2000, s6;
	[dreg:$0x4] =	wrdreg s24  }
0x10: {  	s8 =	sadd.s32 s1, s15;
	s16 =	sshrl.u32 s13, $0x3;
	[dreg:$0x5] =	wrdreg s6  }
0x11: {  	v3 =	vadd.s32 s5, v0;
	s5 =	simm.s32 $0xED80;
	[dreg:$0x7] =	wrdreg s8;
	s8 =	sadd.s32 s1, s16  }
0x12: {  	s24 =	sadd.s32 $0x6000, s10;
	s6 =	sadd.s32 s25, s26;
	[dreg:$0x8] =	wrdreg s8  }
0x13: {  	s8 =	sadd.s32 $0x4000, s10;
	s14 =	sadd.s32 s0, s24;
	s10 =	sshrl.u32 s20, $0x3  }
0x14: {  	s22 =	sadd.s32 s24, s26;
	s24 =	sadd.s32 s24, s3;
	s17 =	sadd.s32 s0, s8  }
0x15: {  	s14 =	sshrl.u32 s14, $0x3;
	s0 =	sadd.s32 s0, s25;
	s16 =	sadd.s32 s1, s10  }
0x16: {  	s23 =	sshrl.u32 s22, $0x3;
	s22 =	sadd.s32 s12, s3;
	s25 =	sadd.s32 s25, s3  }
0x17: {  	v2 =	vmulhi.u32 $0x88888889, v1;
	s13 =	sshrl.u32 s17, $0x3;
	s18 =	sadd.s32 s1, s14;
	s0 =	sshrl.u32 s0, $0x3  }
0x18: {  	s17 =	sadd.s32 s8, s26;
	s26 =	sshrl.u32 s6, $0x3;
	s6 =	simm.s32 $0x13600  }
0x19: {  	v0 =	vshrl.u32 v2, $0x6;
	v2 =	vmulhi.u32 $0xD1B71759, v3;
	s13 =	sadd.s32 s1, s13;
	[dreg:$0xa] =	wrdreg s18;
	s14 =	sadd.s32 s1, s0  }
.Ltmp0:
0x1a: {  	v0 =	vmul.u32 $0x78, v0;
	s0 =	sshrl.u32 s19, $0x3;
	s21 =	sshrl.u32 s17, $0x3;
	(pc) =	sbr.rel .LBB2_1-.Ltmp0, $4  }
0x1b: {  	v2 =	vshrl.u32 v2, $0xD;
	s17 =	sadd.s32 $0x4000, s7;
	s19 =	sadd.s32 s1, s23;
	s20 =	sadd.s32 s1, s26  }
0x1c: {  	v0 =	vsub.s32 v1, v0;
	v1 =	vmul.u32 $0x2710, v2;
	s23 =	sadd.s32 s8, s3;
	s26 =	sadd.s32 $0x8000, s7;
	s8 =	simm.s32 $0x0  }
0x1d: {  	v2 =	vimm.f32 $0.0e+00;
	[dreg:$0x9] =	wrdreg s13;
	s15 =	sadd.s32 s1, s0;
	s18 =	sadd.s32 s1, s21  }
0x1e: {  	v0 =	vadd.s32 $0x1388, v0;
	s21 =	sadd.s32 $0x6000, s7;
	s1 =	simm.s32 $0x50;
	s0 =	simm.s32 $0xED00;
	v1 =	vsub.s32 v3, v1;
	v3 =	vimm.s32 $0x0  }
.LBB2_12:
0x1f: {  	[sflag:s28] =	ssyncadd.s32 $0xFFFFD800  }
.LBB2_13:
0x20: {  	[bflag:$0x0] =	sbarrier.arrive $0xFFFF  }
0x21: {  	[tilespmem:s6], [sflag:$0x2] =	stream.linear.gather [spmem:s7], $0x2000, $0x38;
	[tilespmem:$0x1F600] =	vst v63  }
0x22: {  	_ =	swait.ge [sflag:s28], $0x2000  }
0x23: {  	[sflag:s28] =	ssyncset.done $0x0  }
0x24: {  	[sflag:s28] =	ssyncadd.s32 $0xFFFFE000  }
0x25: {  	[hbm4b:s15+s4] =	stream.linear.scatter [tilespmem:s6], [sflag:$0x2], $0x2000, $0x38;
	[tilespmem:$0x1F600] =	vst v63  }
0x26: {  	_ =	swait.ge [sflag:s28], $0x2000  }
0x27: {  	[sflag:s28] =	ssyncset.done $0x0  }
0x28: {  	[sflag:s28] =	ssyncadd.s32 $0xFFFFE000  }
0x29: {  	[tilespmem:s6], [sflag:$0x2] =	stream.linear.gather [spmem:s22], $0x2000, $0x38;
	[tilespmem:$0x1F600] =	vst v63  }
0x2a: {  	_ =	swait.ge [sflag:s28], $0x2000  }
0x2b: {  	[sflag:s28] =	ssyncset.done $0x0  }
0x2c: {  	[sflag:s28] =	ssyncadd.s32 $0xFFFFE000  }
0x2d: {  	[hbm4b:s16+s4] =	stream.linear.scatter [tilespmem:s6], [sflag:$0x2], $0x2000, $0x38;
	[tilespmem:$0x1F600] =	vst v63  }
0x2e: {  	_ =	swait.ge [sflag:s28], $0x2000  }
0x2f: {  	[sflag:s28] =	ssyncset.done $0x0  }
0x30: {  	[sflag:s28] =	ssyncadd.s32 $0xFFFFE000  }
0x31: {  	[tilespmem:s6], [sflag:$0x2] =	stream.linear.gather [spmem:s23], $0x2000, $0x38;
	[tilespmem:$0x1F600] =	vst v63  }
0x32: {  	_ =	swait.ge [sflag:s28], $0x2000  }
0x33: {  	[sflag:s28] =	ssyncset.done $0x0  }
0x34: {  	[sflag:s28] =	ssyncadd.s32 $0xFFFFE000  }
0x35: {  	[hbm4b:s18+s4] =	stream.linear.scatter [tilespmem:s6], [sflag:$0x2], $0x2000, $0x38;
	[tilespmem:$0x1F600] =	vst v63  }
0x36: {  	_ =	swait.ge [sflag:s28], $0x2000  }
0x37: {  	[sflag:s28] =	ssyncset.done $0x0  }
0x38: {  	[sflag:s28] =	ssyncadd.s32 $0xFFFFE000  }
0x39: {  	[tilespmem:s6], [sflag:$0x2] =	stream.linear.gather [spmem:s24], $0x2000, $0x38;
	[tilespmem:$0x1F600] =	vst v63  }
0x3a: {  	_ =	swait.ge [sflag:s28], $0x2000  }
0x3b: {  	[sflag:s28] =	ssyncset.done $0x0  }
0x3c: {  	[sflag:s28] =	ssyncadd.s32 $0xFFFFE000  }
0x3d: {  	[hbm4b:s19+s4] =	stream.linear.scatter [tilespmem:s6], [sflag:$0x2], $0x2000, $0x38;
	[tilespmem:$0x1F600] =	vst v63  }
0x3e: {  	_ =	swait.ge [sflag:s28], $0x2000  }
0x3f: {  	[sflag:s28] =	ssyncset.done $0x0  }
0x40: {  	[sflag:s28] =	ssyncadd.s32 $0xFFFFE000  }
0x41: {  	[tilespmem:s6], [sflag:$0x2] =	stream.linear.gather [spmem:s25], $0x2000, $0x38;
	[tilespmem:$0x1F600] =	vst v63  }
0x42: {  	_ =	swait.ge [sflag:s28], $0x2000  }
0x43: {  	[sflag:s28] =	ssyncset.done $0x0  }
0x44: {  	[sflag:s28] =	ssyncadd.s32 $0xFFFFE000  }
0x45: {  	[hbm4b:s20+s4] =	stream.linear.scatter [tilespmem:s6], [sflag:$0x2], $0x2000, $0x38;
	[tilespmem:$0x1F600] =	vst v63  }
0x46: {  	_ =	swait.ge [sflag:s28], $0x2000  }
0x47: {  	s8 =	sadd.s32 $0x1, s8;
	s10 =	rddreg [dreg:$0x6]  }
0x48: {  	p0 =	sne.s32 s8, s10  }
.Ltmp1:
0x49: {  	_ = 	snop;
	(pc) =	sbr.rel @!p0 .LBB2_14-.Ltmp1, $3  }
0x4a: {  	[sflag:s28] =	ssyncset.done $0x0  }
0x4b: {  	[sflag:s28] =	ssyncadd.s32 $0xFFFFE000  }
0x4c: {  	[bflag:$0x0] =	sbarrier.arrive $0xFFFF;
	_ =	sdelay $0x1  }
.LBB2_1:
0x4d: {  	s10 =	rddreg [dreg:$0x4]  }
0x4e: {  	[tilespmem:s4], [sflag:$0x2] =	stream.linear.gather [hbm4b:s10+s4], $0x2710, $0x38;
	[tilespmem:$0x1F600] =	vst v63  }
0x4f: {  	_ =	swait.ge [sflag:s28], $0x2710  }
0x50: {  	[sflag:s28] =	ssyncset.done $0x0  }
0x51: {  	s11 =	simm.s32 $0x2780;
	s13 =	rddreg [dreg:$0x5];
	[sflag:s28] =	ssyncadd.s32 $0xFFFFD8F0  }
0x52: {  	[tilespmem:s11], [sflag:$0x2] =	stream.linear.gather [hbm4b:s13+s4], $0x2710, $0x38;
	[tilespmem:$0x1F600] =	vst v63  }
0x53: {  	_ =	swait.ge [sflag:s28], $0x2710  }
0x54: {  	[sflag:s28] =	ssyncset.done $0x0  }
0x55: {  	s10 =	simm.s32 $0x0;
	s11 =	simm.s32 $0x200;
	[sflag:s28] =	ssyncadd.s32 $0xFFFFD8F0  }
.LBB2_2:
0x56: {  	p0 =	sne.s32 s11, $0x7E00;
	[tilespmem:s10+$0x11670] =	vst v2  }
0x57: {  	[tilespmem:s10+$0x11600] =	vst v2  }
0x58: {  	[tilespmem:s10+$0x11610] =	vst v2  }
.Ltmp2:
0x59: {  	[tilespmem:s10+$0x11620] =	vst v2;
	(pc) =	sbr.rel @p0 .LBB2_2-.Ltmp2, $4  }
0x5a: {  	[tilespmem:s10+$0x11630] =	vst v2  }
0x5b: {  	[tilespmem:s10+$0x11640] =	vst v2  }
0x5c: {  	[tilespmem:s10+$0x11650] =	vst v2  }
0x5d: {  	[tilespmem:s10+$0x11660] =	vst v2;
	s10 =	sshra.s32 s11, $0x2;
	s11 =	sadd.s32 $0x200, s11  }
0x5e: {  	[tilespmem:s10+$0x11670] =	vst v2  }
0x5f: {  	[tilespmem:s10+$0x11600] =	vst v2  }
0x60: {  	[tilespmem:s10+$0x11610] =	vst v2  }
0x61: {  	[tilespmem:s10+$0x11620] =	vst v2  }
0x62: {  	[tilespmem:s10+$0x11630] =	vst v2  }
0x63: {  	[tilespmem:s10+$0x11640] =	vst v2  }
0x64: {  	[tilespmem:s10+$0x11650] =	vst v2  }
0x65: {  	[tilespmem:s10+$0x11660] =	vst v2;
	s12 =	simm.s32 $0x0  }
0x66: {  	v4 =	vld [tilespmem:s12+$0x2780];
	_ =	sdelay $0x4  }
0x67: {  	vm0 =	vlt.s32 v4, $0x1388  }
0x68: {  	vm1 =	vgt.s32 v4, $0x1387;
	v5 =	vsel vm0, $0x1, v3  }
0x69: {  	v6 =	vsel vm1, $0x1, v3;
	(xrf0) =	vadd.scan.msk.s32 $0xffff, v5  }
0x6a: {  	(xrf0) =	vadd.scan.msk.s32 $0xffff, v6;
	_ =	sdelay $0x1  }
0x6b: {  	v5 =	vld [tilespmem:s12+$0x0];
	_ =	sdelay $0x2  }
0x6c: {  	s13 =	simm.s32 $0x0;
	v6, _, _ =	vpop (xrf0)  }
0x6d: {  	[tilespmem:s13+$0x7680] =	vst.msk vm0, v4;
	(v2sf) =	vpush v6, $0xF;
	v6, _, _ =	vpop (xrf0)  }
0x6e: {  	v4 =	vadd.s32 $0xFFFFEC78, v4;
	[tilespmem:s13+$0x4F00] =	vst.msk vm0, v5;
	(v2sf) =	vpush v6, $0xF  }
0x6f: {  	[tilespmem:s13+$0xC580] =	vst.msk vm1, v4  }
0x70: {  	s11 =	simm.s32 $0x10;
	[tilespmem:s13+$0x9E00] =	vst.msk vm1, v5  }
0x71: {  	v4 =	vld [tilespmem:s11+$0x2780];
	_ =	sdelay $0x4  }
0x72: {  	vm1 =	vlt.s32 v4, $0x1388  }
0x73: {  	v5 =	vsel vm1, $0x1, v3  }
0x74: {  	vm0 =	vgt.s32 v4, $0x1387;
	(xrf0) =	vadd.scan.msk.s32 $0xffff, v5  }
0x75: {  	v6 =	vsel vm0, $0x1, v3  }
0x76: {  	(xrf0) =	vadd.scan.msk.s32 $0xffff, v6;
	_ =	sdelay $0x1  }
0x77: {  	v5 =	vld [tilespmem:s11+$0x0];
	s12 =	spop (v2sf)  }
0x78: {  	s11 =	sadd.s32 $0x0, s12;
	s13 =	spop (v2sf)  }
0x79: {  	v6, _, _ =	vpop (xrf0);
	s12 =	simm.s32 $0x80;
	[tilespmem:s11+$0x7680] =	vst.msk vm1, v4;
	[smem:$0x0] =	sst s11;
	s10 =	sadd.s32 $0x0, s13  }
.LBB2_4:
0x7a: {  	p0 =	sne.s32 s12, $0x9C00  }
0x7b: {  	(v2sf) =	vpush v6, $0xF;
	v6, _, _ =	vpop (xrf0);
	[smem:$0x1] =	sst s10;
	s13 =	smov.u32 s12;
	s12 =	sadd.s32 $0x40, s12  }
0x7c: {  	v4 =	vadd.s32 $0xFFFFEC78, v4;
	[tilespmem:s11+$0x4F00] =	vst.msk vm1, v5;
	(v2sf) =	vpush v6, $0xF  }
0x7d: {  	[tilespmem:s10+$0xC580] =	vst.msk vm0, v4  }
0x7e: {  	s13 =	sshra.s32 s13, $0x2;
	[tilespmem:s10+$0x9E00] =	vst.msk vm0, v5  }
0x7f: {  	v4 =	vld [tilespmem:s13+$0x2780];
	_ =	sdelay $0x4  }
0x80: {  	vm1 =	vlt.s32 v4, $0x1388;
	vm0 =	vgt.s32 v4, $0x1387  }
0x81: {  	v5 =	vsel vm1, $0x1, v3;
	v6 =	vsel vm0, $0x1, v3  }
0x82: {  	(xrf0) =	vadd.scan.msk.s32 $0xffff, v5  }
0x83: {  	(xrf0) =	vadd.scan.msk.s32 $0xffff, v6  }
.Ltmp3:
0x84: {  	(pc) =	sbr.rel @p0 .LBB2_4-.Ltmp3, $4  }
0x85: {  	v5 =	vld [tilespmem:s13+$0x0]  }
0x86: {  	s13 =	spop (v2sf)  }
0x87: {  	s11 =	sadd.s32 s11, s13;
	s13 =	spop (v2sf)  }
0x88: {  	[tilespmem:s11+$0x7680] =	vst.msk vm1, v4;
	v6, _, _ =	vpop (xrf0);
	[smem:$0x0] =	sst s11;
	s10 =	sadd.s32 s13, s10  }
0x89: {  	(v2sf) =	vpush v6, $0xF;
	_ =	sdelay $0xa  }
0x8a: {  	v63, _, _ =	vpop (xrf0)  }
0x8b: {  	(v2sf) =	vpush v63, $0xF;
	_ =	sdelay $0x1  }
0x8c: {  	v4 =	vadd.s32 $0xFFFFEC78, v4;
	[tilespmem:s11+$0x4F00] =	vst.msk vm1, v5  }
0x8d: {  	[tilespmem:s10+$0xC580] =	vst.msk vm0, v4;
	s12 =	spop (v2sf)  }
0x8e: {  	[tilespmem:s10+$0x9E00] =	vst.msk vm0, v5;
	s11 =	sadd.s32 s11, s12  }
0x8f: {  	[tilespmem:s11+$0x7680] =	vst v0  }
0x90: {  	[tilespmem:s11+$0x4F00] =	vst v1  }
0x91: {  	[tilespmem:s11+$0x7690] =	vst v0  }
0x92: {  	[tilespmem:s11+$0x4F10] =	vst v1  }
0x93: {  	[tilespmem:s11+$0x76A0] =	vst v0  }
0x94: {  	[tilespmem:s11+$0x4F20] =	vst v1  }
0x95: {  	[tilespmem:s11+$0x76B0] =	vst v0  }
0x96: {  	[tilespmem:s11+$0x4F30] =	vst v1  }
0x97: {  	[tilespmem:s11+$0x76C0] =	vst v0  }
0x98: {  	[tilespmem:s11+$0x4F40] =	vst v1  }
0x99: {  	s13 =	spop (v2sf);
	[tilespmem:s11+$0x76D0] =	vst v0  }
0x9a: {  	s12 =	sadd.s32 s13, s10;
	[tilespmem:s11+$0x4F50] =	vst v1  }
0x9b: {  	[tilespmem:s12+$0xC580] =	vst v0  }
0x9c: {  	[tilespmem:s12+$0x9E00] =	vst v1  }
0x9d: {  	[tilespmem:s12+$0xC590] =	vst v0  }
0x9e: {  	[tilespmem:s12+$0x9E10] =	vst v1  }
0x9f: {  	[tilespmem:s12+$0xC5A0] =	vst v0  }
0xa0: {  	[tilespmem:s12+$0x9E20] =	vst v1  }
0xa1: {  	[tilespmem:s12+$0xC5B0] =	vst v0  }
0xa2: {  	[tilespmem:s12+$0x9E30] =	vst v1  }
0xa3: {  	[tilespmem:s12+$0xC5C0] =	vst v0  }
0xa4: {  	[smem:$0x1] =	sst s10;
	[tilespmem:s12+$0x9E40] =	vst v1  }
0xa5: {  	[smem:$0x0] =	sst s11;
	[tilespmem:s12+$0xC5D0] =	vst v0  }
0xa6: {  	[smem:$0x1] =	sst s12;
	[tilespmem:s12+$0x9E50] =	vst v1  }
0xa7: {  	[spmem:s7] =	stream.linear.scatter [tilespmem:s30], [sflag:$0x2], $0x2000, $0x38;
	[tilespmem:$0x1F600] =	vst v63  }
0xa8: {  	_ =	swait.ge [sflag:s28], $0x2000  }
0xa9: {  	[sflag:s28] =	ssyncset.done $0x0  }
0xaa: {  	[sflag:s28] =	ssyncadd.s32 $0xFFFFE000  }
0xab: {  	[spmem:s9] =	stream.linear.scatter [tilespmem:s30], [sflag:$0x2], $0x2000, $0x38;
	[tilespmem:$0x1F600] =	vst v63  }
0xac: {  	_ =	swait.ge [sflag:s28], $0x2000  }
0xad: {  	[sflag:s28] =	ssyncset.done $0x0  }
0xae: {  	[sflag:s28] =	ssyncadd.s32 $0xFFFFE000  }
0xaf: {  	[spmem:s17] =	stream.linear.scatter [tilespmem:s30], [sflag:$0x2], $0x2000, $0x38;
	[tilespmem:$0x1F600] =	vst v63  }
0xb0: {  	_ =	swait.ge [sflag:s28], $0x2000  }
0xb1: {  	[sflag:s28] =	ssyncset.done $0x0  }
0xb2: {  	[sflag:s28] =	ssyncadd.s32 $0xFFFFE000  }
0xb3: {  	[spmem:s21] =	stream.linear.scatter [tilespmem:s30], [sflag:$0x2], $0x2000, $0x38;
	[tilespmem:$0x1F600] =	vst v63  }
0xb4: {  	_ =	swait.ge [sflag:s28], $0x2000  }
0xb5: {  	[sflag:s28] =	ssyncset.done $0x0  }
0xb6: {  	[sflag:s28] =	ssyncadd.s32 $0xFFFFE000  }
0xb7: {  	[spmem:s26] =	stream.linear.scatter [tilespmem:s30], [sflag:$0x2], $0x2000, $0x38;
	[tilespmem:$0x1F600] =	vst v63  }
0xb8: {  	_ =	swait.ge [sflag:s28], $0x2000  }
0xb9: {  	[sflag:s28] =	ssyncset.done $0x0  }
0xba: {  	[sflag:s28] =	ssyncadd.s32 $0xFFFFE000  }
0xbb: {  	[bflag:$0x0] =	sbarrier.arrive $0xFFFF  }
0xbc: {  	s10 =	sld [smem:$0x0];
	_ =	sdelay $0x2  }
0xbd: {  	s11 =	sadd.s32 $0x4F, s10  }
0xbe: {  	s12 =	smulhi.u32 $0x66666667, s11;
	s13 =	sshra.s32 s11, $0x1F  }
0xbf: {  	s13 =	smul.u32 $0x66666667, s13;
	_ =	sdelay $0x1  }
0xc0: {  	s12 =	sadd.s32 s13, s12  }
0xc1: {  	s13 =	sshrl.u32 s12, $0x1F;
	s12 =	sshra.s32 s12, $0x5  }
0xc2: {  	s12 =	sadd.s32 s13, s12  }
0xc3: {  	s13 =	smul.u32 $0xFFFFFFB0, s12  }
0xc4: {  	s10 =	ssub.s32 $0xFFFFFFB1, s10  }
0xc5: {  	p0 =	slt.s32 s11, $0x1;
	p1 =	sne.s32 s13, s10  }
0xc6: {  	p0 =	por !p0, !p1  }
0xc7: {  	s10 =	simm.s32 $0x1;
	p0 =	por !p0, !p0  }
0xc8: {  	s10 =	simm.s32 @!p0 $0x0  }
0xc9: {  	s12 =	ssub.s32 s12, s10  }
0xca: {  	p0 =	slt.s32 s12, $0x1  }
.Ltmp4:
0xcb: {  	_ = 	snop;
	(pc) =	sbr.rel @p0 .LBB2_9-.Ltmp4, $1  }
0xcc: {  	_ =	sdelay $0x3  }
0xcd: {  	s10 =	simm.s32 $0x4F20  }
0xce: {  	v4 =	vld [tilespmem:s10+$0xFFFFFFE0];
	_ =	sdelay $0x4  }
0xcf: {  	s11 =	simm.s32 $0x76A0;
	[tilespmem:$0xED00] =	vst v4  }
0xd0: {  	v4 =	vld [tilespmem:s11+$0xFFFFFFE0];
	_ =	sdelay $0x4  }
0xd1: {  	[tilespmem:$0xED80] =	vst v4  }
0xd2: {  	v4 =	vld [tilespmem:s10+$0xFFFFFFF0];
	_ =	sdelay $0x4  }
0xd3: {  	[tilespmem:$0xED10] =	vst v4  }
0xd4: {  	v4 =	vld [tilespmem:s11+$0xFFFFFFF0];
	_ =	sdelay $0x4  }
0xd5: {  	[tilespmem:$0xED90] =	vst v4  }
0xd6: {  	v4 =	vld [tilespmem:s10+$0x0];
	_ =	sdelay $0x4  }
0xd7: {  	[tilespmem:$0xED20] =	vst v4  }
0xd8: {  	v4 =	vld [tilespmem:s11+$0x0];
	_ =	sdelay $0x4  }
0xd9: {  	[tilespmem:$0xEDA0] =	vst v4  }
0xda: {  	v4 =	vld [tilespmem:s10+$0x10];
	_ =	sdelay $0x4  }
0xdb: {  	[tilespmem:$0xED30] =	vst v4  }
0xdc: {  	v4 =	vld [tilespmem:s11+$0x10];
	_ =	sdelay $0x4  }
0xdd: {  	[tilespmem:$0xEDB0] =	vst v4  }
0xde: {  	v4 =	vld [tilespmem:s10+$0x20];
	_ =	sdelay $0x4  }
0xdf: {  	[tilespmem:$0xED40] =	vst v4  }
0xe0: {  	v4 =	vld [tilespmem:s11+$0x20];
	_ =	sdelay $0x4  }
0xe1: {  	[tilespmem:$0xEDC0] =	vst v4  }
0xe2: {  	[tilespmem:s29], [sflag:$0x1] =	stream.indirect.gather [hbm4b:s2+s1], $0x80, s0, s1, $0xb8;
	[tilespmem:$0x1F600] =	vst v63  }
0xe3: {  	p0 =	sne.s32 s12, $0x1;
	_ =	swait.ge [sflag:s31], $0x2800  }
.Ltmp5:
0xe4: {  	[sflag:s31] =	ssyncset.done $0x0;
	(pc) =	sbr.rel @!p0 .LBB2_8-.Ltmp5, $4  }
0xe5: {  	[sflag:s31] =	ssyncadd.s32 $0xFFFFD800  }
0xe6: {  	[spmem:s3] =	stream.indirect.scatter.add.f32 [tilespmem:s29], [sflag:$0x2], $0x80, s5, s1, $0xb8;
	[tilespmem:$0x1F600] =	vst v63  }
0xe7: {  	_ =	swait.ge [sflag:s28], $0x2800  }
0xe8: {  	s12 =	sadd.s32 $0xFFFFFFFF, s12;
	[sflag:s28] =	ssyncset.done $0x0  }
.LBB2_7:
0xe9: {  	[sflag:s28] =	ssyncadd.s32 $0xFFFFD800;
	s10 =	sadd.s32 $0x50, s10;
	s11 =	sadd.s32 $0x50, s11  }
0xea: {  	p0 =	sne.s32 s12, $0x1;
	s12 =	sadd.s32 $0xFFFFFFFF, s12;
	v4 =	vld [tilespmem:s10+$0xFFFFFFE0];
	_ =	sdelay $0x4  }
0xeb: {  	[tilespmem:$0xED00] =	vst v4  }
0xec: {  	v4 =	vld [tilespmem:s11+$0xFFFFFFE0];
	_ =	sdelay $0x4  }
0xed: {  	[tilespmem:$0xED80] =	vst v4  }
0xee: {  	v4 =	vld [tilespmem:s10+$0xFFFFFFF0];
	_ =	sdelay $0x4  }
0xef: {  	[tilespmem:$0xED10] =	vst v4  }
0xf0: {  	v4 =	vld [tilespmem:s11+$0xFFFFFFF0];
	_ =	sdelay $0x4  }
0xf1: {  	[tilespmem:$0xED90] =	vst v4  }
0xf2: {  	v4 =	vld [tilespmem:s10+$0x0];
	_ =	sdelay $0x4  }
0xf3: {  	[tilespmem:$0xED20] =	vst v4  }
0xf4: {  	v4 =	vld [tilespmem:s11+$0x0];
	_ =	sdelay $0x4  }
0xf5: {  	[tilespmem:$0xEDA0] =	vst v4  }
0xf6: {  	v4 =	vld [tilespmem:s10+$0x10];
	_ =	sdelay $0x4  }
0xf7: {  	[tilespmem:$0xED30] =	vst v4  }
0xf8: {  	v4 =	vld [tilespmem:s11+$0x10];
	_ =	sdelay $0x4  }
0xf9: {  	[tilespmem:$0xEDB0] =	vst v4  }
0xfa: {  	v4 =	vld [tilespmem:s10+$0x20];
	_ =	sdelay $0x4  }
0xfb: {  	[tilespmem:$0xED40] =	vst v4  }
0xfc: {  	v4 =	vld [tilespmem:s11+$0x20];
	_ =	sdelay $0x4  }
0xfd: {  	[tilespmem:$0xEDC0] =	vst v4  }
0xfe: {  	[tilespmem:s29], [sflag:$0x1] =	stream.indirect.gather [hbm4b:s2+s1], $0x80, s0, s1, $0xb8;
	[tilespmem:$0x1F600] =	vst v63  }
0xff: {  	_ =	swait.ge [sflag:s31], $0x2800  }
.Ltmp6:
0x100: {  	[sflag:s31] =	ssyncset.done $0x0;
	(pc) =	sbr.rel @p0 .LBB2_7-.Ltmp6, $4  }
0x101: {  	[sflag:s31] =	ssyncadd.s32 $0xFFFFD800  }
0x102: {  	[spmem:s3] =	stream.indirect.scatter.add.f32 [tilespmem:s29], [sflag:$0x2], $0x80, s5, s1, $0xb8;
	[tilespmem:$0x1F600] =	vst v63  }
0x103: {  	_ =	swait.ge [sflag:s28], $0x2800  }
0x104: {  	[sflag:s28] =	ssyncset.done $0x0  }
.LBB2_8:
0x105: {  	[sflag:s28] =	ssyncadd.s32 $0xFFFFD800  }
.LBB2_9:
0x106: {  	[bflag:$0x0] =	sbarrier.arrive $0xFFFF  }
0x107: {  	[tilespmem:s6], [sflag:$0x2] =	stream.linear.gather [spmem:s7], $0x2000, $0x38;
	[tilespmem:$0x1F600] =	vst v63  }
0x108: {  	_ =	swait.ge [sflag:s28], $0x2000  }
0x109: {  	[sflag:s28] =	ssyncset.done $0x0  }
0x10a: {  	s10 =	rddreg [dreg:$0x7];
	[sflag:s28] =	ssyncadd.s32 $0xFFFFE000  }
0x10b: {  	[hbm4b:s10+s4] =	stream.linear.scatter [tilespmem:s6], [sflag:$0x2], $0x2000, $0x38;
	[tilespmem:$0x1F600] =	vst v63  }
0x10c: {  	_ =	swait.ge [sflag:s28], $0x2000  }
0x10d: {  	[sflag:s28] =	ssyncset.done $0x0  }
0x10e: {  	[sflag:s28] =	ssyncadd.s32 $0xFFFFE000  }
0x10f: {  	[tilespmem:s6], [sflag:$0x2] =	stream.linear.gather [spmem:s22], $0x2000, $0x38;
	[tilespmem:$0x1F600] =	vst v63  }
0x110: {  	_ =	swait.ge [sflag:s28], $0x2000  }
0x111: {  	[sflag:s28] =	ssyncset.done $0x0  }
0x112: {  	s11 =	rddreg [dreg:$0x8];
	[sflag:s28] =	ssyncadd.s32 $0xFFFFE000  }
0x113: {  	[hbm4b:s11+s4] =	stream.linear.scatter [tilespmem:s6], [sflag:$0x2], $0x2000, $0x38;
	[tilespmem:$0x1F600] =	vst v63  }
0x114: {  	_ =	swait.ge [sflag:s28], $0x2000  }
0x115: {  	[sflag:s28] =	ssyncset.done $0x0  }
0x116: {  	[sflag:s28] =	ssyncadd.s32 $0xFFFFE000  }
0x117: {  	[tilespmem:s6], [sflag:$0x2] =	stream.linear.gather [spmem:s23], $0x2000, $0x38;
	[tilespmem:$0x1F600] =	vst v63  }
0x118: {  	_ =	swait.ge [sflag:s28], $0x2000  }
0x119: {  	[sflag:s28] =	ssyncset.done $0x0  }
0x11a: {  	s12 =	rddreg [dreg:$0x9];
	[sflag:s28] =	ssyncadd.s32 $0xFFFFE000  }
0x11b: {  	[hbm4b:s12+s4] =	stream.linear.scatter [tilespmem:s6], [sflag:$0x2], $0x2000, $0x38;
	[tilespmem:$0x1F600] =	vst v63  }
0x11c: {  	_ =	swait.ge [sflag:s28], $0x2000  }
0x11d: {  	[sflag:s28] =	ssyncset.done $0x0  }
0x11e: {  	[sflag:s28] =	ssyncadd.s32 $0xFFFFE000  }
0x11f: {  	[tilespmem:s6], [sflag:$0x2] =	stream.linear.gather [spmem:s24], $0x2000, $0x38;
	[tilespmem:$0x1F600] =	vst v63  }
0x120: {  	_ =	swait.ge [sflag:s28], $0x2000  }
0x121: {  	[sflag:s28] =	ssyncset.done $0x0  }
0x122: {  	s13 =	rddreg [dreg:$0xa];
	[sflag:s28] =	ssyncadd.s32 $0xFFFFE000  }
0x123: {  	[hbm4b:s13+s4] =	stream.linear.scatter [tilespmem:s6], [sflag:$0x2], $0x2000, $0x38;
	[tilespmem:$0x1F600] =	vst v63  }
0x124: {  	_ =	swait.ge [sflag:s28], $0x2000  }
0x125: {  	[sflag:s28] =	ssyncset.done $0x0  }
0x126: {  	[sflag:s28] =	ssyncadd.s32 $0xFFFFE000  }
0x127: {  	[tilespmem:s6], [sflag:$0x2] =	stream.linear.gather [spmem:s25], $0x2000, $0x38;
	[tilespmem:$0x1F600] =	vst v63  }
0x128: {  	_ =	swait.ge [sflag:s28], $0x2000  }
0x129: {  	[sflag:s28] =	ssyncset.done $0x0  }
0x12a: {  	[sflag:s28] =	ssyncadd.s32 $0xFFFFE000  }
0x12b: {  	[hbm4b:s14+s4] =	stream.linear.scatter [tilespmem:s6], [sflag:$0x2], $0x2000, $0x38;
	[tilespmem:$0x1F600] =	vst v63  }
0x12c: {  	_ =	swait.ge [sflag:s28], $0x2000  }
0x12d: {  	[sflag:s28] =	ssyncset.done $0x0  }
0x12e: {  	[sflag:s28] =	ssyncadd.s32 $0xFFFFE000  }
0x12f: {  	[bflag:$0x0] =	sbarrier.arrive $0xFFFF  }
0x130: {  	[spmem:s7] =	stream.linear.scatter [tilespmem:s30], [sflag:$0x2], $0x2000, $0x38;
	[tilespmem:$0x1F600] =	vst v63  }
0x131: {  	_ =	swait.ge [sflag:s28], $0x2000  }
0x132: {  	[sflag:s28] =	ssyncset.done $0x0  }
0x133: {  	[sflag:s28] =	ssyncadd.s32 $0xFFFFE000  }
0x134: {  	[spmem:s9] =	stream.linear.scatter [tilespmem:s30], [sflag:$0x2], $0x2000, $0x38;
	[tilespmem:$0x1F600] =	vst v63  }
0x135: {  	_ =	swait.ge [sflag:s28], $0x2000  }
0x136: {  	[sflag:s28] =	ssyncset.done $0x0  }
0x137: {  	[sflag:s28] =	ssyncadd.s32 $0xFFFFE000  }
0x138: {  	[spmem:s17] =	stream.linear.scatter [tilespmem:s30], [sflag:$0x2], $0x2000, $0x38;
	[tilespmem:$0x1F600] =	vst v63  }
0x139: {  	_ =	swait.ge [sflag:s28], $0x2000  }
0x13a: {  	[sflag:s28] =	ssyncset.done $0x0  }
0x13b: {  	[sflag:s28] =	ssyncadd.s32 $0xFFFFE000  }
0x13c: {  	[spmem:s21] =	stream.linear.scatter [tilespmem:s30], [sflag:$0x2], $0x2000, $0x38;
	[tilespmem:$0x1F600] =	vst v63  }
0x13d: {  	_ =	swait.ge [sflag:s28], $0x2000  }
0x13e: {  	[sflag:s28] =	ssyncset.done $0x0  }
0x13f: {  	[sflag:s28] =	ssyncadd.s32 $0xFFFFE000  }
0x140: {  	[spmem:s26] =	stream.linear.scatter [tilespmem:s30], [sflag:$0x2], $0x2000, $0x38;
	[tilespmem:$0x1F600] =	vst v63  }
0x141: {  	_ =	swait.ge [sflag:s28], $0x2000  }
0x142: {  	[sflag:s28] =	ssyncset.done $0x0  }
0x143: {  	[sflag:s28] =	ssyncadd.s32 $0xFFFFE000  }
0x144: {  	[bflag:$0x0] =	sbarrier.arrive $0xFFFF  }
0x145: {  	s10 =	sld [smem:$0x1];
	_ =	sdelay $0x2  }
0x146: {  	s11 =	sadd.s32 $0x4F, s10  }
0x147: {  	s12 =	smulhi.u32 $0x66666667, s11;
	s13 =	sshra.s32 s11, $0x1F  }
0x148: {  	s13 =	smul.u32 $0x66666667, s13;
	_ =	sdelay $0x1  }
0x149: {  	s12 =	sadd.s32 s13, s12  }
0x14a: {  	s13 =	sshrl.u32 s12, $0x1F;
	s12 =	sshra.s32 s12, $0x5  }
0x14b: {  	s12 =	sadd.s32 s13, s12  }
0x14c: {  	s13 =	smul.u32 $0xFFFFFFB0, s12  }
0x14d: {  	s10 =	ssub.s32 $0xFFFFFFB1, s10  }
0x14e: {  	p0 =	slt.s32 s11, $0x1;
	p1 =	sne.s32 s13, s10  }
0x14f: {  	p0 =	por !p0, !p1  }
0x150: {  	s10 =	simm.s32 $0x1;
	p0 =	por !p0, !p0  }
0x151: {  	s10 =	simm.s32 @!p0 $0x0  }
0x152: {  	s12 =	ssub.s32 s12, s10  }
0x153: {  	p0 =	slt.s32 s12, $0x1  }
.Ltmp7:
0x154: {  	_ = 	snop;
	(pc) =	sbr.rel @p0 .LBB2_13-.Ltmp7, $1  }
0x155: {  	_ =	sdelay $0x3  }
0x156: {  	s10 =	simm.s32 $0x9E20  }
0x157: {  	v4 =	vld [tilespmem:s10+$0xFFFFFFE0];
	_ =	sdelay $0x4  }
0x158: {  	s11 =	simm.s32 $0xC5A0;
	[tilespmem:$0xED00] =	vst v4  }
0x159: {  	v4 =	vld [tilespmem:s11+$0xFFFFFFE0];
	_ =	sdelay $0x4  }
0x15a: {  	[tilespmem:$0xED80] =	vst v4  }
0x15b: {  	v4 =	vld [tilespmem:s10+$0xFFFFFFF0];
	_ =	sdelay $0x4  }
0x15c: {  	[tilespmem:$0xED10] =	vst v4  }
0x15d: {  	v4 =	vld [tilespmem:s11+$0xFFFFFFF0];
	_ =	sdelay $0x4  }
0x15e: {  	[tilespmem:$0xED90] =	vst v4  }
0x15f: {  	v4 =	vld [tilespmem:s10+$0x0];
	_ =	sdelay $0x4  }
0x160: {  	[tilespmem:$0xED20] =	vst v4  }
0x161: {  	v4 =	vld [tilespmem:s11+$0x0];
	_ =	sdelay $0x4  }
0x162: {  	[tilespmem:$0xEDA0] =	vst v4  }
0x163: {  	v4 =	vld [tilespmem:s10+$0x10];
	_ =	sdelay $0x4  }
0x164: {  	[tilespmem:$0xED30] =	vst v4  }
0x165: {  	v4 =	vld [tilespmem:s11+$0x10];
	_ =	sdelay $0x4  }
0x166: {  	[tilespmem:$0xEDB0] =	vst v4  }
0x167: {  	v4 =	vld [tilespmem:s10+$0x20];
	_ =	sdelay $0x4  }
0x168: {  	[tilespmem:$0xED40] =	vst v4  }
0x169: {  	v4 =	vld [tilespmem:s11+$0x20];
	_ =	sdelay $0x4  }
0x16a: {  	[tilespmem:$0xEDC0] =	vst v4  }
0x16b: {  	[tilespmem:s29], [sflag:$0x1] =	stream.indirect.gather [hbm4b:s2+s1], $0x80, s0, s1, $0xb8;
	[tilespmem:$0x1F600] =	vst v63  }
0x16c: {  	p0 =	sne.s32 s12, $0x1;
	_ =	swait.ge [sflag:s31], $0x2800  }
.Ltmp8:
0x16d: {  	[sflag:s31] =	ssyncset.done $0x0;
	(pc) =	sbr.rel @!p0 .LBB2_12-.Ltmp8, $4  }
0x16e: {  	[sflag:s31] =	ssyncadd.s32 $0xFFFFD800  }
0x16f: {  	[spmem:s3] =	stream.indirect.scatter.add.f32 [tilespmem:s29], [sflag:$0x2], $0x80, s5, s1, $0xb8;
	[tilespmem:$0x1F600] =	vst v63  }
0x170: {  	_ =	swait.ge [sflag:s28], $0x2800  }
0x171: {  	s12 =	sadd.s32 $0xFFFFFFFF, s12;
	[sflag:s28] =	ssyncset.done $0x0  }
.LBB2_11:
0x172: {  	[sflag:s28] =	ssyncadd.s32 $0xFFFFD800;
	s10 =	sadd.s32 $0x50, s10;
	s11 =	sadd.s32 $0x50, s11  }
0x173: {  	p0 =	sne.s32 s12, $0x1;
	s12 =	sadd.s32 $0xFFFFFFFF, s12;
	v4 =	vld [tilespmem:s10+$0xFFFFFFE0];
	_ =	sdelay $0x4  }
0x174: {  	[tilespmem:$0xED00] =	vst v4  }
0x175: {  	v4 =	vld [tilespmem:s11+$0xFFFFFFE0];
	_ =	sdelay $0x4  }
0x176: {  	[tilespmem:$0xED80] =	vst v4  }
0x177: {  	v4 =	vld [tilespmem:s10+$0xFFFFFFF0];
	_ =	sdelay $0x4  }
0x178: {  	[tilespmem:$0xED10] =	vst v4  }
0x179: {  	v4 =	vld [tilespmem:s11+$0xFFFFFFF0];
	_ =	sdelay $0x4  }
0x17a: {  	[tilespmem:$0xED90] =	vst v4  }
0x17b: {  	v4 =	vld [tilespmem:s10+$0x0];
	_ =	sdelay $0x4  }
0x17c: {  	[tilespmem:$0xED20] =	vst v4  }
0x17d: {  	v4 =	vld [tilespmem:s11+$0x0];
	_ =	sdelay $0x4  }
0x17e: {  	[tilespmem:$0xEDA0] =	vst v4  }
0x17f: {  	v4 =	vld [tilespmem:s10+$0x10];
	_ =	sdelay $0x4  }
0x180: {  	[tilespmem:$0xED30] =	vst v4  }
0x181: {  	v4 =	vld [tilespmem:s11+$0x10];
	_ =	sdelay $0x4  }
0x182: {  	[tilespmem:$0xEDB0] =	vst v4  }
0x183: {  	v4 =	vld [tilespmem:s10+$0x20];
	_ =	sdelay $0x4  }
0x184: {  	[tilespmem:$0xED40] =	vst v4  }
0x185: {  	v4 =	vld [tilespmem:s11+$0x20];
	_ =	sdelay $0x4  }
0x186: {  	[tilespmem:$0xEDC0] =	vst v4  }
0x187: {  	[tilespmem:s29], [sflag:$0x1] =	stream.indirect.gather [hbm4b:s2+s1], $0x80, s0, s1, $0xb8;
	[tilespmem:$0x1F600] =	vst v63  }
0x188: {  	_ =	swait.ge [sflag:s31], $0x2800  }
.Ltmp9:
0x189: {  	[sflag:s31] =	ssyncset.done $0x0;
	(pc) =	sbr.rel @p0 .LBB2_11-.Ltmp9, $4  }
0x18a: {  	[sflag:s31] =	ssyncadd.s32 $0xFFFFD800  }
0x18b: {  	[spmem:s3] =	stream.indirect.scatter.add.f32 [tilespmem:s29], [sflag:$0x2], $0x80, s5, s1, $0xb8;
	[tilespmem:$0x1F600] =	vst v63  }
0x18c: {  	_ =	swait.ge [sflag:s28], $0x2800  }
0x18d: {  	[sflag:s28] =	ssyncset.done $0x0  }
.Ltmp10:
0x18e: {  	_ = 	snop;
	(pc) =	sbr.rel .LBB2_12-.Ltmp10, $1  }
0x18f: {  	_ =	sdelay $0x3  }
.LBB2_14:
0x190: {  	_ =	sfence.sel $0x180000  }
0x191: {  	[bflag:$0x0] =	sbarrier.arrive $0xFFFF  }
0x192: {  	_ =	strace $0x9000004D  }
0x193: {  	s0 =	stileid.u32;
	[bflag:$0x2] =	sbarrier.arrive $0xFFFF  }
0x194: {  	p0 =	sne.s32 s0, $0x0;
	s0 =	rddreg [dreg:$0x3]  }
0x195: {  	s0 =	sadd.s32 @!p0 $0x100000, s0  }
0x196: {  	[sflag:s0] =	ssyncadd.tile.s32 @!p0 $0x1;
	_ =	shalt  }
.Lfunc_end2:
_tile_overlayer_lowered:
.L_overlay_start_2:
0x197: {  	(tag) =	ssettag $0x2  }
0x198: {  	s0 =	rddreg [dreg:$0x0];
	s2 =	stileid.u32  }
0x199: {  	s1 =	rddreg [dreg:$0x1];
	p0 =	sne.s32 s2, $0x0  }
0x19a: {  	s3 =	rddreg [dreg:$0x2];
	[bflag:$0x3] =	sbarrier.arrive $0xFFFF;
	s2 =	simm.s32 @!p0 $0x1C02  }
0x19b: {  	[timem:s3], [sflag:s2] =	dma.local @!p0 [hbm:s0], s1  }
0x19c: {  	s0 =	simm.s32 @!p0 $0x2  }
0x19d: {  	_ =	swait.ge @!p0 [sflag:s0], s1  }
0x19e: {  	s1 =	ssub.s32 @!p0 $0x0, s1;
	[sflag:s0] =	ssyncset.done @!p0 $0x0  }
0x19f: {  	[sflag:s0] =	ssyncadd.s32 @!p0 s1  }
0x1a0: {  	[bflag:$0x3] =	sbarrier.arrive $0xFFFF  }
0x1a1: {  	_ =	shalt  }

// kernel: kernel.8.cloned.1.call-start
scs
__scs_entry_jumppad:
0x0: {  	(pc) =	sbr.rel $0x88, $3  }
0x1: {  	(tag) =	ssettag $0x0;
	lr =	simm.s32 $0x1  }
0x2: {  	[smem:$0x3F9B] =	sst lr;
	_ =	strace $0xD0000000  }
0x3: {  	_ = 	snop  }
0x4: {  	_ = 	snop  }
0x5: {  	_ = 	snop  }
0x6: {  	_ = 	snop  }
0x7: {  	_ = 	snop  }
__scs_overlays_trampoline_lowered:
0x8: {  	[smem:$0x3FAA] =	sst s0  }
0x9: {  	[smem:$0x3FAB] =	sst s1  }
0xa: {  	[smem:$0x3FAC] =	sst s2  }
0xb: {  	[smem:$0x3FAD] =	sst s3  }
0xc: {  	[smem:$0x3FAE] =	sst s4  }
0xd: {  	[smem:$0x3FAF] =	sst s5  }
0xe: {  	[smem:$0x3FB0] =	sst s6  }
0xf: {  	[smem:$0x3FB1] =	sst s7  }
0x10: {  	[smem:$0x3FB2] =	sst s8  }
0x11: {  	[smem:$0x3FB3] =	sst s9;
	s0 =	simm.s32 @!p0 $0x0  }
0x12: {  	s1 =	sld [smem:$0x3F99];
	s0 =	simm.s32 @p0 $0x1  }
0x13: {  	[smem:$0x3FB4] =	sst s0;
	s0 =	simm.s32 @!p1 $0x0  }
0x14: {  	s2 =	sld [smem:$0x3F98];
	s0 =	simm.s32 @p1 $0x1  }
0x15: {  	[smem:$0x3FB5] =	sst s0;
	s0 =	simm.s32 @!p2 $0x0  }
0x16: {  	s3 =	sld [smem:$0x3FDB];
	s0 =	simm.s32 @p2 $0x1  }
0x17: {  	s4 =	simm.s32 $0x1BF5;
	[smem:$0x3FB7] =	sst s0  }
0x18: {  	s0 =	sld [smem:$0x3F9A];
	_ =	swait.ge [sflag:s4], $0x0  }
0x19: {  	s7 =	sld [smem:$0x3F9B]  }
0x1a: {  	s8 =	sadd.s32 $0xFFFFE003, lr  }
0x1b: {  	s9 =	sadd.s32 $0xFFFFFEF7, lr;
	s5 =	simm.s32 $0xFFFFFFFF;
	p2 =	slt.u32 s8, $0xFFFFF086  }
0x1c: {  	p1 =	slt.u32 s9, $0xF7A;
	s5 =	simm.s32 @!p2 $0x0  }
0x1d: {  	s5 =	simm.s32 @p1 $0x1;
	p0 =	seq.s32 s7, s2  }
0x1e: {  	s7 =	smul.u32 @!p0 $0xF7A, s2;
	p2 =	seq.s32 @!p0 s5, $0x0  }
0x1f: {  	s9 =	smul.u32 $0xF7A, s1;
	s8 =	simm.s32 @!p0 $0x1BF5;
	p2 =	por !p2, p0  }
0x20: {  	[sflag:s8] =	ssyncset.s32 @!p0 $0xFFFFF086;
	s6 =	sadd.s32 @!p0 s3, s7;
	s7 =	simm.s32 @!p0 $0x108  }
0x21: {  	s3 =	sadd.s32 s3, s9;
	s6 =	sadd.s32 @!p0 $0x88, s6;
	s7 =	simm.s32 @p2 $0x1082  }
0x22: {  	[simem:s7], [sflag:s8] =	dma.local @!p0 [hbm:s6], $0xF7A  }
0x23: {  	s9 =	sor.u32 $0xD0000000, s2;
	s6 =	simm.s32 $0x108;
	_ =	swait.ge @!p0 [sflag:s8], $0x0  }
0x24: {  	s3 =	sadd.s32 $0x88, s3;
	s6 =	simm.s32 @!p1 $0x1082;
	[sflag:s4] =	ssyncset.s32 $0xFFFFF086  }
0x25: {  	[simem:s6], [sflag:s4] =	dma.local [hbm:s3], $0xF7A  }
0x26: {  	[smem:$0x3F9B] =	sst s1;
	(tag) =	ssettag s2;
	_ =	strace s9  }
0x27: {  	s1 =	sld [smem:$0x3FAB]  }
0x28: {  	s2 =	sld [smem:$0x3FAC]  }
0x29: {  	s4 =	sld [smem:$0x3FAE]  }
0x2a: {  	p0 =	seq.s32 s5, $0x0;
	s5 =	sld [smem:$0x3FAF]  }
0x2b: {  	s6 =	sld [smem:$0x3FB0]  }
0x2c: {  	s7 =	sld [smem:$0x3FB1]  }
0x2d: {  	s3 =	simm.s32 $0x108;
	s8 =	sld [smem:$0x3FB2]  }
0x2e: {  	s3 =	simm.s32 @!p0 $0x1082;
	s9 =	sld [smem:$0x3FB3]  }
0x2f: {  	lr =	sadd.s32 s0, s3;
	s0 =	sld [smem:$0x3FAA]  }
0x30: {  	s3 =	sld [smem:$0x3FAD]  }
0x31: {  	[smem:$0x3FB6] =	sst s10  }
0x32: {  	s10 =	sld [smem:$0x3FB4];
	_ =	sdelay $0x3  }
0x33: {  	p0 =	seq.s32 s10, $0x1;
	s10 =	sld [smem:$0x3FB6];
	_ =	sdelay $0x3  }
0x34: {  	[smem:$0x3FB6] =	sst s10  }
0x35: {  	s10 =	sld [smem:$0x3FB5];
	_ =	sdelay $0x3  }
0x36: {  	p1 =	seq.s32 s10, $0x1;
	s10 =	sld [smem:$0x3FB6];
	_ =	sdelay $0x3  }
0x37: {  	[smem:$0x3FB6] =	sst s10  }
0x38: {  	s10 =	sld [smem:$0x3FB7]  }
0x39: {  	_ = 	snop;
	(pc) =	sbr.ind lr, $3  }
0x3a: {  	_ = 	snop  }
0x3b: {  	_ = 	snop  }
0x3c: {  	p2 =	seq.s32 s10, $0x1;
	s10 =	sld [smem:$0x3FB6]  }
0x3d: {  	_ =	shalt  }
0x3e: {  	_ =	shalt  }
0x3f: {  	_ =	shalt  }
0x40: {  	_ =	shalt  }
0x41: {  	_ =	shalt  }
0x42: {  	_ =	shalt  }
0x43: {  	_ =	shalt  }
0x44: {  	_ =	shalt  }
0x45: {  	_ =	shalt  }
0x46: {  	_ =	shalt  }
0x47: {  	_ =	shalt  }
0x48: {  	_ =	shalt  }
0x49: {  	_ =	shalt  }
0x4a: {  	_ =	shalt  }
0x4b: {  	_ =	shalt  }
0x4c: {  	_ =	shalt  }
0x4d: {  	_ =	shalt  }
0x4e: {  	_ =	shalt  }
0x4f: {  	_ =	shalt  }
0x50: {  	_ =	shalt  }
0x51: {  	_ =	shalt  }
0x52: {  	_ =	shalt  }
0x53: {  	_ =	shalt  }
0x54: {  	_ =	shalt  }
0x55: {  	_ =	shalt  }
0x56: {  	_ =	shalt  }
0x57: {  	_ =	shalt  }
0x58: {  	_ =	shalt  }
0x59: {  	_ =	shalt  }
0x5a: {  	_ =	shalt  }
0x5b: {  	_ =	shalt  }
0x5c: {  	_ =	shalt  }
0x5d: {  	_ =	shalt  }
0x5e: {  	_ =	shalt  }
0x5f: {  	_ =	shalt  }
0x60: {  	_ =	shalt  }
0x61: {  	_ =	shalt  }
0x62: {  	_ =	shalt  }
0x63: {  	_ =	shalt  }
0x64: {  	_ =	shalt  }
0x65: {  	_ =	shalt  }
0x66: {  	_ =	shalt  }
0x67: {  	_ =	shalt  }
0x68: {  	_ =	shalt  }
0x69: {  	_ =	shalt  }
0x6a: {  	_ =	shalt  }
0x6b: {  	_ =	shalt  }
0x6c: {  	_ =	shalt  }
0x6d: {  	_ =	shalt  }
0x6e: {  	_ =	shalt  }
0x6f: {  	_ =	shalt  }
0x70: {  	_ =	shalt  }
0x71: {  	_ =	shalt  }
0x72: {  	_ =	shalt  }
0x73: {  	_ =	shalt  }
0x74: {  	_ =	shalt  }
0x75: {  	_ =	shalt  }
0x76: {  	_ =	shalt  }
0x77: {  	_ =	shalt  }
0x78: {  	_ =	shalt  }
0x79: {  	_ =	shalt  }
0x7a: {  	_ =	shalt  }
0x7b: {  	_ =	shalt  }
0x7c: {  	_ =	shalt  }
0x7d: {  	_ =	shalt  }
0x7e: {  	_ =	shalt  }
0x7f: {  	_ =	shalt  }
0x80: {  	_ =	shalt  }
0x81: {  	_ =	shalt  }
0x82: {  	_ =	shalt  }
0x83: {  	_ =	shalt  }
0x84: {  	_ =	shalt  }
0x85: {  	_ =	shalt  }
0x86: {  	_ =	shalt  }
0x87: {  	_ =	shalt  }
.Lfunc_end0:
.L_simem_size_0:
called_computation_lowered:
.L_overlay_start_0:
0x88: {  	s2 =	sld [smem:$0x3FD9]  }
0x89: {  	s3 =	sld [smem:$0x3FFE];
	_ =	sdelay $0x1  }
0x8a: {  	s1 =	srdreg.scid  }
0x8b: {  	s0 =	sand.u32 $0x1, s1  }
0x8c: {  	s17 =	sshll.u32 s0, $0xA;
	s2 =	sadd.s32 s3, s2  }
0x8d: {  	s2 =	sadd.s32 s2, s17  }
0x8e: {  	[smem:$0x3FC2] =	sst s2  }
0x8f: {  	_ = 	snop  }
0x90: {  	s2 =	sld [smem:$0x3FD0];
	(tm) =	ssettm $0x1  }
0x91: {  	s18 =	sld [smem:$0x3FFB];
	_ =	sdelay $0x3  }
0x92: {  	_ =	strace s18  }
0x93: {  	s3 =	sld [smem:$0x3FFC];
	_ =	sdelay $0x3  }
0x94: {  	_ =	strace s3  }
0x95: {  	s3 =	sld [smem:$0x3FFD];
	_ =	sdelay $0x3  }
0x96: {  	_ =	strace s3  }
0x97: {  	_ =	strace $0x8FFFFFFF  }
0x98: {  	s19 =	sld [smem:$0x3FDB];
	_ =	sdelay $0x1  }
0x99: {  	s4 =	simm.s32 $_scs_section_size  }
0x9a: {  	s5 =	simm.s32 $_size__tile_overlayer_lowered;
	s6 =	simm.s32 $_tile_overlayer_lowered  }
0x9b: {  	s22 =	simm.s32 $0x1BFF;
	s21 =	sshll.u32 s6, $0x1;
	s3 =	sadd.s32 s4, s19  }
0x9c: {  	s7 =	simm.s32 $0x0;
	s20 =	sshll.u32 s5, $0x1;
	s5 =	sadd.s32 s21, s3  }
0x9d: {  	[timem:s7], [sflag:s22] =	dma.local [hbm:s5], s20  }
0x9e: {  	_ =	swait.ge [sflag:s22], s20  }
0x9f: {  	s4 =	ssub.s32 $0x0, s20;
	[sflag:s22] =	ssyncset.done $0x0  }
0xa0: {  	[sflag:s22] =	ssyncadd.s32 s4;
	_ =	sdelay $0x1  }
0xa1: {  	s23 =	simm.s32 $0x1B8B  }
0xa2: {  	_ =	swait.ge [sflag:s23], $0x1  }
0xa3: {  	[sflag:s23] =	ssyncset.done $0x0  }
0xa4: {  	s25 =	simm.s32 $0x1B8E;
	s24 =	sld [smem:$0x3FFE];
	[sflag:s23] =	ssyncadd.s32 $0xFFFFFFFF  }
0xa5: {  	s26 =	simm.s32 $execute0_lowered;
	[smem:$0x3FD2] =	sst s25  }
0xa6: {  	s5 =	sshll.u32 s26, $0x1;
	_ =	strace $0x80000046;
	[dreg:$0x1] =	wrdreg $0xFFFFFFFF  }
0xa7: {  	s28 =	simm.s32 $_size_execute0_lowered;
	s3 =	sadd.s32 s3, s5;
	[dreg:$0x0] =	wrdreg $0x0  }
0xa8: {  	s5 =	sshll.u32 s28, $0x1;
	[dreg:$0x2] =	wrdreg s3  }
0xa9: {  	[dreg:$0x3] =	wrdreg s5  }
0xaa: {  	[dreg:$0x4] =	wrdreg $0xC0  }
0xab: {  	_ =	task [dreg:s7], $0x5FFFF  }
0xac: {  	[dreg:$0x1] =	wrdreg $0xFFFFFFFF  }
0xad: {  	[dreg:$0x0] =	wrdreg $0x60  }
0xae: {  	[dreg:$0x2] =	wrdreg s24  }
0xaf: {  	[dreg:$0x3] =	wrdreg s2  }
0xb0: {  	[dreg:$0x4] =	wrdreg $0x9  }
0xb1: {  	_ =	task.clear_ibuf [dreg:s7], $0x5FFFF;
	_ =	strace $0x90000046  }
0xb2: {  	s29 =	simm.s32 $0x9;
	_ =	strace $0x80000048  }
0xb3: {  	_ =	swait.ge [sflag:s29], $0x1  }
0xb4: {  	[sflag:s29] =	ssyncadd.s32 $0xFFFFFFFF  }
0xb5: {  	_ =	strace $0x90000048  }
0xb6: {  	_ =	sfence  }
0xb7: {  	s30 =	sld [smem:$0x0];
	_ =	sdelay $0x2  }
0xb8: {  	s31 =	sshll.u32 s1, $0xD;
	s1 =	sshrl.u32 s1, $0x2  }
0xb9: {  	s3 =	sand.u32 $0x4000, s31;
	s1 =	sadd.s32 s1, s30  }
0xba: {  	s0 =	sor.u32 s3, s0;
	s1 =	sshll.u32 s1, $0x11  }
0xbb: {  	s0 =	sor.u32 s1, s0  }
0xbc: {  	s0 =	sadd.s32 $0x8F2B, s0  }
0xbd: {  	[sflag:s0] =	ssyncadd.remote.s32 $0x1  }
0xbe: {  	_ =	sfence.sel $0xFFFF  }
0xbf: {  	[dreg:$0x0] =	wrdreg $0xFFFFFFFF;
	(pc) =	sbr.abs _section_cstart, $3  }
0xc0: {  	[dreg:$0x1] =	wrdreg $0xFFFFFFFF  }
0xc1: {  	_ =	task.clear_ibuf [dreg:s7], $0x2FFFF;
	_ =	strace $0x9FFFFFFF  }
0xc2: {  	(tm) =	ssettm $0x7FFFFFFF  }
0xc3: {  	_ =	shalt  }
tec
execute0_lowered:
.L_overlay_start_1:
0x0: {  	(tag) =	ssettag $0x1  }
0x1: {  	s0 =	srdreg.scid;
	s4 =	rddreg [dreg:$0x0]  }
0x2: {  	s5 =	rddreg [dreg:$0x1];
	s2 =	simm.s32 $0x0;
	s3 =	sand.u32 $0x1, s0  }
0x3: {  	s9 =	simm.s32 $0x2780;
	s0 =	stileid.u32;
	s1 =	sshll.u32 s3, $0x4  }
0x4: {  	s10 =	simm.s32 $0x4F00;
	s11 =	simm.s32 $0x7680;
	s6 =	sor.u32 s0, s1  }
0x5: {  	s12 =	simm.s32 $0x0;
	[smem:$0x7FF] =	sst s2;
	s7 =	smul.u32 $0x4E2, s6  }
0x6: {  	s3 =	ssub.s32 $0x2, s3;
	s1 =	rddreg [dreg:$0x2];
	s6 =	smul.u32 $0x2710, s6  }
0x7: {  	_ =	strace $0x80000047;
	s8 =	sshrl.u32 s3, $0x1;
	s4 =	sadd.s32 s7, s4  }
0x8: {  	s8 =	ssub.s32 s3, s8;
	s6 =	sshrl.u32 s6, $0x3;
	s3 =	sadd.s32 $0xBE00, s4  }
0x9: {  	s6 =	sadd.s32 s5, s6;
	s4 =	sadd.s32 $0x2000, s4;
	s5 =	sadd.s32 s5, s7  }
0xa: {  	v0 =	vimm.f32 $0.0e+00;
	v1 =	vimm.f32 $1.000000000e+00;
	s7 =	smax.u32 s8, $0x1;
	s8 =	simm.s32 $0x1;
	s6 =	sadd.s32 $0x9C40, s6  }
.LBB2_1:
0xb: {  	[tilespmem:s2], [sflag:$0x1] =	stream.linear.gather [hbm4b:s3+s2], $0x2710, $0x38;
	[tilespmem:$0x9E00] =	vst v63  }
0xc: {  	_ =	swait.ge [sflag:s8], $0x2710  }
0xd: {  	[sflag:s8] =	ssyncset.done $0x0  }
0xe: {  	[sflag:s8] =	ssyncadd.s32 $0xFFFFD8F0  }
0xf: {  	[tilespmem:s9], [sflag:$0x1] =	stream.linear.gather [hbm4b:s4+s2], $0x2710, $0x38;
	[tilespmem:$0x9E00] =	vst v63  }
0x10: {  	_ =	swait.ge [sflag:s8], $0x2710  }
0x11: {  	[sflag:s8] =	ssyncset.done $0x0  }
0x12: {  	s13 =	simm.s32 $0x0;
	[sflag:s8] =	ssyncadd.s32 $0xFFFFD8F0  }
.LBB2_2:
0x13: {  	p0 =	sne.s32 s13, $0x9C00  }
.Ltmp0:
0x14: {  	_ = 	snop;
	(pc) =	sbr.rel @p0 .LBB2_2-.Ltmp0, $4  }
0x15: {  	_ = 	snop  }
0x16: {  	s14 =	sshra.s32 s13, $0x2  }
0x17: {  	[tilespmem:s14+$0x4F00] =	vst v0  }
0x18: {  	s13 =	sadd.s32 $0x40, s13;
	[tilespmem:s14+$0x7680] =	vst v0  }
0x19: {  	s14 =	simm.s32 $0x0;
	s13 =	simm.s32 $0x40  }
.LBB2_4:
0x1a: {  	p0 =	sne.s32 s13, $0x9C00;
	v2 =	vld [tilespmem:s14+$0x0];
	_ =	sdelay $0x7  }
0x1b: {  	[tilespmem:v2+s10+$0x0] =	vst.idx.add.f32.msk $0xffff, v1  }
0x1c: {  	v2 =	vld [tilespmem:s14+$0x2780];
	_ =	sdelay $0x3  }
.Ltmp1:
0x1d: {  	(pc) =	sbr.rel @p0 .LBB2_4-.Ltmp1, $2  }
0x1e: {  	_ =	sdelay $0x2  }
0x1f: {  	s14 =	sshra.s32 s13, $0x2;
	s13 =	sadd.s32 $0x40, s13;
	[tilespmem:v2+s11+$0x0] =	vst.idx.add.f32.msk $0xffff, v1  }
0x20: {  	v2 =	vld [tilespmem:s14+$0x0];
	_ =	sdelay $0x7  }
0x21: {  	[tilespmem:v2+s10+$0x0] =	vst.idx.add.f32.msk $0xffff, v1  }
0x22: {  	v2 =	vld [tilespmem:s14+$0x2780];
	_ =	sdelay $0x7  }
0x23: {  	[tilespmem:v2+s11+$0x0] =	vst.idx.add.f32.msk $0xffff, v1  }
0x24: {  	[hbm4b:s5+s2] =	stream.linear.scatter [tilespmem:s10], [sflag:$0x1], $0x2710, $0x38;
	[tilespmem:$0x9E00] =	vst v63  }
0x25: {  	s12 =	sadd.s32 $0x1, s12;
	_ =	swait.ge [sflag:s8], $0x2710  }
0x26: {  	p0 =	sne.s32 s12, s7;
	[sflag:s8] =	ssyncset.done $0x0  }
.Ltmp2:
0x27: {  	[sflag:s8] =	ssyncadd.s32 $0xFFFFD8F0;
	(pc) =	sbr.rel @p0 .LBB2_1-.Ltmp2, $4  }
0x28: {  	[hbm4b:s6+s2] =	stream.linear.scatter [tilespmem:s11], [sflag:$0x1], $0x2710, $0x38;
	[tilespmem:$0x9E00] =	vst v63  }
0x29: {  	_ =	swait.ge [sflag:s8], $0x2710  }
0x2a: {  	[sflag:s8] =	ssyncset.done $0x0  }
0x2b: {  	[sflag:s8] =	ssyncadd.s32 $0xFFFFD8F0  }
0x2c: {  	_ =	sfence.sel $0x180000  }
0x2d: {  	[bflag:$0x0] =	sbarrier.arrive $0xFFFF  }
0x2e: {  	p0 =	sne.s32 s0, $0x0;
	_ =	strace $0x90000047  }
0x2f: {  	s0 =	sadd.s32 @!p0 $0x100000, s1;
	[bflag:$0x2] =	sbarrier.arrive $0xFFFF  }
0x30: {  	[sflag:s0] =	ssyncadd.tile.s32 @!p0 $0x1;
	_ =	shalt  }
.Lfunc_end2:
_tile_overlayer_lowered:
.L_overlay_start_2:
0x31: {  	(tag) =	ssettag $0x2  }
0x32: {  	s0 =	rddreg [dreg:$0x0];
	s2 =	stileid.u32  }
0x33: {  	s1 =	rddreg [dreg:$0x1];
	p0 =	sne.s32 s2, $0x0  }
0x34: {  	s3 =	rddreg [dreg:$0x2];
	[bflag:$0x3] =	sbarrier.arrive $0xFFFF;
	s2 =	simm.s32 @!p0 $0x1C01  }
0x35: {  	[timem:s3], [sflag:s2] =	dma.local @!p0 [hbm:s0], s1  }
0x36: {  	s0 =	simm.s32 @!p0 $0x1  }
0x37: {  	_ =	swait.ge @!p0 [sflag:s0], s1  }
0x38: {  	s1 =	ssub.s32 @!p0 $0x0, s1;
	[sflag:s0] =	ssyncset.done @!p0 $0x0  }
0x39: {  	[sflag:s0] =	ssyncadd.s32 @!p0 s1  }
0x3a: {  	[bflag:$0x3] =	sbarrier.arrive $0xFFFF  }
0x3b: {  	_ =	shalt  }

</sc_bundles>
